<compile_context>
chip_gen: v7x
topology: tpu7x:2x2x1
jax: 0.10.2.dev20260603
libtpu: 0.0.44.dev20260713+nightly
codegen_flags: <defaults>
</compile_context>

<pallas_src>
import functools

import jax
import jax.numpy as jnp
from jax import lax
from jax.experimental import pallas as pl
from jax.experimental.pallas import tpu as pltpu
from jax.experimental.pallas import tpu_sc as plsc

N = 10000
D = 128
HD = D // 2
E = 320000

NC = 2
NS = 16
NW = NC * NS
LANES = 16

NP = 10112
RPT = NP // NS
K = 128
CPT = 160
E_PAD = NS * CPT * K
EWT = CPT * K
NBUF = 2
NG = CPT // NBUF

EW_S = E_PAD // NW
CH_S = EW_S // K

_mesh = plsc.VectorSubcoreMesh(core_axis_name="c", subcore_axis_name="s")
_sc_params = pltpu.CompilerParams(needs_layout_passes=False,
                                  use_tc_tiling_on_sc=False)


@functools.partial(
    pl.kernel,
    out_type=jax.ShapeDtypeStruct((NW, NP), jnp.float32),
    mesh=_mesh,
    scratch_types=[
        pltpu.VMEM((EW_S,), jnp.int32),
        pltpu.VMEM((EW_S,), jnp.int32),
        pltpu.VMEM((NP,), jnp.float32),
        pltpu.VMEM((NP,), jnp.float32),
    ],
    compiler_params=_sc_params,
)
def _sc_scalar(table_hbm, src_hbm, dst_hbm, out_hbm,
               src_v, dst_v, table_v, acc_v):
    c = lax.axis_index("c")
    s = lax.axis_index("s")
    wid = s * NC + c
    z16 = jnp.zeros((LANES,), jnp.float32)

    def zero_blk(i, _):
        acc_v[pl.ds(i * LANES, LANES)] = z16
        return 0

    lax.fori_loop(0, NP // LANES, zero_blk, 0)
    pltpu.sync_copy(table_hbm, table_v)
    base = wid * EW_S
    pltpu.sync_copy(src_hbm.at[pl.ds(base, EW_S)], src_v)
    pltpu.sync_copy(dst_hbm.at[pl.ds(base, EW_S)], dst_v)

    def chunk(j, _):
        for i in range(K // LANES):
            o = j * K + i * LANES
            sv = src_v[pl.ds(o, LANES)]
            dv = dst_v[pl.ds(o, LANES)]
            vals = plsc.load_gather(table_v, [sv])
            plsc.addupdate_scatter(acc_v, [dv], vals)
        return 0

    lax.fori_loop(0, CH_S, chunk, 0)
    pltpu.sync_copy(acc_v, out_hbm.at[wid])


@functools.partial(
    pl.kernel,
    out_type=jax.ShapeDtypeStruct((NC, NP, HD), jnp.float32),
    mesh=_mesh,
    scratch_types=[
        pltpu.VMEM((EWT,), jnp.int32),
        [pltpu.VMEM((K,), jnp.int32) for _ in range(NBUF)],
        [pltpu.VMEM((K, HD), jnp.float32) for _ in range(NBUF)],
        pltpu.VMEM_SHARED((NP, HD), jnp.float32),
        pltpu.VMEM_SHARED((NP, HD), jnp.float32),
        pltpu.SemaphoreType.DMA((NBUF,)),
        pltpu.SemaphoreType.DMA((NBUF,)),
        pltpu.SemaphoreType.DMA((NBUF,)),
    ],
    compiler_params=_sc_params,
)
def _sc_rows(y_hbm, src_hbm, dst_hbm, out_hbm,
             src_v, dst_bufs, row_bufs, y_sh, acc_sh, dsem, gsem, ssem):
    c = lax.axis_index("c")
    s = lax.axis_index("s")
    base = s * EWT
    rows = pl.ds(s * RPT, RPT)
    z16 = jnp.zeros((LANES,), jnp.float32)

    def zero_row(i, _):
        for j in range(HD // LANES):
            row_bufs[0][i, pl.ds(j * LANES, LANES)] = z16
        return 0

    lax.fori_loop(0, K, zero_row, 0)
    pltpu.sync_copy(y_hbm.at[c, rows], y_sh.at[rows])
    for k in range(RPT // K):
        pltpu.sync_copy(row_bufs[0],
                        acc_sh.at[pl.ds(s * RPT + k * K, K)])
    if RPT % K:
        pltpu.sync_copy(row_bufs[0].at[pl.ds(0, RPT % K)],
                        acc_sh.at[pl.ds(s * RPT + (RPT // K) * K, RPT % K)])
    pltpu.sync_copy(src_hbm.at[pl.ds(base, EWT)], src_v)
    plsc.subcore_barrier()

    def start_chunk(cix, b):
        pltpu.async_copy(dst_hbm.at[pl.ds(base + cix * K, K)],
                         dst_bufs[b], dsem.at[b])
        pltpu.async_copy(y_sh.at[src_v.at[pl.ds(cix * K, K)]],
                         row_bufs[b], gsem.at[b])

    for b in range(NBUF):
        start_chunk(b, b)

    def group(i, _):
        for b in range(NBUF):
            cix = i * NBUF + b
            pltpu.make_async_copy(dst_hbm.at[pl.ds(base + cix * K, K)],
                                  dst_bufs[b], dsem.at[b]).wait()
            pltpu.make_async_copy(y_sh.at[src_v.at[pl.ds(cix * K, K)]],
                                  row_bufs[b], gsem.at[b]).wait()
            pltpu.async_copy(row_bufs[b], acc_sh.at[dst_bufs[b]],
                             ssem.at[b], add=True)
        for b in range(NBUF):
            pltpu.make_async_copy(row_bufs[b], acc_sh.at[dst_bufs[b]],
                                  ssem.at[b]).wait()

            @pl.when(i < NG - 1)
            def _():
                start_chunk((i + 1) * NBUF + b, b)
        return 0

    lax.fori_loop(0, NG, group, 0)
    plsc.subcore_barrier()
    pltpu.sync_copy(acc_sh.at[rows], out_hbm.at[c, rows])


def _col_sum(parts, ones_col):
    return lax.dot_general(parts, ones_col, (((0,), (0,)), ((), ())),
                           preferred_element_type=jnp.float32)


def _tc1_body(parts_ref, ones_ref, x_ref, w_ref, dinv_ref, y_ref):
    deg = _col_sum(parts_ref[...], ones_ref[...]) + 1.0
    dinv = lax.rsqrt(deg)
    dinv_ref[...] = dinv
    xw = jnp.dot(x_ref[...], w_ref[...], preferred_element_type=jnp.float32)
    y = xw * dinv
    y_ref[0] = y[:, :HD]
    y_ref[1] = y[:, HD:]


def _tc_mid_body(acc_ref, y_ref, dinv_ref, b_ref, w_ref, out_ref):
    dinv = dinv_ref[...]
    agg = jnp.concatenate([acc_ref[0] + y_ref[0], acc_ref[1] + y_ref[1]],
                          axis=1)
    h = jnp.maximum(dinv * agg + b_ref[...], 0.0)
    out = jnp.dot(h, w_ref[...], preferred_element_type=jnp.float32) * dinv
    if out_ref.ndim == 3:
        out_ref[0] = out[:, :HD]
        out_ref[1] = out[:, HD:]
    else:
        out_ref[...] = out


def _tc_out_body(parts_ref, ones_ref, y3_ref, dinv_ref, b3_ref, out_ref):
    a = _col_sum(parts_ref[...], ones_ref[...]) + y3_ref[...]
    out_ref[...] = jax.nn.sigmoid(dinv_ref[...] * a + b3_ref[...])


def kernel(x, edge_index, W1, b1, W2, b2, W3, b3):
    f32 = jnp.float32
    src = jnp.concatenate([edge_index[0],
                           jnp.zeros((E_PAD - E,), jnp.int32)])
    dst = jnp.concatenate([edge_index[1],
                           jnp.full((E_PAD - E,), N, jnp.int32)])
    xp = jnp.zeros((NP, D), f32).at[:N].set(x)

    ones_t = jnp.ones((NP,), f32)
    ones_col = jnp.ones((NW, 1), f32)

    deg_parts = _sc_scalar(ones_t, src, dst)

    dinv, y1 = pl.pallas_call(
        _tc1_body,
        out_shape=[jax.ShapeDtypeStruct((NP, 1), f32),
                   jax.ShapeDtypeStruct((NC, NP, HD), f32)],
    )(deg_parts, ones_col, xp, W1)

    acc1 = _sc_rows(y1, src, dst)
    y2 = pl.pallas_call(
        _tc_mid_body,
        out_shape=jax.ShapeDtypeStruct((NC, NP, HD), f32),
    )(acc1, y1, dinv, b1.reshape(1, D), W2)

    acc2 = _sc_rows(y2, src, dst)
    y3 = pl.pallas_call(
        _tc_mid_body,
        out_shape=jax.ShapeDtypeStruct((NP, 1), f32),
    )(acc2, y2, dinv, b2.reshape(1, D), W3)

    acc3_parts = _sc_scalar(y3.reshape(NP), src, dst)
    out = pl.pallas_call(
        _tc_out_body,
        out_shape=jax.ShapeDtypeStruct((NP, 1), f32),
    )(acc3_parts, ones_col, y3, dinv, b3.reshape(1, 1))
    return out[:N]

# --- scband reference (transcript-rebuilt; emitter-appended) ---
"""Pipeline reference for scband-gcn-3layer-6889127543167 (READ-ONLY COPY).

The authoritative reference and input builder live on the scoring server;
editing this copy changes nothing except your own understanding.
"""

import jax, jax.numpy as jnp
import numpy as np

N = 10000
E = 320000
D = 128
H = 128
C = 1


def setup_inputs(seed: int = 0) -> dict:
    key = jax.random.key(seed)
    ks = jax.random.split(key, 10)
    x = jax.random.normal(ks[0], (N, D), dtype=jnp.float32)
    edge_index = jax.random.randint(ks[1], (2, E), 0, N, dtype=jnp.int32)
    # GCNConv layer parameters (glorot-style scale)
    W1 = jax.random.normal(ks[2], (D, H), dtype=jnp.float32) * (1.0 / np.sqrt(D))
    b1 = jnp.zeros((H,), dtype=jnp.float32)
    W2 = jax.random.normal(ks[3], (H, H), dtype=jnp.float32) * (1.0 / np.sqrt(H))
    b2 = jnp.zeros((H,), dtype=jnp.float32)
    W3 = jax.random.normal(ks[4], (H, C), dtype=jnp.float32) * (1.0 / np.sqrt(H))
    b3 = jnp.zeros((C,), dtype=jnp.float32)
    return {"x": x, "edge_index": edge_index, "W1": W1, "b1": b1, "W2": W2, "b2": b2, "W3": W3, "b3": b3}


def gcn_conv(x, edge_index, W, b):
    # PyG GCNConv: add self-loops, symmetric normalization, linear transform, scatter-add aggregate, bias
    src = edge_index[0]
    dst = edge_index[1]
    loop = jnp.arange(N, dtype=edge_index.dtype)
    src = jnp.concatenate([src, loop])
    dst = jnp.concatenate([dst, loop])
    deg = jnp.zeros((N,), dtype=jnp.float32).at[dst].add(1.0)
    dinv = jnp.where(deg > 0, jax.lax.rsqrt(deg), 0.0)
    norm = dinv[src] * dinv[dst]
    xw = x @ W
    msg = jnp.take(xw, src, axis=0) * norm[:, None]
    out = jnp.zeros((N, W.shape[1]), dtype=jnp.float32).at[dst].add(msg)
    return out + b


def reference(x, edge_index, W1, b1, W2, b2, W3, b3):
    h = gcn_conv(x, edge_index, W1, b1)
    h = jax.nn.relu(h)
    # dropout p=0.4 is identity in eval mode (self.training=False)
    h = gcn_conv(h, edge_index, W2, b2)
    h = jax.nn.relu(h)
    h = gcn_conv(h, edge_index, W3, b3)
    return jax.nn.sigmoid(h)

if __name__ == "__main__":
    import jax
    _d = setup_inputs()
    print(jax.jit(kernel)(*tuple(_d.values())))

</pallas_src>

<mosaic_0001>
#map = affine_map<(d0, d1) -> (0, 0, 0)>
#map1 = affine_map<(d0, d1) -> (0)>
module attributes {stable_mosaic.version = 14 : i64} {
  func.func @_sc_rows(%arg0: i32, %arg1: i32, %arg2: memref<2x10112x64xf32, #tpu.memory_space<hbm>>, %arg3: memref<327680xi32, #tpu.memory_space<hbm>>, %arg4: memref<327680xi32, #tpu.memory_space<hbm>>, %arg5: memref<2x10112x64xf32, #tpu.memory_space<hbm>>, %arg6: memref<20480xi32, #tpu.memory_space<vmem>>, %arg7: memref<128xi32, #tpu.memory_space<vmem>>, %arg8: memref<128xi32, #tpu.memory_space<vmem>>, %arg9: memref<128x64xf32, #tpu.memory_space<vmem>>, %arg10: memref<128x64xf32, #tpu.memory_space<vmem>>, %arg11: memref<10112x64xf32, #tpu.memory_space<vmem_shared>>, %arg12: memref<10112x64xf32, #tpu.memory_space<vmem_shared>>, %arg13: memref<2x!tpu.dma_semaphore, #tpu.memory_space<semaphore_mem>>, %arg14: memref<2x!tpu.dma_semaphore, #tpu.memory_space<semaphore_mem>>, %arg15: memref<2x!tpu.dma_semaphore, #tpu.memory_space<semaphore_mem>>) attributes {dimension_semantics = [#tpu.dimension_semantics<core_parallel>, #tpu.dimension_semantics<subcore_parallel>], iteration_bounds = array<i64: 2, 16>, scalar_prefetch = 0 : i64, scratch_operands = 10 : i64, tpu.core_type = #tpu.core_type<sc_vector_subcore>, window_params = [{transform_indices = #map}, {transform_indices = #map1}, {transform_indices = #map1}, {transform_indices = #map}]} {
    %mul3A = arith.constant 20480 : i32
    %mul3A_0 = arith.muli %arg1, %mul3A : i32
    %mul3A_1 = arith.constant 632 : i32
    %mul3A_2 = arith.muli %arg1, %mul3A_1 : i32
    %broadcast_in_dim3A = arith.constant 0.000000e+00 : f32
    %broadcast_in_dim3A_3 = vector.broadcast %broadcast_in_dim3A : f32 to vector<16xf32>
    %scan3A = arith.constant 0 : i32
    %scan3A_4 = arith.constant 0 : i32
    %scan3A_5 = arith.constant 128 : i32
    %scan3A_6 = arith.addi %scan3A_4, %scan3A_5 : i32
    %scan3A_7 = arith.constant 1 : i32
    %scan3A_8 = scf.for %scan3A_66 = %scan3A_4 to %scan3A_6 step %scan3A_7 iter_args(%scan3A_67 = %scan3A) -> (i32)  : i32 {
      %swap3A = arith.index_cast %scan3A_66 : i32 to index
      %swap3A_68 = arith.constant 0 : index
      %swap3A_69 = tpu.vector_load %arg9[%swap3A, %swap3A_68] {strides = array<i32>} : memref<128x64xf32, #tpu.memory_space<vmem>>, vector<16xf32>,
      tpu.vector_store %arg9[%swap3A, %swap3A_68], %broadcast_in_dim3A_3 {strides = array<i32>} : memref<128x64xf32, #tpu.memory_space<vmem>>, vector<16xf32>,
      %swap3A_70 = arith.index_cast %scan3A_66 : i32 to index
      %swap3A_71 = arith.constant 16 : index
      %swap3A_72 = tpu.vector_load %arg9[%swap3A_70, %swap3A_71] {strides = array<i32>} : memref<128x64xf32, #tpu.memory_space<vmem>>, vector<16xf32>,
      tpu.vector_store %arg9[%swap3A_70, %swap3A_71], %broadcast_in_dim3A_3 {strides = array<i32>} : memref<128x64xf32, #tpu.memory_space<vmem>>, vector<16xf32>,
      %swap3A_73 = arith.index_cast %scan3A_66 : i32 to index
      %swap3A_74 = arith.constant 32 : index
      %swap3A_75 = tpu.vector_load %arg9[%swap3A_73, %swap3A_74] {strides = array<i32>} : memref<128x64xf32, #tpu.memory_space<vmem>>, vector<16xf32>,
      tpu.vector_store %arg9[%swap3A_73, %swap3A_74], %broadcast_in_dim3A_3 {strides = array<i32>} : memref<128x64xf32, #tpu.memory_space<vmem>>, vector<16xf32>,
      %swap3A_76 = arith.index_cast %scan3A_66 : i32 to index
      %swap3A_77 = arith.constant 48 : index
      %swap3A_78 = tpu.vector_load %arg9[%swap3A_76, %swap3A_77] {strides = array<i32>} : memref<128x64xf32, #tpu.memory_space<vmem>>, vector<16xf32>,
      tpu.vector_store %arg9[%swap3A_76, %swap3A_77], %broadcast_in_dim3A_3 {strides = array<i32>} : memref<128x64xf32, #tpu.memory_space<vmem>>, vector<16xf32>,
      %scan3A_79 = arith.constant 0 : i32
      scf.yield %scan3A_79 : i32
    }
    %scan3A_9 = arith.constant 128 : i32
    "tpu.region"() ({
      %run_scoped3A = tpu.sem_alloc : memref<!tpu.dma_semaphore, #tpu.memory_space<semaphore_mem>>
      %dma_start3A_66 = arith.constant 0 : i32
      %dma_start3A_67 = tpu.memref_slice %arg11[%mul3A_2, %dma_start3A_66] : memref<10112x64xf32, #tpu.memory_space<vmem_shared>> -> memref<632x64xf32, #tpu.memory_space<vmem_shared>>
      %dma_start3A_68 = arith.constant 0 : i32
      %dma_start3A_69 = tpu.memref_slice %arg2[%arg0, %mul3A_2, %dma_start3A_68] : memref<2x10112x64xf32, #tpu.memory_space<hbm>> -> memref<1x632x64xf32, #tpu.memory_space<hbm>>
      %dma_start3A_70 = tpu.memref_squeeze %dma_start3A_69 : memref<1x632x64xf32, #tpu.memory_space<hbm>> -> memref<632x64xf32, #tpu.memory_space<hbm>>
      tpu.enqueue_dma source(%dma_start3A_70 : memref<632x64xf32, #tpu.memory_space<hbm>>) target(%dma_start3A_67 : memref<632x64xf32, #tpu.memory_space<vmem_shared>>) target_semaphore(%run_scoped3A : memref<!tpu.dma_semaphore, #tpu.memory_space<semaphore_mem>>)
      %dma_wait3A = arith.constant 0 : i32
      %dma_wait3A_71 = tpu.memref_slice %arg11[%mul3A_2, %dma_wait3A] : memref<10112x64xf32, #tpu.memory_space<vmem_shared>> -> memref<632x64xf32, #tpu.memory_space<vmem_shared>>
      %dma_wait3A_72 = arith.constant 0 : i32
      %dma_wait3A_73 = tpu.memref_slice %arg2[%arg0, %mul3A_2, %dma_wait3A_72] : memref<2x10112x64xf32, #tpu.memory_space<hbm>> -> memref<1x632x64xf32, #tpu.memory_space<hbm>>
      %dma_wait3A_74 = tpu.memref_squeeze %dma_wait3A_73 : memref<1x632x64xf32, #tpu.memory_space<hbm>> -> memref<632x64xf32, #tpu.memory_space<hbm>>
      tpu.wait_dma2 semaphore(%run_scoped3A : memref<!tpu.dma_semaphore, #tpu.memory_space<semaphore_mem>>) src(%dma_wait3A_74 : memref<632x64xf32, #tpu.memory_space<hbm>>) dst(%dma_wait3A_71 : memref<632x64xf32, #tpu.memory_space<vmem_shared>>)
      tpu.yield
    }) : () -> ()
    %mul3A_10 = arith.constant 632 : i32
    %mul3A_11 = arith.muli %arg1, %mul3A_10 : i32
    %add3A = arith.constant 0 : i32
    %add3A_12 = arith.addi %mul3A_11, %add3A : i32
    "tpu.region"() ({
      %run_scoped3A = tpu.sem_alloc : memref<!tpu.dma_semaphore, #tpu.memory_space<semaphore_mem>>
      %dma_start3A_66 = arith.constant 0 : i32
      %dma_start3A_67 = tpu.memref_slice %arg12[%add3A_12, %dma_start3A_66] : memref<10112x64xf32, #tpu.memory_space<vmem_shared>> -> memref<128x64xf32, #tpu.memory_space<vmem_shared>>
      %dma_start3A_68 = arith.constant 0 : i32
      %dma_start3A_69 = tpu.memref_slice %arg12[%add3A_12, %dma_start3A_68] : memref<10112x64xf32, #tpu.memory_space<vmem_shared>> -> memref<128x64xf32, #tpu.memory_space<vmem_shared>>
      tpu.enqueue_dma source(%arg9 : memref<128x64xf32, #tpu.memory_space<vmem>>) target(%dma_start3A_69 : memref<128x64xf32, #tpu.memory_space<vmem_shared>>) target_semaphore(%run_scoped3A : memref<!tpu.dma_semaphore, #tpu.memory_space<semaphore_mem>>)
      %dma_wait3A = arith.constant 0 : i32
      %dma_wait3A_70 = tpu.memref_slice %arg12[%add3A_12, %dma_wait3A] : memref<10112x64xf32, #tpu.memory_space<vmem_shared>> -> memref<128x64xf32, #tpu.memory_space<vmem_shared>>
      %dma_wait3A_71 = arith.constant 0 : i32
      %dma_wait3A_72 = tpu.memref_slice %arg12[%add3A_12, %dma_wait3A_71] : memref<10112x64xf32, #tpu.memory_space<vmem_shared>> -> memref<128x64xf32, #tpu.memory_space<vmem_shared>>
      tpu.wait_dma2 semaphore(%run_scoped3A : memref<!tpu.dma_semaphore, #tpu.memory_space<semaphore_mem>>) src(%arg9 : memref<128x64xf32, #tpu.memory_space<vmem>>) dst(%dma_wait3A_72 : memref<128x64xf32, #tpu.memory_space<vmem_shared>>)
      tpu.yield
    }) : () -> ()
    %mul3A_13 = arith.constant 632 : i32
    %mul3A_14 = arith.muli %arg1, %mul3A_13 : i32
    %add3A_15 = arith.constant 128 : i32
    %add3A_16 = arith.addi %mul3A_14, %add3A_15 : i32
    "tpu.region"() ({
      %run_scoped3A = tpu.sem_alloc : memref<!tpu.dma_semaphore, #tpu.memory_space<semaphore_mem>>
      %dma_start3A_66 = arith.constant 0 : i32
      %dma_start3A_67 = tpu.memref_slice %arg12[%add3A_16, %dma_start3A_66] : memref<10112x64xf32, #tpu.memory_space<vmem_shared>> -> memref<128x64xf32, #tpu.memory_space<vmem_shared>>
      %dma_start3A_68 = arith.constant 0 : i32
      %dma_start3A_69 = tpu.memref_slice %arg12[%add3A_16, %dma_start3A_68] : memref<10112x64xf32, #tpu.memory_space<vmem_shared>> -> memref<128x64xf32, #tpu.memory_space<vmem_shared>>
      tpu.enqueue_dma source(%arg9 : memref<128x64xf32, #tpu.memory_space<vmem>>) target(%dma_start3A_69 : memref<128x64xf32, #tpu.memory_space<vmem_shared>>) target_semaphore(%run_scoped3A : memref<!tpu.dma_semaphore, #tpu.memory_space<semaphore_mem>>)
      %dma_wait3A = arith.constant 0 : i32
      %dma_wait3A_70 = tpu.memref_slice %arg12[%add3A_16, %dma_wait3A] : memref<10112x64xf32, #tpu.memory_space<vmem_shared>> -> memref<128x64xf32, #tpu.memory_space<vmem_shared>>
      %dma_wait3A_71 = arith.constant 0 : i32
      %dma_wait3A_72 = tpu.memref_slice %arg12[%add3A_16, %dma_wait3A_71] : memref<10112x64xf32, #tpu.memory_space<vmem_shared>> -> memref<128x64xf32, #tpu.memory_space<vmem_shared>>
      tpu.wait_dma2 semaphore(%run_scoped3A : memref<!tpu.dma_semaphore, #tpu.memory_space<semaphore_mem>>) src(%arg9 : memref<128x64xf32, #tpu.memory_space<vmem>>) dst(%dma_wait3A_72 : memref<128x64xf32, #tpu.memory_space<vmem_shared>>)
      tpu.yield
    }) : () -> ()
    %mul3A_17 = arith.constant 632 : i32
    %mul3A_18 = arith.muli %arg1, %mul3A_17 : i32
    %add3A_19 = arith.constant 256 : i32
    %add3A_20 = arith.addi %mul3A_18, %add3A_19 : i32
    "tpu.region"() ({
      %run_scoped3A = tpu.sem_alloc : memref<!tpu.dma_semaphore, #tpu.memory_space<semaphore_mem>>
      %dma_start3A_66 = arith.constant 0 : i32
      %dma_start3A_67 = tpu.memref_slice %arg12[%add3A_20, %dma_start3A_66] : memref<10112x64xf32, #tpu.memory_space<vmem_shared>> -> memref<128x64xf32, #tpu.memory_space<vmem_shared>>
      %dma_start3A_68 = arith.constant 0 : i32
      %dma_start3A_69 = tpu.memref_slice %arg12[%add3A_20, %dma_start3A_68] : memref<10112x64xf32, #tpu.memory_space<vmem_shared>> -> memref<128x64xf32, #tpu.memory_space<vmem_shared>>
      tpu.enqueue_dma source(%arg9 : memref<128x64xf32, #tpu.memory_space<vmem>>) target(%dma_start3A_69 : memref<128x64xf32, #tpu.memory_space<vmem_shared>>) target_semaphore(%run_scoped3A : memref<!tpu.dma_semaphore, #tpu.memory_space<semaphore_mem>>)
      %dma_wait3A = arith.constant 0 : i32
      %dma_wait3A_70 = tpu.memref_slice %arg12[%add3A_20, %dma_wait3A] : memref<10112x64xf32, #tpu.memory_space<vmem_shared>> -> memref<128x64xf32, #tpu.memory_space<vmem_shared>>
      %dma_wait3A_71 = arith.constant 0 : i32
      %dma_wait3A_72 = tpu.memref_slice %arg12[%add3A_20, %dma_wait3A_71] : memref<10112x64xf32, #tpu.memory_space<vmem_shared>> -> memref<128x64xf32, #tpu.memory_space<vmem_shared>>
      tpu.wait_dma2 semaphore(%run_scoped3A : memref<!tpu.dma_semaphore, #tpu.memory_space<semaphore_mem>>) src(%arg9 : memref<128x64xf32, #tpu.memory_space<vmem>>) dst(%dma_wait3A_72 : memref<128x64xf32, #tpu.memory_space<vmem_shared>>)
      tpu.yield
    }) : () -> ()
    %mul3A_21 = arith.constant 632 : i32
    %mul3A_22 = arith.muli %arg1, %mul3A_21 : i32
    %add3A_23 = arith.constant 384 : i32
    %add3A_24 = arith.addi %mul3A_22, %add3A_23 : i32
    "tpu.region"() ({
      %run_scoped3A = tpu.sem_alloc : memref<!tpu.dma_semaphore, #tpu.memory_space<semaphore_mem>>
      %dma_start3A_66 = arith.constant 0 : i32
      %dma_start3A_67 = tpu.memref_slice %arg12[%add3A_24, %dma_start3A_66] : memref<10112x64xf32, #tpu.memory_space<vmem_shared>> -> memref<128x64xf32, #tpu.memory_space<vmem_shared>>
      %dma_start3A_68 = arith.constant 0 : i32
      %dma_start3A_69 = tpu.memref_slice %arg12[%add3A_24, %dma_start3A_68] : memref<10112x64xf32, #tpu.memory_space<vmem_shared>> -> memref<128x64xf32, #tpu.memory_space<vmem_shared>>
      tpu.enqueue_dma source(%arg9 : memref<128x64xf32, #tpu.memory_space<vmem>>) target(%dma_start3A_69 : memref<128x64xf32, #tpu.memory_space<vmem_shared>>) target_semaphore(%run_scoped3A : memref<!tpu.dma_semaphore, #tpu.memory_space<semaphore_mem>>)
      %dma_wait3A = arith.constant 0 : i32
      %dma_wait3A_70 = tpu.memref_slice %arg12[%add3A_24, %dma_wait3A] : memref<10112x64xf32, #tpu.memory_space<vmem_shared>> -> memref<128x64xf32, #tpu.memory_space<vmem_shared>>
      %dma_wait3A_71 = arith.constant 0 : i32
      %dma_wait3A_72 = tpu.memref_slice %arg12[%add3A_24, %dma_wait3A_71] : memref<10112x64xf32, #tpu.memory_space<vmem_shared>> -> memref<128x64xf32, #tpu.memory_space<vmem_shared>>
      tpu.wait_dma2 semaphore(%run_scoped3A : memref<!tpu.dma_semaphore, #tpu.memory_space<semaphore_mem>>) src(%arg9 : memref<128x64xf32, #tpu.memory_space<vmem>>) dst(%dma_wait3A_72 : memref<128x64xf32, #tpu.memory_space<vmem_shared>>)
      tpu.yield
    }) : () -> ()
    %mul3A_25 = arith.constant 632 : i32
    %mul3A_26 = arith.muli %arg1, %mul3A_25 : i32
    %add3A_27 = arith.constant 512 : i32
    %add3A_28 = arith.addi %mul3A_26, %add3A_27 : i32
    "tpu.region"() ({
      %run_scoped3A = tpu.sem_alloc : memref<!tpu.dma_semaphore, #tpu.memory_space<semaphore_mem>>
      %dma_start3A_66 = arith.constant 0 : i32
      %dma_start3A_67 = arith.constant 0 : i32
      %dma_start3A_68 = tpu.memref_slice %arg9[%dma_start3A_66, %dma_start3A_67] : memref<128x64xf32, #tpu.memory_space<vmem>> -> memref<120x64xf32, #tpu.memory_space<vmem>>
      %dma_start3A_69 = arith.constant 0 : i32
      %dma_start3A_70 = tpu.memref_slice %arg12[%add3A_28, %dma_start3A_69] : memref<10112x64xf32, #tpu.memory_space<vmem_shared>> -> memref<120x64xf32, #tpu.memory_space<vmem_shared>>
      %dma_start3A_71 = arith.constant 0 : i32
      %dma_start3A_72 = tpu.memref_slice %arg12[%add3A_28, %dma_start3A_71] : memref<10112x64xf32, #tpu.memory_space<vmem_shared>> -> memref<120x64xf32, #tpu.memory_space<vmem_shared>>
      %dma_start3A_73 = arith.constant 0 : i32
      %dma_start3A_74 = arith.constant 0 : i32
      %dma_start3A_75 = tpu.memref_slice %arg9[%dma_start3A_73, %dma_start3A_74] : memref<128x64xf32, #tpu.memory_space<vmem>> -> memref<120x64xf32, #tpu.memory_space<vmem>>
      tpu.enqueue_dma source(%dma_start3A_75 : memref<120x64xf32, #tpu.memory_space<vmem>>) target(%dma_start3A_72 : memref<120x64xf32, #tpu.memory_space<vmem_shared>>) target_semaphore(%run_scoped3A : memref<!tpu.dma_semaphore, #tpu.memory_space<semaphore_mem>>)
      %dma_wait3A = arith.constant 0 : i32
      %dma_wait3A_76 = arith.constant 0 : i32
      %dma_wait3A_77 = tpu.memref_slice %arg9[%dma_wait3A, %dma_wait3A_76] : memref<128x64xf32, #tpu.memory_space<vmem>> -> memref<120x64xf32, #tpu.memory_space<vmem>>
      %dma_wait3A_78 = arith.constant 0 : i32
      %dma_wait3A_79 = tpu.memref_slice %arg12[%add3A_28, %dma_wait3A_78] : memref<10112x64xf32, #tpu.memory_space<vmem_shared>> -> memref<120x64xf32, #tpu.memory_space<vmem_shared>>
      %dma_wait3A_80 = arith.constant 0 : i32
      %dma_wait3A_81 = tpu.memref_slice %arg12[%add3A_28, %dma_wait3A_80] : memref<10112x64xf32, #tpu.memory_space<vmem_shared>> -> memref<120x64xf32, #tpu.memory_space<vmem_shared>>
      %dma_wait3A_82 = arith.constant 0 : i32
      %dma_wait3A_83 = arith.constant 0 : i32
      %dma_wait3A_84 = tpu.memref_slice %arg9[%dma_wait3A_82, %dma_wait3A_83] : memref<128x64xf32, #tpu.memory_space<vmem>> -> memref<120x64xf32, #tpu.memory_space<vmem>>
      tpu.wait_dma2 semaphore(%run_scoped3A : memref<!tpu.dma_semaphore, #tpu.memory_space<semaphore_mem>>) src(%dma_wait3A_84 : memref<120x64xf32, #tpu.memory_space<vmem>>) dst(%dma_wait3A_81 : memref<120x64xf32, #tpu.memory_space<vmem_shared>>)
      tpu.yield
    }) : () -> ()
    "tpu.region"() ({
      %run_scoped3A = tpu.sem_alloc : memref<!tpu.dma_semaphore, #tpu.memory_space<semaphore_mem>>
      %dma_start3A_66 = tpu.memref_slice %arg3[%mul3A_0] : memref<327680xi32, #tpu.memory_space<hbm>> -> memref<20480xi32, #tpu.memory_space<hbm>>
      %dma_start3A_67 = tpu.memref_slice %arg3[%mul3A_0] : memref<327680xi32, #tpu.memory_space<hbm>> -> memref<20480xi32, #tpu.memory_space<hbm>>
      tpu.enqueue_dma source(%dma_start3A_67 : memref<20480xi32, #tpu.memory_space<hbm>>) target(%arg6 : memref<20480xi32, #tpu.memory_space<vmem>>) target_semaphore(%run_scoped3A : memref<!tpu.dma_semaphore, #tpu.memory_space<semaphore_mem>>)
      %dma_wait3A = tpu.memref_slice %arg3[%mul3A_0] : memref<327680xi32, #tpu.memory_space<hbm>> -> memref<20480xi32, #tpu.memory_space<hbm>>
      %dma_wait3A_68 = tpu.memref_slice %arg3[%mul3A_0] : memref<327680xi32, #tpu.memory_space<hbm>> -> memref<20480xi32, #tpu.memory_space<hbm>>
      tpu.wait_dma2 semaphore(%run_scoped3A : memref<!tpu.dma_semaphore, #tpu.memory_space<semaphore_mem>>) src(%dma_wait3A_68 : memref<20480xi32, #tpu.memory_space<hbm>>) dst(%arg6 : memref<20480xi32, #tpu.memory_space<vmem>>)
      tpu.yield
    }) : () -> ()
    %barrier3A = arith.constant 0 : index
    tpu.barrier barrier_id(%barrier3A)
    %add3A_29 = arith.constant 0 : i32
    %add3A_30 = arith.addi %mul3A_0, %add3A_29 : i32
    %dma_start3A = arith.constant 0 : i32
    %dma_start3A_31 = tpu.memref_slice %arg4[%add3A_30] : memref<327680xi32, #tpu.memory_space<hbm>> -> memref<128xi32, #tpu.memory_space<hbm>>
    %dma_start3A_32 = tpu.memref_slice %arg13[%dma_start3A] : memref<2x!tpu.dma_semaphore, #tpu.memory_space<semaphore_mem>> -> memref<1x!tpu.dma_semaphore, #tpu.memory_space<semaphore_mem>>
    %dma_start3A_33 = tpu.memref_squeeze %dma_start3A_32 : memref<1x!tpu.dma_semaphore, #tpu.memory_space<semaphore_mem>> -> memref<!tpu.dma_semaphore, #tpu.memory_space<semaphore_mem>>
    %dma_start3A_34 = tpu.memref_slice %arg4[%add3A_30] : memref<327680xi32, #tpu.memory_space<hbm>> -> memref<128xi32, #tpu.memory_space<hbm>>
    tpu.enqueue_dma source(%dma_start3A_34 : memref<128xi32, #tpu.memory_space<hbm>>) target(%arg7 : memref<128xi32, #tpu.memory_space<vmem>>) target_semaphore(%dma_start3A_33 : memref<!tpu.dma_semaphore, #tpu.memory_space<semaphore_mem>>)
    %dma_start3A_35 = arith.constant 0 : i32
    %dma_start3A_36 = arith.constant 0 : i32
    %dma_start3A_37 = tpu.memref_slice %arg6[%dma_start3A_36] : memref<20480xi32, #tpu.memory_space<vmem>> -> memref<128xi32, #tpu.memory_space<vmem>>
    %dma_start3A_38 = arith.constant 0 : i32
    %dma_start3A_39 = arith.constant 0 : i32
    %dma_start3A_40 = tpu.memref_slice %arg11[%dma_start3A_38, %dma_start3A_39] : memref<10112x64xf32, #tpu.memory_space<vmem_shared>> -> memref<10112x64xf32, #tpu.memory_space<vmem_shared>>
    %dma_start3A_41 = tpu.memref_slice %arg14[%dma_start3A_35] : memref<2x!tpu.dma_semaphore, #tpu.memory_space<semaphore_mem>> -> memref<1x!tpu.dma_semaphore, #tpu.memory_space<semaphore_mem>>
    %dma_start3A_42 = tpu.memref_squeeze %dma_start3A_41 : memref<1x!tpu.dma_semaphore, #tpu.memory_space<semaphore_mem>> -> memref<!tpu.dma_semaphore, #tpu.memory_space<semaphore_mem>>
    tpu.enqueue_indirect_dma source(%dma_start3A_40 : memref<10112x64xf32, #tpu.memory_space<vmem_shared>>) target(%arg9 : memref<128x64xf32, #tpu.memory_space<vmem>>) offsets(%dma_start3A_37 : memref<128xi32, #tpu.memory_space<vmem>>) semaphore(%dma_start3A_42 : memref<!tpu.dma_semaphore, #tpu.memory_space<semaphore_mem>>)
    %add3A_43 = arith.constant 128 : i32
    %add3A_44 = arith.addi %mul3A_0, %add3A_43 : i32
    %dma_start3A_45 = arith.constant 1 : i32
    %dma_start3A_46 = tpu.memref_slice %arg4[%add3A_44] : memref<327680xi32, #tpu.memory_space<hbm>> -> memref<128xi32, #tpu.memory_space<hbm>>
    %dma_start3A_47 = tpu.memref_slice %arg13[%dma_start3A_45] : memref<2x!tpu.dma_semaphore, #tpu.memory_space<semaphore_mem>> -> memref<1x!tpu.dma_semaphore, #tpu.memory_space<semaphore_mem>>
    %dma_start3A_48 = tpu.memref_squeeze %dma_start3A_47 : memref<1x!tpu.dma_semaphore, #tpu.memory_space<semaphore_mem>> -> memref<!tpu.dma_semaphore, #tpu.memory_space<semaphore_mem>>
    %dma_start3A_49 = tpu.memref_slice %arg4[%add3A_44] : memref<327680xi32, #tpu.memory_space<hbm>> -> memref<128xi32, #tpu.memory_space<hbm>>
    tpu.enqueue_dma source(%dma_start3A_49 : memref<128xi32, #tpu.memory_space<hbm>>) target(%arg8 : memref<128xi32, #tpu.memory_space<vmem>>) target_semaphore(%dma_start3A_48 : memref<!tpu.dma_semaphore, #tpu.memory_space<semaphore_mem>>)
    %dma_start3A_50 = arith.constant 1 : i32
    %dma_start3A_51 = arith.constant 128 : i32
    %dma_start3A_52 = tpu.memref_slice %arg6[%dma_start3A_51] : memref<20480xi32, #tpu.memory_space<vmem>> -> memref<128xi32, #tpu.memory_space<vmem>>
    %dma_start3A_53 = arith.constant 0 : i32
    %dma_start3A_54 = arith.constant 0 : i32
    %dma_start3A_55 = tpu.memref_slice %arg11[%dma_start3A_53, %dma_start3A_54] : memref<10112x64xf32, #tpu.memory_space<vmem_shared>> -> memref<10112x64xf32, #tpu.memory_space<vmem_shared>>
    %dma_start3A_56 = tpu.memref_slice %arg14[%dma_start3A_50] : memref<2x!tpu.dma_semaphore, #tpu.memory_space<semaphore_mem>> -> memref<1x!tpu.dma_semaphore, #tpu.memory_space<semaphore_mem>>
    %dma_start3A_57 = tpu.memref_squeeze %dma_start3A_56 : memref<1x!tpu.dma_semaphore, #tpu.memory_space<semaphore_mem>> -> memref<!tpu.dma_semaphore, #tpu.memory_space<semaphore_mem>>
    tpu.enqueue_indirect_dma source(%dma_start3A_55 : memref<10112x64xf32, #tpu.memory_space<vmem_shared>>) target(%arg10 : memref<128x64xf32, #tpu.memory_space<vmem>>) offsets(%dma_start3A_52 : memref<128xi32, #tpu.memory_space<vmem>>) semaphore(%dma_start3A_57 : memref<!tpu.dma_semaphore, #tpu.memory_space<semaphore_mem>>)
    %scan3A_58 = arith.constant 0 : i32
    %scan3A_59 = arith.constant 0 : i32
    %scan3A_60 = arith.constant 80 : i32
    %scan3A_61 = arith.addi %scan3A_59, %scan3A_60 : i32
    %scan3A_62 = arith.constant 1 : i32
    %scan3A_63 = scf.for %scan3A_66 = %scan3A_59 to %scan3A_61 step %scan3A_62 iter_args(%scan3A_67 = %scan3A_58) -> (i32)  : i32 {
      %mul3A_68 = arith.constant 2 : i32
      %mul3A_69 = arith.muli %scan3A_66, %mul3A_68 : i32
      %add3A_70 = arith.constant 0 : i32
      %add3A_71 = arith.addi %mul3A_69, %add3A_70 : i32
      %mul3A_72 = arith.constant 128 : i32
      %mul3A_73 = arith.muli %add3A_71, %mul3A_72 : i32
      %add3A_74 = arith.addi %mul3A_0, %mul3A_73 : i32
      %dma_wait3A = arith.constant 0 : i32
      %dma_wait3A_75 = tpu.memref_slice %arg4[%add3A_74] : memref<327680xi32, #tpu.memory_space<hbm>> -> memref<128xi32, #tpu.memory_space<hbm>>
      %dma_wait3A_76 = tpu.memref_slice %arg13[%dma_wait3A] : memref<2x!tpu.dma_semaphore, #tpu.memory_space<semaphore_mem>> -> memref<1x!tpu.dma_semaphore, #tpu.memory_space<semaphore_mem>>
      %dma_wait3A_77 = tpu.memref_squeeze %dma_wait3A_76 : memref<1x!tpu.dma_semaphore, #tpu.memory_space<semaphore_mem>> -> memref<!tpu.dma_semaphore, #tpu.memory_space<semaphore_mem>>
      %dma_wait3A_78 = tpu.memref_slice %arg4[%add3A_74] : memref<327680xi32, #tpu.memory_space<hbm>> -> memref<128xi32, #tpu.memory_space<hbm>>
      tpu.wait_dma2 semaphore(%dma_wait3A_77 : memref<!tpu.dma_semaphore, #tpu.memory_space<semaphore_mem>>) src(%dma_wait3A_78 : memref<128xi32, #tpu.memory_space<hbm>>) dst(%arg7 : memref<128xi32, #tpu.memory_space<vmem>>)
      %mul3A_79 = arith.constant 128 : i32
      %mul3A_80 = arith.muli %add3A_71, %mul3A_79 : i32
      %dma_wait3A_81 = arith.constant 0 : i32
      %dma_wait3A_82 = tpu.memref_slice %arg6[%mul3A_80] : memref<20480xi32, #tpu.memory_space<vmem>> -> memref<128xi32, #tpu.memory_space<vmem>>
      %dma_wait3A_83 = arith.constant 0 : i32
      %dma_wait3A_84 = arith.constant 0 : i32
      %dma_wait3A_85 = tpu.memref_slice %arg11[%dma_wait3A_83, %dma_wait3A_84] : memref<10112x64xf32, #tpu.memory_space<vmem_shared>> -> memref<10112x64xf32, #tpu.memory_space<vmem_shared>>
      %dma_wait3A_86 = tpu.memref_slice %arg14[%dma_wait3A_81] : memref<2x!tpu.dma_semaphore, #tpu.memory_space<semaphore_mem>> -> memref<1x!tpu.dma_semaphore, #tpu.memory_space<semaphore_mem>>
      %dma_wait3A_87 = tpu.memref_squeeze %dma_wait3A_86 : memref<1x!tpu.dma_semaphore, #tpu.memory_space<semaphore_mem>> -> memref<!tpu.dma_semaphore, #tpu.memory_space<semaphore_mem>>
      tpu.wait_indirect_dma semaphore(%dma_wait3A_87 : memref<!tpu.dma_semaphore, #tpu.memory_space<semaphore_mem>>) src(%dma_wait3A_85 : memref<10112x64xf32, #tpu.memory_space<vmem_shared>>) dst(%arg9 : memref<128x64xf32, #tpu.memory_space<vmem>>)
      %dma_start3A_88 = arith.constant 0 : i32
      %dma_start3A_89 = arith.constant 0 : i32
      %dma_start3A_90 = arith.constant 0 : i32
      %dma_start3A_91 = tpu.memref_slice %arg12[%dma_start3A_89, %dma_start3A_90] : memref<10112x64xf32, #tpu.memory_space<vmem_shared>> -> memref<10112x64xf32, #tpu.memory_space<vmem_shared>>
      %dma_start3A_92 = tpu.memref_slice %arg15[%dma_start3A_88] : memref<2x!tpu.dma_semaphore, #tpu.memory_space<semaphore_mem>> -> memref<1x!tpu.dma_semaphore, #tpu.memory_space<semaphore_mem>>
      %dma_start3A_93 = tpu.memref_squeeze %dma_start3A_92 : memref<1x!tpu.dma_semaphore, #tpu.memory_space<semaphore_mem>> -> memref<!tpu.dma_semaphore, #tpu.memory_space<semaphore_mem>>
      tpu.enqueue_indirect_dma source(%arg9 : memref<128x64xf32, #tpu.memory_space<vmem>>) target(%dma_start3A_91 : memref<10112x64xf32, #tpu.memory_space<vmem_shared>>) offsets(%arg7 : memref<128xi32, #tpu.memory_space<vmem>>) semaphore(%dma_start3A_93 : memref<!tpu.dma_semaphore, #tpu.memory_space<semaphore_mem>>) {add = true}
      %mul3A_94 = arith.constant 2 : i32
      %mul3A_95 = arith.muli %scan3A_66, %mul3A_94 : i32
      %add3A_96 = arith.constant 1 : i32
      %add3A_97 = arith.addi %mul3A_95, %add3A_96 : i32
      %mul3A_98 = arith.constant 128 : i32
      %mul3A_99 = arith.muli %add3A_97, %mul3A_98 : i32
      %add3A_100 = arith.addi %mul3A_0, %mul3A_99 : i32
      %dma_wait3A_101 = arith.constant 1 : i32
      %dma_wait3A_102 = tpu.memref_slice %arg4[%add3A_100] : memref<327680xi32, #tpu.memory_space<hbm>> -> memref<128xi32, #tpu.memory_space<hbm>>
      %dma_wait3A_103 = tpu.memref_slice %arg13[%dma_wait3A_101] : memref<2x!tpu.dma_semaphore, #tpu.memory_space<semaphore_mem>> -> memref<1x!tpu.dma_semaphore, #tpu.memory_space<semaphore_mem>>
      %dma_wait3A_104 = tpu.memref_squeeze %dma_wait3A_103 : memref<1x!tpu.dma_semaphore, #tpu.memory_space<semaphore_mem>> -> memref<!tpu.dma_semaphore, #tpu.memory_space<semaphore_mem>>
      %dma_wait3A_105 = tpu.memref_slice %arg4[%add3A_100] : memref<327680xi32, #tpu.memory_space<hbm>> -> memref<128xi32, #tpu.memory_space<hbm>>
      tpu.wait_dma2 semaphore(%dma_wait3A_104 : memref<!tpu.dma_semaphore, #tpu.memory_space<semaphore_mem>>) src(%dma_wait3A_105 : memref<128xi32, #tpu.memory_space<hbm>>) dst(%arg8 : memref<128xi32, #tpu.memory_space<vmem>>)
      %mul3A_106 = arith.constant 128 : i32
      %mul3A_107 = arith.muli %add3A_97, %mul3A_106 : i32
      %dma_wait3A_108 = arith.constant 1 : i32
      %dma_wait3A_109 = tpu.memref_slice %arg6[%mul3A_107] : memref<20480xi32, #tpu.memory_space<vmem>> -> memref<128xi32, #tpu.memory_space<vmem>>
      %dma_wait3A_110 = arith.constant 0 : i32
      %dma_wait3A_111 = arith.constant 0 : i32
      %dma_wait3A_112 = tpu.memref_slice %arg11[%dma_wait3A_110, %dma_wait3A_111] : memref<10112x64xf32, #tpu.memory_space<vmem_shared>> -> memref<10112x64xf32, #tpu.memory_space<vmem_shared>>
      %dma_wait3A_113 = tpu.memref_slice %arg14[%dma_wait3A_108] : memref<2x!tpu.dma_semaphore, #tpu.memory_space<semaphore_mem>> -> memref<1x!tpu.dma_semaphore, #tpu.memory_space<semaphore_mem>>
      %dma_wait3A_114 = tpu.memref_squeeze %dma_wait3A_113 : memref<1x!tpu.dma_semaphore, #tpu.memory_space<semaphore_mem>> -> memref<!tpu.dma_semaphore, #tpu.memory_space<semaphore_mem>>
      tpu.wait_indirect_dma semaphore(%dma_wait3A_114 : memref<!tpu.dma_semaphore, #tpu.memory_space<semaphore_mem>>) src(%dma_wait3A_112 : memref<10112x64xf32, #tpu.memory_space<vmem_shared>>) dst(%arg10 : memref<128x64xf32, #tpu.memory_space<vmem>>)
      %dma_start3A_115 = arith.constant 1 : i32
      %dma_start3A_116 = arith.constant 0 : i32
      %dma_start3A_117 = arith.constant 0 : i32
      %dma_start3A_118 = tpu.memref_slice %arg12[%dma_start3A_116, %dma_start3A_117] : memref<10112x64xf32, #tpu.memory_space<vmem_shared>> -> memref<10112x64xf32, #tpu.memory_space<vmem_shared>>
      %dma_start3A_119 = tpu.memref_slice %arg15[%dma_start3A_115] : memref<2x!tpu.dma_semaphore, #tpu.memory_space<semaphore_mem>> -> memref<1x!tpu.dma_semaphore, #tpu.memory_space<semaphore_mem>>
      %dma_start3A_120 = tpu.memref_squeeze %dma_start3A_119 : memref<1x!tpu.dma_semaphore, #tpu.memory_space<semaphore_mem>> -> memref<!tpu.dma_semaphore, #tpu.memory_space<semaphore_mem>>
      tpu.enqueue_indirect_dma source(%arg10 : memref<128x64xf32, #tpu.memory_space<vmem>>) target(%dma_start3A_118 : memref<10112x64xf32, #tpu.memory_space<vmem_shared>>) offsets(%arg8 : memref<128xi32, #tpu.memory_space<vmem>>) semaphore(%dma_start3A_120 : memref<!tpu.dma_semaphore, #tpu.memory_space<semaphore_mem>>) {add = true}
      %dma_wait3A_121 = arith.constant 0 : i32
      %dma_wait3A_122 = arith.constant 0 : i32
      %dma_wait3A_123 = arith.constant 0 : i32
      %dma_wait3A_124 = tpu.memref_slice %arg12[%dma_wait3A_122, %dma_wait3A_123] : memref<10112x64xf32, #tpu.memory_space<vmem_shared>> -> memref<10112x64xf32, #tpu.memory_space<vmem_shared>>
      %dma_wait3A_125 = tpu.memref_slice %arg15[%dma_wait3A_121] : memref<2x!tpu.dma_semaphore, #tpu.memory_space<semaphore_mem>> -> memref<1x!tpu.dma_semaphore, #tpu.memory_space<semaphore_mem>>
      %dma_wait3A_126 = tpu.memref_squeeze %dma_wait3A_125 : memref<1x!tpu.dma_semaphore, #tpu.memory_space<semaphore_mem>> -> memref<!tpu.dma_semaphore, #tpu.memory_space<semaphore_mem>>
      tpu.wait_indirect_dma semaphore(%dma_wait3A_126 : memref<!tpu.dma_semaphore, #tpu.memory_space<semaphore_mem>>) src(%arg9 : memref<128x64xf32, #tpu.memory_space<vmem>>) dst(%dma_wait3A_124 : memref<10112x64xf32, #tpu.memory_space<vmem_shared>>)
      %lt3A = arith.constant 79 : i32
      %lt3A_127 = arith.cmpi slt, %scan3A_66, %lt3A : i32
      %convert_element_type3A = arith.extui %lt3A_127 : i1 to i32
      %cond3A = arith.constant 0 : i32
      %cond3A_128 = arith.cmpi ne, %convert_element_type3A, %cond3A : i32
      scf.if %cond3A_128 {
        %add3A_141 = arith.constant 1 : i32
        %add3A_142 = arith.addi %scan3A_66, %add3A_141 : i32
        %mul3A_143 = arith.constant 2 : i32
        %mul3A_144 = arith.muli %add3A_142, %mul3A_143 : i32
        %add3A_145 = arith.constant 0 : i32
        %add3A_146 = arith.addi %mul3A_144, %add3A_145 : i32
        %mul3A_147 = arith.constant 128 : i32
        %mul3A_148 = arith.muli %add3A_146, %mul3A_147 : i32
        %add3A_149 = arith.addi %mul3A_0, %mul3A_148 : i32
        %dma_start3A_150 = arith.constant 0 : i32
        %dma_start3A_151 = tpu.memref_slice %arg4[%add3A_149] : memref<327680xi32, #tpu.memory_space<hbm>> -> memref<128xi32, #tpu.memory_space<hbm>>
        %dma_start3A_152 = tpu.memref_slice %arg13[%dma_start3A_150] : memref<2x!tpu.dma_semaphore, #tpu.memory_space<semaphore_mem>> -> memref<1x!tpu.dma_semaphore, #tpu.memory_space<semaphore_mem>>
        %dma_start3A_153 = tpu.memref_squeeze %dma_start3A_152 : memref<1x!tpu.dma_semaphore, #tpu.memory_space<semaphore_mem>> -> memref<!tpu.dma_semaphore, #tpu.memory_space<semaphore_mem>>
        %dma_start3A_154 = tpu.memref_slice %arg4[%add3A_149] : memref<327680xi32, #tpu.memory_space<hbm>> -> memref<128xi32, #tpu.memory_space<hbm>>
        tpu.enqueue_dma source(%dma_start3A_154 : memref<128xi32, #tpu.memory_space<hbm>>) target(%arg7 : memref<128xi32, #tpu.memory_space<vmem>>) target_semaphore(%dma_start3A_153 : memref<!tpu.dma_semaphore, #tpu.memory_space<semaphore_mem>>)
        %mul3A_155 = arith.constant 128 : i32
        %mul3A_156 = arith.muli %add3A_146, %mul3A_155 : i32
        %dma_start3A_157 = arith.constant 0 : i32
        %dma_start3A_158 = tpu.memref_slice %arg6[%mul3A_156] : memref<20480xi32, #tpu.memory_space<vmem>> -> memref<128xi32, #tpu.memory_space<vmem>>
        %dma_start3A_159 = arith.constant 0 : i32
        %dma_start3A_160 = arith.constant 0 : i32
        %dma_start3A_161 = tpu.memref_slice %arg11[%dma_start3A_159, %dma_start3A_160] : memref<10112x64xf32, #tpu.memory_space<vmem_shared>> -> memref<10112x64xf32, #tpu.memory_space<vmem_shared>>
        %dma_start3A_162 = tpu.memref_slice %arg14[%dma_start3A_157] : memref<2x!tpu.dma_semaphore, #tpu.memory_space<semaphore_mem>> -> memref<1x!tpu.dma_semaphore, #tpu.memory_space<semaphore_mem>>
        %dma_start3A_163 = tpu.memref_squeeze %dma_start3A_162 : memref<1x!tpu.dma_semaphore, #tpu.memory_space<semaphore_mem>> -> memref<!tpu.dma_semaphore, #tpu.memory_space<semaphore_mem>>
        tpu.enqueue_indirect_dma source(%dma_start3A_161 : memref<10112x64xf32, #tpu.memory_space<vmem_shared>>) target(%arg9 : memref<128x64xf32, #tpu.memory_space<vmem>>) offsets(%dma_start3A_158 : memref<128xi32, #tpu.memory_space<vmem>>) semaphore(%dma_start3A_163 : memref<!tpu.dma_semaphore, #tpu.memory_space<semaphore_mem>>)
      } else {
      }
      %dma_wait3A_129 = arith.constant 1 : i32
      %dma_wait3A_130 = arith.constant 0 : i32
      %dma_wait3A_131 = arith.constant 0 : i32
      %dma_wait3A_132 = tpu.memref_slice %arg12[%dma_wait3A_130, %dma_wait3A_131] : memref<10112x64xf32, #tpu.memory_space<vmem_shared>> -> memref<10112x64xf32, #tpu.memory_space<vmem_shared>>
      %dma_wait3A_133 = tpu.memref_slice %arg15[%dma_wait3A_129] : memref<2x!tpu.dma_semaphore, #tpu.memory_space<semaphore_mem>> -> memref<1x!tpu.dma_semaphore, #tpu.memory_space<semaphore_mem>>
      %dma_wait3A_134 = tpu.memref_squeeze %dma_wait3A_133 : memref<1x!tpu.dma_semaphore, #tpu.memory_space<semaphore_mem>> -> memref<!tpu.dma_semaphore, #tpu.memory_space<semaphore_mem>>
      tpu.wait_indirect_dma semaphore(%dma_wait3A_134 : memref<!tpu.dma_semaphore, #tpu.memory_space<semaphore_mem>>) src(%arg10 : memref<128x64xf32, #tpu.memory_space<vmem>>) dst(%dma_wait3A_132 : memref<10112x64xf32, #tpu.memory_space<vmem_shared>>)
      %lt3A_135 = arith.constant 79 : i32
      %lt3A_136 = arith.cmpi slt, %scan3A_66, %lt3A_135 : i32
      %convert_element_type3A_137 = arith.extui %lt3A_136 : i1 to i32
      %cond3A_138 = arith.constant 0 : i32
      %cond3A_139 = arith.cmpi ne, %convert_element_type3A_137, %cond3A_138 : i32
      scf.if %cond3A_139 {
        %add3A_141 = arith.constant 1 : i32
        %add3A_142 = arith.addi %scan3A_66, %add3A_141 : i32
        %mul3A_143 = arith.constant 2 : i32
        %mul3A_144 = arith.muli %add3A_142, %mul3A_143 : i32
        %add3A_145 = arith.constant 1 : i32
        %add3A_146 = arith.addi %mul3A_144, %add3A_145 : i32
        %mul3A_147 = arith.constant 128 : i32
        %mul3A_148 = arith.muli %add3A_146, %mul3A_147 : i32
        %add3A_149 = arith.addi %mul3A_0, %mul3A_148 : i32
        %dma_start3A_150 = arith.constant 1 : i32
        %dma_start3A_151 = tpu.memref_slice %arg4[%add3A_149] : memref<327680xi32, #tpu.memory_space<hbm>> -> memref<128xi32, #tpu.memory_space<hbm>>
        %dma_start3A_152 = tpu.memref_slice %arg13[%dma_start3A_150] : memref<2x!tpu.dma_semaphore, #tpu.memory_space<semaphore_mem>> -> memref<1x!tpu.dma_semaphore, #tpu.memory_space<semaphore_mem>>
        %dma_start3A_153 = tpu.memref_squeeze %dma_start3A_152 : memref<1x!tpu.dma_semaphore, #tpu.memory_space<semaphore_mem>> -> memref<!tpu.dma_semaphore, #tpu.memory_space<semaphore_mem>>
        %dma_start3A_154 = tpu.memref_slice %arg4[%add3A_149] : memref<327680xi32, #tpu.memory_space<hbm>> -> memref<128xi32, #tpu.memory_space<hbm>>
        tpu.enqueue_dma source(%dma_start3A_154 : memref<128xi32, #tpu.memory_space<hbm>>) target(%arg8 : memref<128xi32, #tpu.memory_space<vmem>>) target_semaphore(%dma_start3A_153 : memref<!tpu.dma_semaphore, #tpu.memory_space<semaphore_mem>>)
        %mul3A_155 = arith.constant 128 : i32
        %mul3A_156 = arith.muli %add3A_146, %mul3A_155 : i32
        %dma_start3A_157 = arith.constant 1 : i32
        %dma_start3A_158 = tpu.memref_slice %arg6[%mul3A_156] : memref<20480xi32, #tpu.memory_space<vmem>> -> memref<128xi32, #tpu.memory_space<vmem>>
        %dma_start3A_159 = arith.constant 0 : i32
        %dma_start3A_160 = arith.constant 0 : i32
        %dma_start3A_161 = tpu.memref_slice %arg11[%dma_start3A_159, %dma_start3A_160] : memref<10112x64xf32, #tpu.memory_space<vmem_shared>> -> memref<10112x64xf32, #tpu.memory_space<vmem_shared>>
        %dma_start3A_162 = tpu.memref_slice %arg14[%dma_start3A_157] : memref<2x!tpu.dma_semaphore, #tpu.memory_space<semaphore_mem>> -> memref<1x!tpu.dma_semaphore, #tpu.memory_space<semaphore_mem>>
        %dma_start3A_163 = tpu.memref_squeeze %dma_start3A_162 : memref<1x!tpu.dma_semaphore, #tpu.memory_space<semaphore_mem>> -> memref<!tpu.dma_semaphore, #tpu.memory_space<semaphore_mem>>
        tpu.enqueue_indirect_dma source(%dma_start3A_161 : memref<10112x64xf32, #tpu.memory_space<vmem_shared>>) target(%arg10 : memref<128x64xf32, #tpu.memory_space<vmem>>) offsets(%dma_start3A_158 : memref<128xi32, #tpu.memory_space<vmem>>) semaphore(%dma_start3A_163 : memref<!tpu.dma_semaphore, #tpu.memory_space<semaphore_mem>>)
      } else {
      }
      %scan3A_140 = arith.constant 0 : i32
      scf.yield %scan3A_140 : i32
    }
    %scan3A_64 = arith.constant 80 : i32
    %barrier3A_65 = arith.constant 0 : index
    tpu.barrier barrier_id(%barrier3A_65)
    "tpu.region"() ({
      %run_scoped3A = tpu.sem_alloc : memref<!tpu.dma_semaphore, #tpu.memory_space<semaphore_mem>>
      %dma_start3A_66 = arith.constant 0 : i32
      %dma_start3A_67 = tpu.memref_slice %arg5[%arg0, %mul3A_2, %dma_start3A_66] : memref<2x10112x64xf32, #tpu.memory_space<hbm>> -> memref<1x632x64xf32, #tpu.memory_space<hbm>>
      %dma_start3A_68 = tpu.memref_squeeze %dma_start3A_67 : memref<1x632x64xf32, #tpu.memory_space<hbm>> -> memref<632x64xf32, #tpu.memory_space<hbm>>
      %dma_start3A_69 = arith.constant 0 : i32
      %dma_start3A_70 = tpu.memref_slice %arg12[%mul3A_2, %dma_start3A_69] : memref<10112x64xf32, #tpu.memory_space<vmem_shared>> -> memref<632x64xf32, #tpu.memory_space<vmem_shared>>
      tpu.enqueue_dma source(%dma_start3A_70 : memref<632x64xf32, #tpu.memory_space<vmem_shared>>) target(%dma_start3A_68 : memref<632x64xf32, #tpu.memory_space<hbm>>) target_semaphore(%run_scoped3A : memref<!tpu.dma_semaphore, #tpu.memory_space<semaphore_mem>>)
      %dma_wait3A = arith.constant 0 : i32
      %dma_wait3A_71 = tpu.memref_slice %arg5[%arg0, %mul3A_2, %dma_wait3A] : memref<2x10112x64xf32, #tpu.memory_space<hbm>> -> memref<1x632x64xf32, #tpu.memory_space<hbm>>
      %dma_wait3A_72 = tpu.memref_squeeze %dma_wait3A_71 : memref<1x632x64xf32, #tpu.memory_space<hbm>> -> memref<632x64xf32, #tpu.memory_space<hbm>>
      %dma_wait3A_73 = arith.constant 0 : i32
      %dma_wait3A_74 = tpu.memref_slice %arg12[%mul3A_2, %dma_wait3A_73] : memref<10112x64xf32, #tpu.memory_space<vmem_shared>> -> memref<632x64xf32, #tpu.memory_space<vmem_shared>>
      tpu.wait_dma2 semaphore(%run_scoped3A : memref<!tpu.dma_semaphore, #tpu.memory_space<semaphore_mem>>) src(%dma_wait3A_74 : memref<632x64xf32, #tpu.memory_space<vmem_shared>>) dst(%dma_wait3A_72 : memref<632x64xf32, #tpu.memory_space<hbm>>)
      tpu.yield
    }) : () -> ()
    return
  }
}

#map = affine_map<(d0, d1) -> (0)>
#map1 = affine_map<(d0, d1) -> (0, 0)>
module attributes {stable_mosaic.version = 14 : i64} {
  func.func @_sc_scalar(%arg0: i32, %arg1: i32, %arg2: memref<10112xf32, #tpu.memory_space<hbm>>, %arg3: memref<327680xi32, #tpu.memory_space<hbm>>, %arg4: memref<327680xi32, #tpu.memory_space<hbm>>, %arg5: memref<32x10112xf32, #tpu.memory_space<hbm>>, %arg6: memref<10240xi32, #tpu.memory_space<vmem>>, %arg7: memref<10240xi32, #tpu.memory_space<vmem>>, %arg8: memref<10112xf32, #tpu.memory_space<vmem>>, %arg9: memref<10112xf32, #tpu.memory_space<vmem>>) attributes {dimension_semantics = [#tpu.dimension_semantics<core_parallel>, #tpu.dimension_semantics<subcore_parallel>], iteration_bounds = array<i64: 2, 16>, scalar_prefetch = 0 : i64, scratch_operands = 4 : i64, tpu.core_type = #tpu.core_type<sc_vector_subcore>, window_params = [{transform_indices = #map}, {transform_indices = #map}, {transform_indices = #map}, {transform_indices = #map1}]} {
    %mul3A = arith.constant 2 : i32
    %mul3A_0 = arith.muli %arg1, %mul3A : i32
    %add3A = arith.addi %mul3A_0, %arg0 : i32
    %broadcast_in_dim3A = arith.constant 0.000000e+00 : f32
    %broadcast_in_dim3A_1 = vector.broadcast %broadcast_in_dim3A : f32 to vector<16xf32>
    %scan3A = arith.constant 0 : i32
    %scan3A_2 = arith.constant 0 : i32
    %scan3A_3 = arith.constant 632 : i32
    %scan3A_4 = arith.addi %scan3A_2, %scan3A_3 : i32
    %scan3A_5 = arith.constant 1 : i32
    %scan3A_6 = scf.for %scan3A_17 = %scan3A_2 to %scan3A_4 step %scan3A_5 iter_args(%scan3A_18 = %scan3A) -> (i32)  : i32 {
      %mul3A_19 = arith.constant 16 : i32
      %mul3A_20 = arith.muli %scan3A_17, %mul3A_19 : i32
      %swap3A = arith.index_cast %mul3A_20 : i32 to index
      %swap3A_21 = tpu.vector_load %arg9[%swap3A] {strides = array<i32>} : memref<10112xf32, #tpu.memory_space<vmem>>, vector<16xf32>,
      tpu.vector_store %arg9[%swap3A], %broadcast_in_dim3A_1 {strides = array<i32>} : memref<10112xf32, #tpu.memory_space<vmem>>, vector<16xf32>,
      %scan3A_22 = arith.constant 0 : i32
      scf.yield %scan3A_22 : i32
    }
    %scan3A_7 = arith.constant 632 : i32
    "tpu.region"() ({
      %run_scoped3A = tpu.sem_alloc : memref<!tpu.dma_semaphore, #tpu.memory_space<semaphore_mem>>
      tpu.enqueue_dma source(%arg2 : memref<10112xf32, #tpu.memory_space<hbm>>) target(%arg8 : memref<10112xf32, #tpu.memory_space<vmem>>) target_semaphore(%run_scoped3A : memref<!tpu.dma_semaphore, #tpu.memory_space<semaphore_mem>>)
      tpu.wait_dma2 semaphore(%run_scoped3A : memref<!tpu.dma_semaphore, #tpu.memory_space<semaphore_mem>>) src(%arg2 : memref<10112xf32, #tpu.memory_space<hbm>>) dst(%arg8 : memref<10112xf32, #tpu.memory_space<vmem>>)
      tpu.yield
    }) : () -> ()
    %mul3A_8 = arith.constant 10240 : i32
    %mul3A_9 = arith.muli %add3A, %mul3A_8 : i32
    "tpu.region"() ({
      %run_scoped3A = tpu.sem_alloc : memref<!tpu.dma_semaphore, #tpu.memory_space<semaphore_mem>>
      %dma_start3A = tpu.memref_slice %arg3[%mul3A_9] : memref<327680xi32, #tpu.memory_space<hbm>> -> memref<10240xi32, #tpu.memory_space<hbm>>
      %dma_start3A_17 = tpu.memref_slice %arg3[%mul3A_9] : memref<327680xi32, #tpu.memory_space<hbm>> -> memref<10240xi32, #tpu.memory_space<hbm>>
      tpu.enqueue_dma source(%dma_start3A_17 : memref<10240xi32, #tpu.memory_space<hbm>>) target(%arg6 : memref<10240xi32, #tpu.memory_space<vmem>>) target_semaphore(%run_scoped3A : memref<!tpu.dma_semaphore, #tpu.memory_space<semaphore_mem>>)
      %dma_wait3A = tpu.memref_slice %arg3[%mul3A_9] : memref<327680xi32, #tpu.memory_space<hbm>> -> memref<10240xi32, #tpu.memory_space<hbm>>
      %dma_wait3A_18 = tpu.memref_slice %arg3[%mul3A_9] : memref<327680xi32, #tpu.memory_space<hbm>> -> memref<10240xi32, #tpu.memory_space<hbm>>
      tpu.wait_dma2 semaphore(%run_scoped3A : memref<!tpu.dma_semaphore, #tpu.memory_space<semaphore_mem>>) src(%dma_wait3A_18 : memref<10240xi32, #tpu.memory_space<hbm>>) dst(%arg6 : memref<10240xi32, #tpu.memory_space<vmem>>)
      tpu.yield
    }) : () -> ()
    "tpu.region"() ({
      %run_scoped3A = tpu.sem_alloc : memref<!tpu.dma_semaphore, #tpu.memory_space<semaphore_mem>>
      %dma_start3A = tpu.memref_slice %arg4[%mul3A_9] : memref<327680xi32, #tpu.memory_space<hbm>> -> memref<10240xi32, #tpu.memory_space<hbm>>
      %dma_start3A_17 = tpu.memref_slice %arg4[%mul3A_9] : memref<327680xi32, #tpu.memory_space<hbm>> -> memref<10240xi32, #tpu.memory_space<hbm>>
      tpu.enqueue_dma source(%dma_start3A_17 : memref<10240xi32, #tpu.memory_space<hbm>>) target(%arg7 : memref<10240xi32, #tpu.memory_space<vmem>>) target_semaphore(%run_scoped3A : memref<!tpu.dma_semaphore, #tpu.memory_space<semaphore_mem>>)
      %dma_wait3A = tpu.memref_slice %arg4[%mul3A_9] : memref<327680xi32, #tpu.memory_space<hbm>> -> memref<10240xi32, #tpu.memory_space<hbm>>
      %dma_wait3A_18 = tpu.memref_slice %arg4[%mul3A_9] : memref<327680xi32, #tpu.memory_space<hbm>> -> memref<10240xi32, #tpu.memory_space<hbm>>
      tpu.wait_dma2 semaphore(%run_scoped3A : memref<!tpu.dma_semaphore, #tpu.memory_space<semaphore_mem>>) src(%dma_wait3A_18 : memref<10240xi32, #tpu.memory_space<hbm>>) dst(%arg7 : memref<10240xi32, #tpu.memory_space<vmem>>)
      tpu.yield
    }) : () -> ()
    %scan3A_10 = arith.constant 0 : i32
    %scan3A_11 = arith.constant 0 : i32
    %scan3A_12 = arith.constant 80 : i32
    %scan3A_13 = arith.addi %scan3A_11, %scan3A_12 : i32
    %scan3A_14 = arith.constant 1 : i32
    %scan3A_15 = scf.for %scan3A_17 = %scan3A_11 to %scan3A_13 step %scan3A_14 iter_args(%scan3A_18 = %scan3A_10) -> (i32)  : i32 {
      %mul3A_19 = arith.constant 128 : i32
      %mul3A_20 = arith.muli %scan3A_17, %mul3A_19 : i32
      %add3A_21 = arith.constant 0 : i32
      %add3A_22 = arith.addi %mul3A_20, %add3A_21 : i32
      %get3A = arith.index_cast %add3A_22 : i32 to index
      %get3A_23 = tpu.vector_load %arg6[%get3A] {strides = array<i32>} : memref<10240xi32, #tpu.memory_space<vmem>>, vector<16xi32>,
      %get3A_24 = arith.index_cast %add3A_22 : i32 to index
      %get3A_25 = tpu.vector_load %arg7[%get3A_24] {strides = array<i32>} : memref<10240xi32, #tpu.memory_space<vmem>>, vector<16xi32>,
      %gather3A = tpu.vector_load_idx %arg8[%get3A_23] : memref<10112xf32, #tpu.memory_space<vmem>>[vector<16xi32>], vector<16xf32>,
      tpu.vector_store_idx %arg9[%get3A_25], %gather3A {add = true} : memref<10112xf32, #tpu.memory_space<vmem>>[vector<16xi32>], vector<16xf32>,
      %mul3A_26 = arith.constant 128 : i32
      %mul3A_27 = arith.muli %scan3A_17, %mul3A_26 : i32
      %add3A_28 = arith.constant 16 : i32
      %add3A_29 = arith.addi %mul3A_27, %add3A_28 : i32
      %get3A_30 = arith.index_cast %add3A_29 : i32 to index
      %get3A_31 = tpu.vector_load %arg6[%get3A_30] {strides = array<i32>} : memref<10240xi32, #tpu.memory_space<vmem>>, vector<16xi32>,
      %get3A_32 = arith.index_cast %add3A_29 : i32 to index
      %get3A_33 = tpu.vector_load %arg7[%get3A_32] {strides = array<i32>} : memref<10240xi32, #tpu.memory_space<vmem>>, vector<16xi32>,
      %gather3A_34 = tpu.vector_load_idx %arg8[%get3A_31] : memref<10112xf32, #tpu.memory_space<vmem>>[vector<16xi32>], vector<16xf32>,
      tpu.vector_store_idx %arg9[%get3A_33], %gather3A_34 {add = true} : memref<10112xf32, #tpu.memory_space<vmem>>[vector<16xi32>], vector<16xf32>,
      %mul3A_35 = arith.constant 128 : i32
      %mul3A_36 = arith.muli %scan3A_17, %mul3A_35 : i32
      %add3A_37 = arith.constant 32 : i32
      %add3A_38 = arith.addi %mul3A_36, %add3A_37 : i32
      %get3A_39 = arith.index_cast %add3A_38 : i32 to index
      %get3A_40 = tpu.vector_load %arg6[%get3A_39] {strides = array<i32>} : memref<10240xi32, #tpu.memory_space<vmem>>, vector<16xi32>,
      %get3A_41 = arith.index_cast %add3A_38 : i32 to index
      %get3A_42 = tpu.vector_load %arg7[%get3A_41] {strides = array<i32>} : memref<10240xi32, #tpu.memory_space<vmem>>, vector<16xi32>,
      %gather3A_43 = tpu.vector_load_idx %arg8[%get3A_40] : memref<10112xf32, #tpu.memory_space<vmem>>[vector<16xi32>], vector<16xf32>,
      tpu.vector_store_idx %arg9[%get3A_42], %gather3A_43 {add = true} : memref<10112xf32, #tpu.memory_space<vmem>>[vector<16xi32>], vector<16xf32>,
      %mul3A_44 = arith.constant 128 : i32
      %mul3A_45 = arith.muli %scan3A_17, %mul3A_44 : i32
      %add3A_46 = arith.constant 48 : i32
      %add3A_47 = arith.addi %mul3A_45, %add3A_46 : i32
      %get3A_48 = arith.index_cast %add3A_47 : i32 to index
      %get3A_49 = tpu.vector_load %arg6[%get3A_48] {strides = array<i32>} : memref<10240xi32, #tpu.memory_space<vmem>>, vector<16xi32>,
      %get3A_50 = arith.index_cast %add3A_47 : i32 to index
      %get3A_51 = tpu.vector_load %arg7[%get3A_50] {strides = array<i32>} : memref<10240xi32, #tpu.memory_space<vmem>>, vector<16xi32>,
      %gather3A_52 = tpu.vector_load_idx %arg8[%get3A_49] : memref<10112xf32, #tpu.memory_space<vmem>>[vector<16xi32>], vector<16xf32>,
      tpu.vector_store_idx %arg9[%get3A_51], %gather3A_52 {add = true} : memref<10112xf32, #tpu.memory_space<vmem>>[vector<16xi32>], vector<16xf32>,
      %mul3A_53 = arith.constant 128 : i32
      %mul3A_54 = arith.muli %scan3A_17, %mul3A_53 : i32
      %add3A_55 = arith.constant 64 : i32
      %add3A_56 = arith.addi %mul3A_54, %add3A_55 : i32
      %get3A_57 = arith.index_cast %add3A_56 : i32 to index
      %get3A_58 = tpu.vector_load %arg6[%get3A_57] {strides = array<i32>} : memref<10240xi32, #tpu.memory_space<vmem>>, vector<16xi32>,
      %get3A_59 = arith.index_cast %add3A_56 : i32 to index
      %get3A_60 = tpu.vector_load %arg7[%get3A_59] {strides = array<i32>} : memref<10240xi32, #tpu.memory_space<vmem>>, vector<16xi32>,
      %gather3A_61 = tpu.vector_load_idx %arg8[%get3A_58] : memref<10112xf32, #tpu.memory_space<vmem>>[vector<16xi32>], vector<16xf32>,
      tpu.vector_store_idx %arg9[%get3A_60], %gather3A_61 {add = true} : memref<10112xf32, #tpu.memory_space<vmem>>[vector<16xi32>], vector<16xf32>,
      %mul3A_62 = arith.constant 128 : i32
      %mul3A_63 = arith.muli %scan3A_17, %mul3A_62 : i32
      %add3A_64 = arith.constant 80 : i32
      %add3A_65 = arith.addi %mul3A_63, %add3A_64 : i32
      %get3A_66 = arith.index_cast %add3A_65 : i32 to index
      %get3A_67 = tpu.vector_load %arg6[%get3A_66] {strides = array<i32>} : memref<10240xi32, #tpu.memory_space<vmem>>, vector<16xi32>,
      %get3A_68 = arith.index_cast %add3A_65 : i32 to index
      %get3A_69 = tpu.vector_load %arg7[%get3A_68] {strides = array<i32>} : memref<10240xi32, #tpu.memory_space<vmem>>, vector<16xi32>,
      %gather3A_70 = tpu.vector_load_idx %arg8[%get3A_67] : memref<10112xf32, #tpu.memory_space<vmem>>[vector<16xi32>], vector<16xf32>,
      tpu.vector_store_idx %arg9[%get3A_69], %gather3A_70 {add = true} : memref<10112xf32, #tpu.memory_space<vmem>>[vector<16xi32>], vector<16xf32>,
      %mul3A_71 = arith.constant 128 : i32
      %mul3A_72 = arith.muli %scan3A_17, %mul3A_71 : i32
      %add3A_73 = arith.constant 96 : i32
      %add3A_74 = arith.addi %mul3A_72, %add3A_73 : i32
      %get3A_75 = arith.index_cast %add3A_74 : i32 to index
      %get3A_76 = tpu.vector_load %arg6[%get3A_75] {strides = array<i32>} : memref<10240xi32, #tpu.memory_space<vmem>>, vector<16xi32>,
      %get3A_77 = arith.index_cast %add3A_74 : i32 to index
      %get3A_78 = tpu.vector_load %arg7[%get3A_77] {strides = array<i32>} : memref<10240xi32, #tpu.memory_space<vmem>>, vector<16xi32>,
      %gather3A_79 = tpu.vector_load_idx %arg8[%get3A_76] : memref<10112xf32, #tpu.memory_space<vmem>>[vector<16xi32>], vector<16xf32>,
      tpu.vector_store_idx %arg9[%get3A_78], %gather3A_79 {add = true} : memref<10112xf32, #tpu.memory_space<vmem>>[vector<16xi32>], vector<16xf32>,
      %mul3A_80 = arith.constant 128 : i32
      %mul3A_81 = arith.muli %scan3A_17, %mul3A_80 : i32
      %add3A_82 = arith.constant 112 : i32
      %add3A_83 = arith.addi %mul3A_81, %add3A_82 : i32
      %get3A_84 = arith.index_cast %add3A_83 : i32 to index
      %get3A_85 = tpu.vector_load %arg6[%get3A_84] {strides = array<i32>} : memref<10240xi32, #tpu.memory_space<vmem>>, vector<16xi32>,
      %get3A_86 = arith.index_cast %add3A_83 : i32 to index
      %get3A_87 = tpu.vector_load %arg7[%get3A_86] {strides = array<i32>} : memref<10240xi32, #tpu.memory_space<vmem>>, vector<16xi32>,
      %gather3A_88 = tpu.vector_load_idx %arg8[%get3A_85] : memref<10112xf32, #tpu.memory_space<vmem>>[vector<16xi32>], vector<16xf32>,
      tpu.vector_store_idx %arg9[%get3A_87], %gather3A_88 {add = true} : memref<10112xf32, #tpu.memory_space<vmem>>[vector<16xi32>], vector<16xf32>,
      %scan3A_89 = arith.constant 0 : i32
      scf.yield %scan3A_89 : i32
    }
    %scan3A_16 = arith.constant 80 : i32
    "tpu.region"() ({
      %run_scoped3A = tpu.sem_alloc : memref<!tpu.dma_semaphore, #tpu.memory_space<semaphore_mem>>
      %dma_start3A = arith.constant 0 : i32
      %dma_start3A_17 = tpu.memref_slice %arg5[%add3A, %dma_start3A] : memref<32x10112xf32, #tpu.memory_space<hbm>> -> memref<1x10112xf32, #tpu.memory_space<hbm>>
      %dma_start3A_18 = tpu.memref_squeeze %dma_start3A_17 : memref<1x10112xf32, #tpu.memory_space<hbm>> -> memref<10112xf32, #tpu.memory_space<hbm>>
      %dma_start3A_19 = arith.constant 0 : i32
      %dma_start3A_20 = tpu.memref_slice %arg5[%add3A, %dma_start3A_19] : memref<32x10112xf32, #tpu.memory_space<hbm>> -> memref<1x10112xf32, #tpu.memory_space<hbm>>
      %dma_start3A_21 = tpu.memref_squeeze %dma_start3A_20 : memref<1x10112xf32, #tpu.memory_space<hbm>> -> memref<10112xf32, #tpu.memory_space<hbm>>
      tpu.enqueue_dma source(%arg9 : memref<10112xf32, #tpu.memory_space<vmem>>) target(%dma_start3A_21 : memref<10112xf32, #tpu.memory_space<hbm>>) target_semaphore(%run_scoped3A : memref<!tpu.dma_semaphore, #tpu.memory_space<semaphore_mem>>)
      %dma_wait3A = arith.constant 0 : i32
      %dma_wait3A_22 = tpu.memref_slice %arg5[%add3A, %dma_wait3A] : memref<32x10112xf32, #tpu.memory_space<hbm>> -> memref<1x10112xf32, #tpu.memory_space<hbm>>
      %dma_wait3A_23 = tpu.memref_squeeze %dma_wait3A_22 : memref<1x10112xf32, #tpu.memory_space<hbm>> -> memref<10112xf32, #tpu.memory_space<hbm>>
      %dma_wait3A_24 = arith.constant 0 : i32
      %dma_wait3A_25 = tpu.memref_slice %arg5[%add3A, %dma_wait3A_24] : memref<32x10112xf32, #tpu.memory_space<hbm>> -> memref<1x10112xf32, #tpu.memory_space<hbm>>
      %dma_wait3A_26 = tpu.memref_squeeze %dma_wait3A_25 : memref<1x10112xf32, #tpu.memory_space<hbm>> -> memref<10112xf32, #tpu.memory_space<hbm>>
      tpu.wait_dma2 semaphore(%run_scoped3A : memref<!tpu.dma_semaphore, #tpu.memory_space<semaphore_mem>>) src(%arg9 : memref<10112xf32, #tpu.memory_space<vmem>>) dst(%dma_wait3A_26 : memref<10112xf32, #tpu.memory_space<hbm>>)
      tpu.yield
    }) : () -> ()
    return
  }
}

#map = affine_map<(d0, d1) -> (0)>
#map1 = affine_map<(d0, d1) -> (0, 0)>
module attributes {stable_mosaic.version = 14 : i64} {
  func.func @_sc_scalar(%arg0: i32, %arg1: i32, %arg2: memref<10112xf32, #tpu.memory_space<hbm>>, %arg3: memref<327680xi32, #tpu.memory_space<hbm>>, %arg4: memref<327680xi32, #tpu.memory_space<hbm>>, %arg5: memref<32x10112xf32, #tpu.memory_space<hbm>>, %arg6: memref<10240xi32, #tpu.memory_space<vmem>>, %arg7: memref<10240xi32, #tpu.memory_space<vmem>>, %arg8: memref<10112xf32, #tpu.memory_space<vmem>>, %arg9: memref<10112xf32, #tpu.memory_space<vmem>>) attributes {dimension_semantics = [#tpu.dimension_semantics<core_parallel>, #tpu.dimension_semantics<subcore_parallel>], iteration_bounds = array<i64: 2, 16>, scalar_prefetch = 0 : i64, scratch_operands = 4 : i64, tpu.core_type = #tpu.core_type<sc_vector_subcore>, window_params = [{transform_indices = #map}, {transform_indices = #map}, {transform_indices = #map}, {transform_indices = #map1}]} {
    %mul3A = arith.constant 2 : i32
    %mul3A_0 = arith.muli %arg1, %mul3A : i32
    %add3A = arith.addi %mul3A_0, %arg0 : i32
    %broadcast_in_dim3A = arith.constant 0.000000e+00 : f32
    %broadcast_in_dim3A_1 = vector.broadcast %broadcast_in_dim3A : f32 to vector<16xf32>
    %scan3A = arith.constant 0 : i32
    %scan3A_2 = arith.constant 0 : i32
    %scan3A_3 = arith.constant 632 : i32
    %scan3A_4 = arith.addi %scan3A_2, %scan3A_3 : i32
    %scan3A_5 = arith.constant 1 : i32
    %scan3A_6 = scf.for %scan3A_17 = %scan3A_2 to %scan3A_4 step %scan3A_5 iter_args(%scan3A_18 = %scan3A) -> (i32)  : i32 {
      %mul3A_19 = arith.constant 16 : i32
      %mul3A_20 = arith.muli %scan3A_17, %mul3A_19 : i32
      %swap3A = arith.index_cast %mul3A_20 : i32 to index
      %swap3A_21 = tpu.vector_load %arg9[%swap3A] {strides = array<i32>} : memref<10112xf32, #tpu.memory_space<vmem>>, vector<16xf32>,
      tpu.vector_store %arg9[%swap3A], %broadcast_in_dim3A_1 {strides = array<i32>} : memref<10112xf32, #tpu.memory_space<vmem>>, vector<16xf32>,
      %scan3A_22 = arith.constant 0 : i32
      scf.yield %scan3A_22 : i32
    }
    %scan3A_7 = arith.constant 632 : i32
    "tpu.region"() ({
      %run_scoped3A = tpu.sem_alloc : memref<!tpu.dma_semaphore, #tpu.memory_space<semaphore_mem>>
      tpu.enqueue_dma source(%arg2 : memref<10112xf32, #tpu.memory_space<hbm>>) target(%arg8 : memref<10112xf32, #tpu.memory_space<vmem>>) target_semaphore(%run_scoped3A : memref<!tpu.dma_semaphore, #tpu.memory_space<semaphore_mem>>)
      tpu.wait_dma2 semaphore(%run_scoped3A : memref<!tpu.dma_semaphore, #tpu.memory_space<semaphore_mem>>) src(%arg2 : memref<10112xf32, #tpu.memory_space<hbm>>) dst(%arg8 : memref<10112xf32, #tpu.memory_space<vmem>>)
      tpu.yield
    }) : () -> ()
    %mul3A_8 = arith.constant 10240 : i32
    %mul3A_9 = arith.muli %add3A, %mul3A_8 : i32
    "tpu.region"() ({
      %run_scoped3A = tpu.sem_alloc : memref<!tpu.dma_semaphore, #tpu.memory_space<semaphore_mem>>
      %dma_start3A = tpu.memref_slice %arg3[%mul3A_9] : memref<327680xi32, #tpu.memory_space<hbm>> -> memref<10240xi32, #tpu.memory_space<hbm>>
      %dma_start3A_17 = tpu.memref_slice %arg3[%mul3A_9] : memref<327680xi32, #tpu.memory_space<hbm>> -> memref<10240xi32, #tpu.memory_space<hbm>>
      tpu.enqueue_dma source(%dma_start3A_17 : memref<10240xi32, #tpu.memory_space<hbm>>) target(%arg6 : memref<10240xi32, #tpu.memory_space<vmem>>) target_semaphore(%run_scoped3A : memref<!tpu.dma_semaphore, #tpu.memory_space<semaphore_mem>>)
      %dma_wait3A = tpu.memref_slice %arg3[%mul3A_9] : memref<327680xi32, #tpu.memory_space<hbm>> -> memref<10240xi32, #tpu.memory_space<hbm>>
      %dma_wait3A_18 = tpu.memref_slice %arg3[%mul3A_9] : memref<327680xi32, #tpu.memory_space<hbm>> -> memref<10240xi32, #tpu.memory_space<hbm>>
      tpu.wait_dma2 semaphore(%run_scoped3A : memref<!tpu.dma_semaphore, #tpu.memory_space<semaphore_mem>>) src(%dma_wait3A_18 : memref<10240xi32, #tpu.memory_space<hbm>>) dst(%arg6 : memref<10240xi32, #tpu.memory_space<vmem>>)
      tpu.yield
    }) : () -> ()
    "tpu.region"() ({
      %run_scoped3A = tpu.sem_alloc : memref<!tpu.dma_semaphore, #tpu.memory_space<semaphore_mem>>
      %dma_start3A = tpu.memref_slice %arg4[%mul3A_9] : memref<327680xi32, #tpu.memory_space<hbm>> -> memref<10240xi32, #tpu.memory_space<hbm>>
      %dma_start3A_17 = tpu.memref_slice %arg4[%mul3A_9] : memref<327680xi32, #tpu.memory_space<hbm>> -> memref<10240xi32, #tpu.memory_space<hbm>>
      tpu.enqueue_dma source(%dma_start3A_17 : memref<10240xi32, #tpu.memory_space<hbm>>) target(%arg7 : memref<10240xi32, #tpu.memory_space<vmem>>) target_semaphore(%run_scoped3A : memref<!tpu.dma_semaphore, #tpu.memory_space<semaphore_mem>>)
      %dma_wait3A = tpu.memref_slice %arg4[%mul3A_9] : memref<327680xi32, #tpu.memory_space<hbm>> -> memref<10240xi32, #tpu.memory_space<hbm>>
      %dma_wait3A_18 = tpu.memref_slice %arg4[%mul3A_9] : memref<327680xi32, #tpu.memory_space<hbm>> -> memref<10240xi32, #tpu.memory_space<hbm>>
      tpu.wait_dma2 semaphore(%run_scoped3A : memref<!tpu.dma_semaphore, #tpu.memory_space<semaphore_mem>>) src(%dma_wait3A_18 : memref<10240xi32, #tpu.memory_space<hbm>>) dst(%arg7 : memref<10240xi32, #tpu.memory_space<vmem>>)
      tpu.yield
    }) : () -> ()
    %scan3A_10 = arith.constant 0 : i32
    %scan3A_11 = arith.constant 0 : i32
    %scan3A_12 = arith.constant 80 : i32
    %scan3A_13 = arith.addi %scan3A_11, %scan3A_12 : i32
    %scan3A_14 = arith.constant 1 : i32
    %scan3A_15 = scf.for %scan3A_17 = %scan3A_11 to %scan3A_13 step %scan3A_14 iter_args(%scan3A_18 = %scan3A_10) -> (i32)  : i32 {
      %mul3A_19 = arith.constant 128 : i32
      %mul3A_20 = arith.muli %scan3A_17, %mul3A_19 : i32
      %add3A_21 = arith.constant 0 : i32
      %add3A_22 = arith.addi %mul3A_20, %add3A_21 : i32
      %get3A = arith.index_cast %add3A_22 : i32 to index
      %get3A_23 = tpu.vector_load %arg6[%get3A] {strides = array<i32>} : memref<10240xi32, #tpu.memory_space<vmem>>, vector<16xi32>,
      %get3A_24 = arith.index_cast %add3A_22 : i32 to index
      %get3A_25 = tpu.vector_load %arg7[%get3A_24] {strides = array<i32>} : memref<10240xi32, #tpu.memory_space<vmem>>, vector<16xi32>,
      %gather3A = tpu.vector_load_idx %arg8[%get3A_23] : memref<10112xf32, #tpu.memory_space<vmem>>[vector<16xi32>], vector<16xf32>,
      tpu.vector_store_idx %arg9[%get3A_25], %gather3A {add = true} : memref<10112xf32, #tpu.memory_space<vmem>>[vector<16xi32>], vector<16xf32>,
      %mul3A_26 = arith.constant 128 : i32
      %mul3A_27 = arith.muli %scan3A_17, %mul3A_26 : i32
      %add3A_28 = arith.constant 16 : i32
      %add3A_29 = arith.addi %mul3A_27, %add3A_28 : i32
      %get3A_30 = arith.index_cast %add3A_29 : i32 to index
      %get3A_31 = tpu.vector_load %arg6[%get3A_30] {strides = array<i32>} : memref<10240xi32, #tpu.memory_space<vmem>>, vector<16xi32>,
      %get3A_32 = arith.index_cast %add3A_29 : i32 to index
      %get3A_33 = tpu.vector_load %arg7[%get3A_32] {strides = array<i32>} : memref<10240xi32, #tpu.memory_space<vmem>>, vector<16xi32>,
      %gather3A_34 = tpu.vector_load_idx %arg8[%get3A_31] : memref<10112xf32, #tpu.memory_space<vmem>>[vector<16xi32>], vector<16xf32>,
      tpu.vector_store_idx %arg9[%get3A_33], %gather3A_34 {add = true} : memref<10112xf32, #tpu.memory_space<vmem>>[vector<16xi32>], vector<16xf32>,
      %mul3A_35 = arith.constant 128 : i32
      %mul3A_36 = arith.muli %scan3A_17, %mul3A_35 : i32
      %add3A_37 = arith.constant 32 : i32
      %add3A_38 = arith.addi %mul3A_36, %add3A_37 : i32
      %get3A_39 = arith.index_cast %add3A_38 : i32 to index
      %get3A_40 = tpu.vector_load %arg6[%get3A_39] {strides = array<i32>} : memref<10240xi32, #tpu.memory_space<vmem>>, vector<16xi32>,
      %get3A_41 = arith.index_cast %add3A_38 : i32 to index
      %get3A_42 = tpu.vector_load %arg7[%get3A_41] {strides = array<i32>} : memref<10240xi32, #tpu.memory_space<vmem>>, vector<16xi32>,
      %gather3A_43 = tpu.vector_load_idx %arg8[%get3A_40] : memref<10112xf32, #tpu.memory_space<vmem>>[vector<16xi32>], vector<16xf32>,
      tpu.vector_store_idx %arg9[%get3A_42], %gather3A_43 {add = true} : memref<10112xf32, #tpu.memory_space<vmem>>[vector<16xi32>], vector<16xf32>,
      %mul3A_44 = arith.constant 128 : i32
      %mul3A_45 = arith.muli %scan3A_17, %mul3A_44 : i32
      %add3A_46 = arith.constant 48 : i32
      %add3A_47 = arith.addi %mul3A_45, %add3A_46 : i32
      %get3A_48 = arith.index_cast %add3A_47 : i32 to index
      %get3A_49 = tpu.vector_load %arg6[%get3A_48] {strides = array<i32>} : memref<10240xi32, #tpu.memory_space<vmem>>, vector<16xi32>,
      %get3A_50 = arith.index_cast %add3A_47 : i32 to index
      %get3A_51 = tpu.vector_load %arg7[%get3A_50] {strides = array<i32>} : memref<10240xi32, #tpu.memory_space<vmem>>, vector<16xi32>,
      %gather3A_52 = tpu.vector_load_idx %arg8[%get3A_49] : memref<10112xf32, #tpu.memory_space<vmem>>[vector<16xi32>], vector<16xf32>,
      tpu.vector_store_idx %arg9[%get3A_51], %gather3A_52 {add = true} : memref<10112xf32, #tpu.memory_space<vmem>>[vector<16xi32>], vector<16xf32>,
      %mul3A_53 = arith.constant 128 : i32
      %mul3A_54 = arith.muli %scan3A_17, %mul3A_53 : i32
      %add3A_55 = arith.constant 64 : i32
      %add3A_56 = arith.addi %mul3A_54, %add3A_55 : i32
      %get3A_57 = arith.index_cast %add3A_56 : i32 to index
      %get3A_58 = tpu.vector_load %arg6[%get3A_57] {strides = array<i32>} : memref<10240xi32, #tpu.memory_space<vmem>>, vector<16xi32>,
      %get3A_59 = arith.index_cast %add3A_56 : i32 to index
      %get3A_60 = tpu.vector_load %arg7[%get3A_59] {strides = array<i32>} : memref<10240xi32, #tpu.memory_space<vmem>>, vector<16xi32>,
      %gather3A_61 = tpu.vector_load_idx %arg8[%get3A_58] : memref<10112xf32, #tpu.memory_space<vmem>>[vector<16xi32>], vector<16xf32>,
      tpu.vector_store_idx %arg9[%get3A_60], %gather3A_61 {add = true} : memref<10112xf32, #tpu.memory_space<vmem>>[vector<16xi32>], vector<16xf32>,
      %mul3A_62 = arith.constant 128 : i32
      %mul3A_63 = arith.muli %scan3A_17, %mul3A_62 : i32
      %add3A_64 = arith.constant 80 : i32
      %add3A_65 = arith.addi %mul3A_63, %add3A_64 : i32
      %get3A_66 = arith.index_cast %add3A_65 : i32 to index
      %get3A_67 = tpu.vector_load %arg6[%get3A_66] {strides = array<i32>} : memref<10240xi32, #tpu.memory_space<vmem>>, vector<16xi32>,
      %get3A_68 = arith.index_cast %add3A_65 : i32 to index
      %get3A_69 = tpu.vector_load %arg7[%get3A_68] {strides = array<i32>} : memref<10240xi32, #tpu.memory_space<vmem>>, vector<16xi32>,
      %gather3A_70 = tpu.vector_load_idx %arg8[%get3A_67] : memref<10112xf32, #tpu.memory_space<vmem>>[vector<16xi32>], vector<16xf32>,
      tpu.vector_store_idx %arg9[%get3A_69], %gather3A_70 {add = true} : memref<10112xf32, #tpu.memory_space<vmem>>[vector<16xi32>], vector<16xf32>,
      %mul3A_71 = arith.constant 128 : i32
      %mul3A_72 = arith.muli %scan3A_17, %mul3A_71 : i32
      %add3A_73 = arith.constant 96 : i32
      %add3A_74 = arith.addi %mul3A_72, %add3A_73 : i32
      %get3A_75 = arith.index_cast %add3A_74 : i32 to index
      %get3A_76 = tpu.vector_load %arg6[%get3A_75] {strides = array<i32>} : memref<10240xi32, #tpu.memory_space<vmem>>, vector<16xi32>,
      %get3A_77 = arith.index_cast %add3A_74 : i32 to index
      %get3A_78 = tpu.vector_load %arg7[%get3A_77] {strides = array<i32>} : memref<10240xi32, #tpu.memory_space<vmem>>, vector<16xi32>,
      %gather3A_79 = tpu.vector_load_idx %arg8[%get3A_76] : memref<10112xf32, #tpu.memory_space<vmem>>[vector<16xi32>], vector<16xf32>,
      tpu.vector_store_idx %arg9[%get3A_78], %gather3A_79 {add = true} : memref<10112xf32, #tpu.memory_space<vmem>>[vector<16xi32>], vector<16xf32>,
      %mul3A_80 = arith.constant 128 : i32
      %mul3A_81 = arith.muli %scan3A_17, %mul3A_80 : i32
      %add3A_82 = arith.constant 112 : i32
      %add3A_83 = arith.addi %mul3A_81, %add3A_82 : i32
      %get3A_84 = arith.index_cast %add3A_83 : i32 to index
      %get3A_85 = tpu.vector_load %arg6[%get3A_84] {strides = array<i32>} : memref<10240xi32, #tpu.memory_space<vmem>>, vector<16xi32>,
      %get3A_86 = arith.index_cast %add3A_83 : i32 to index
      %get3A_87 = tpu.vector_load %arg7[%get3A_86] {strides = array<i32>} : memref<10240xi32, #tpu.memory_space<vmem>>, vector<16xi32>,
      %gather3A_88 = tpu.vector_load_idx %arg8[%get3A_85] : memref<10112xf32, #tpu.memory_space<vmem>>[vector<16xi32>], vector<16xf32>,
      tpu.vector_store_idx %arg9[%get3A_87], %gather3A_88 {add = true} : memref<10112xf32, #tpu.memory_space<vmem>>[vector<16xi32>], vector<16xf32>,
      %scan3A_89 = arith.constant 0 : i32
      scf.yield %scan3A_89 : i32
    }
    %scan3A_16 = arith.constant 80 : i32
    "tpu.region"() ({
      %run_scoped3A = tpu.sem_alloc : memref<!tpu.dma_semaphore, #tpu.memory_space<semaphore_mem>>
      %dma_start3A = arith.constant 0 : i32
      %dma_start3A_17 = tpu.memref_slice %arg5[%add3A, %dma_start3A] : memref<32x10112xf32, #tpu.memory_space<hbm>> -> memref<1x10112xf32, #tpu.memory_space<hbm>>
      %dma_start3A_18 = tpu.memref_squeeze %dma_start3A_17 : memref<1x10112xf32, #tpu.memory_space<hbm>> -> memref<10112xf32, #tpu.memory_space<hbm>>
      %dma_start3A_19 = arith.constant 0 : i32
      %dma_start3A_20 = tpu.memref_slice %arg5[%add3A, %dma_start3A_19] : memref<32x10112xf32, #tpu.memory_space<hbm>> -> memref<1x10112xf32, #tpu.memory_space<hbm>>
      %dma_start3A_21 = tpu.memref_squeeze %dma_start3A_20 : memref<1x10112xf32, #tpu.memory_space<hbm>> -> memref<10112xf32, #tpu.memory_space<hbm>>
      tpu.enqueue_dma source(%arg9 : memref<10112xf32, #tpu.memory_space<vmem>>) target(%dma_start3A_21 : memref<10112xf32, #tpu.memory_space<hbm>>) target_semaphore(%run_scoped3A : memref<!tpu.dma_semaphore, #tpu.memory_space<semaphore_mem>>)
      %dma_wait3A = arith.constant 0 : i32
      %dma_wait3A_22 = tpu.memref_slice %arg5[%add3A, %dma_wait3A] : memref<32x10112xf32, #tpu.memory_space<hbm>> -> memref<1x10112xf32, #tpu.memory_space<hbm>>
      %dma_wait3A_23 = tpu.memref_squeeze %dma_wait3A_22 : memref<1x10112xf32, #tpu.memory_space<hbm>> -> memref<10112xf32, #tpu.memory_space<hbm>>
      %dma_wait3A_24 = arith.constant 0 : i32
      %dma_wait3A_25 = tpu.memref_slice %arg5[%add3A, %dma_wait3A_24] : memref<32x10112xf32, #tpu.memory_space<hbm>> -> memref<1x10112xf32, #tpu.memory_space<hbm>>
      %dma_wait3A_26 = tpu.memref_squeeze %dma_wait3A_25 : memref<1x10112xf32, #tpu.memory_space<hbm>> -> memref<10112xf32, #tpu.memory_space<hbm>>
      tpu.wait_dma2 semaphore(%run_scoped3A : memref<!tpu.dma_semaphore, #tpu.memory_space<semaphore_mem>>) src(%arg9 : memref<10112xf32, #tpu.memory_space<vmem>>) dst(%dma_wait3A_26 : memref<10112xf32, #tpu.memory_space<hbm>>)
      tpu.yield
    }) : () -> ()
    return
  }
}

#map = affine_map<(d0, d1) -> (0, 0, 0)>
#map1 = affine_map<(d0, d1) -> (0)>
module attributes {stable_mosaic.version = 14 : i64} {
  func.func @_sc_rows(%arg0: i32, %arg1: i32, %arg2: memref<2x10112x64xf32, #tpu.memory_space<hbm>>, %arg3: memref<327680xi32, #tpu.memory_space<hbm>>, %arg4: memref<327680xi32, #tpu.memory_space<hbm>>, %arg5: memref<2x10112x64xf32, #tpu.memory_space<hbm>>, %arg6: memref<20480xi32, #tpu.memory_space<vmem>>, %arg7: memref<128xi32, #tpu.memory_space<vmem>>, %arg8: memref<128xi32, #tpu.memory_space<vmem>>, %arg9: memref<128x64xf32, #tpu.memory_space<vmem>>, %arg10: memref<128x64xf32, #tpu.memory_space<vmem>>, %arg11: memref<10112x64xf32, #tpu.memory_space<vmem_shared>>, %arg12: memref<10112x64xf32, #tpu.memory_space<vmem_shared>>, %arg13: memref<2x!tpu.dma_semaphore, #tpu.memory_space<semaphore_mem>>, %arg14: memref<2x!tpu.dma_semaphore, #tpu.memory_space<semaphore_mem>>, %arg15: memref<2x!tpu.dma_semaphore, #tpu.memory_space<semaphore_mem>>) attributes {dimension_semantics = [#tpu.dimension_semantics<core_parallel>, #tpu.dimension_semantics<subcore_parallel>], iteration_bounds = array<i64: 2, 16>, scalar_prefetch = 0 : i64, scratch_operands = 10 : i64, tpu.core_type = #tpu.core_type<sc_vector_subcore>, window_params = [{transform_indices = #map}, {transform_indices = #map1}, {transform_indices = #map1}, {transform_indices = #map}]} {
    %mul3A = arith.constant 20480 : i32
    %mul3A_0 = arith.muli %arg1, %mul3A : i32
    %mul3A_1 = arith.constant 632 : i32
    %mul3A_2 = arith.muli %arg1, %mul3A_1 : i32
    %broadcast_in_dim3A = arith.constant 0.000000e+00 : f32
    %broadcast_in_dim3A_3 = vector.broadcast %broadcast_in_dim3A : f32 to vector<16xf32>
    %scan3A = arith.constant 0 : i32
    %scan3A_4 = arith.constant 0 : i32
    %scan3A_5 = arith.constant 128 : i32
    %scan3A_6 = arith.addi %scan3A_4, %scan3A_5 : i32
    %scan3A_7 = arith.constant 1 : i32
    %scan3A_8 = scf.for %scan3A_66 = %scan3A_4 to %scan3A_6 step %scan3A_7 iter_args(%scan3A_67 = %scan3A) -> (i32)  : i32 {
      %swap3A = arith.index_cast %scan3A_66 : i32 to index
      %swap3A_68 = arith.constant 0 : index
      %swap3A_69 = tpu.vector_load %arg9[%swap3A, %swap3A_68] {strides = array<i32>} : memref<128x64xf32, #tpu.memory_space<vmem>>, vector<16xf32>,
      tpu.vector_store %arg9[%swap3A, %swap3A_68], %broadcast_in_dim3A_3 {strides = array<i32>} : memref<128x64xf32, #tpu.memory_space<vmem>>, vector<16xf32>,
      %swap3A_70 = arith.index_cast %scan3A_66 : i32 to index
      %swap3A_71 = arith.constant 16 : index
      %swap3A_72 = tpu.vector_load %arg9[%swap3A_70, %swap3A_71] {strides = array<i32>} : memref<128x64xf32, #tpu.memory_space<vmem>>, vector<16xf32>,
      tpu.vector_store %arg9[%swap3A_70, %swap3A_71], %broadcast_in_dim3A_3 {strides = array<i32>} : memref<128x64xf32, #tpu.memory_space<vmem>>, vector<16xf32>,
      %swap3A_73 = arith.index_cast %scan3A_66 : i32 to index
      %swap3A_74 = arith.constant 32 : index
      %swap3A_75 = tpu.vector_load %arg9[%swap3A_73, %swap3A_74] {strides = array<i32>} : memref<128x64xf32, #tpu.memory_space<vmem>>, vector<16xf32>,
      tpu.vector_store %arg9[%swap3A_73, %swap3A_74], %broadcast_in_dim3A_3 {strides = array<i32>} : memref<128x64xf32, #tpu.memory_space<vmem>>, vector<16xf32>,
      %swap3A_76 = arith.index_cast %scan3A_66 : i32 to index
      %swap3A_77 = arith.constant 48 : index
      %swap3A_78 = tpu.vector_load %arg9[%swap3A_76, %swap3A_77] {strides = array<i32>} : memref<128x64xf32, #tpu.memory_space<vmem>>, vector<16xf32>,
      tpu.vector_store %arg9[%swap3A_76, %swap3A_77], %broadcast_in_dim3A_3 {strides = array<i32>} : memref<128x64xf32, #tpu.memory_space<vmem>>, vector<16xf32>,
      %scan3A_79 = arith.constant 0 : i32
      scf.yield %scan3A_79 : i32
    }
    %scan3A_9 = arith.constant 128 : i32
    "tpu.region"() ({
      %run_scoped3A = tpu.sem_alloc : memref<!tpu.dma_semaphore, #tpu.memory_space<semaphore_mem>>
      %dma_start3A_66 = arith.constant 0 : i32
      %dma_start3A_67 = tpu.memref_slice %arg11[%mul3A_2, %dma_start3A_66] : memref<10112x64xf32, #tpu.memory_space<vmem_shared>> -> memref<632x64xf32, #tpu.memory_space<vmem_shared>>
      %dma_start3A_68 = arith.constant 0 : i32
      %dma_start3A_69 = tpu.memref_slice %arg2[%arg0, %mul3A_2, %dma_start3A_68] : memref<2x10112x64xf32, #tpu.memory_space<hbm>> -> memref<1x632x64xf32, #tpu.memory_space<hbm>>
      %dma_start3A_70 = tpu.memref_squeeze %dma_start3A_69 : memref<1x632x64xf32, #tpu.memory_space<hbm>> -> memref<632x64xf32, #tpu.memory_space<hbm>>
      tpu.enqueue_dma source(%dma_start3A_70 : memref<632x64xf32, #tpu.memory_space<hbm>>) target(%dma_start3A_67 : memref<632x64xf32, #tpu.memory_space<vmem_shared>>) target_semaphore(%run_scoped3A : memref<!tpu.dma_semaphore, #tpu.memory_space<semaphore_mem>>)
      %dma_wait3A = arith.constant 0 : i32
      %dma_wait3A_71 = tpu.memref_slice %arg11[%mul3A_2, %dma_wait3A] : memref<10112x64xf32, #tpu.memory_space<vmem_shared>> -> memref<632x64xf32, #tpu.memory_space<vmem_shared>>
      %dma_wait3A_72 = arith.constant 0 : i32
      %dma_wait3A_73 = tpu.memref_slice %arg2[%arg0, %mul3A_2, %dma_wait3A_72] : memref<2x10112x64xf32, #tpu.memory_space<hbm>> -> memref<1x632x64xf32, #tpu.memory_space<hbm>>
      %dma_wait3A_74 = tpu.memref_squeeze %dma_wait3A_73 : memref<1x632x64xf32, #tpu.memory_space<hbm>> -> memref<632x64xf32, #tpu.memory_space<hbm>>
      tpu.wait_dma2 semaphore(%run_scoped3A : memref<!tpu.dma_semaphore, #tpu.memory_space<semaphore_mem>>) src(%dma_wait3A_74 : memref<632x64xf32, #tpu.memory_space<hbm>>) dst(%dma_wait3A_71 : memref<632x64xf32, #tpu.memory_space<vmem_shared>>)
      tpu.yield
    }) : () -> ()
    %mul3A_10 = arith.constant 632 : i32
    %mul3A_11 = arith.muli %arg1, %mul3A_10 : i32
    %add3A = arith.constant 0 : i32
    %add3A_12 = arith.addi %mul3A_11, %add3A : i32
    "tpu.region"() ({
      %run_scoped3A = tpu.sem_alloc : memref<!tpu.dma_semaphore, #tpu.memory_space<semaphore_mem>>
      %dma_start3A_66 = arith.constant 0 : i32
      %dma_start3A_67 = tpu.memref_slice %arg12[%add3A_12, %dma_start3A_66] : memref<10112x64xf32, #tpu.memory_space<vmem_shared>> -> memref<128x64xf32, #tpu.memory_space<vmem_shared>>
      %dma_start3A_68 = arith.constant 0 : i32
      %dma_start3A_69 = tpu.memref_slice %arg12[%add3A_12, %dma_start3A_68] : memref<10112x64xf32, #tpu.memory_space<vmem_shared>> -> memref<128x64xf32, #tpu.memory_space<vmem_shared>>
      tpu.enqueue_dma source(%arg9 : memref<128x64xf32, #tpu.memory_space<vmem>>) target(%dma_start3A_69 : memref<128x64xf32, #tpu.memory_space<vmem_shared>>) target_semaphore(%run_scoped3A : memref<!tpu.dma_semaphore, #tpu.memory_space<semaphore_mem>>)
      %dma_wait3A = arith.constant 0 : i32
      %dma_wait3A_70 = tpu.memref_slice %arg12[%add3A_12, %dma_wait3A] : memref<10112x64xf32, #tpu.memory_space<vmem_shared>> -> memref<128x64xf32, #tpu.memory_space<vmem_shared>>
      %dma_wait3A_71 = arith.constant 0 : i32
      %dma_wait3A_72 = tpu.memref_slice %arg12[%add3A_12, %dma_wait3A_71] : memref<10112x64xf32, #tpu.memory_space<vmem_shared>> -> memref<128x64xf32, #tpu.memory_space<vmem_shared>>
      tpu.wait_dma2 semaphore(%run_scoped3A : memref<!tpu.dma_semaphore, #tpu.memory_space<semaphore_mem>>) src(%arg9 : memref<128x64xf32, #tpu.memory_space<vmem>>) dst(%dma_wait3A_72 : memref<128x64xf32, #tpu.memory_space<vmem_shared>>)
      tpu.yield
    }) : () -> ()
    %mul3A_13 = arith.constant 632 : i32
    %mul3A_14 = arith.muli %arg1, %mul3A_13 : i32
    %add3A_15 = arith.constant 128 : i32
    %add3A_16 = arith.addi %mul3A_14, %add3A_15 : i32
    "tpu.region"() ({
      %run_scoped3A = tpu.sem_alloc : memref<!tpu.dma_semaphore, #tpu.memory_space<semaphore_mem>>
      %dma_start3A_66 = arith.constant 0 : i32
      %dma_start3A_67 = tpu.memref_slice %arg12[%add3A_16, %dma_start3A_66] : memref<10112x64xf32, #tpu.memory_space<vmem_shared>> -> memref<128x64xf32, #tpu.memory_space<vmem_shared>>
      %dma_start3A_68 = arith.constant 0 : i32
      %dma_start3A_69 = tpu.memref_slice %arg12[%add3A_16, %dma_start3A_68] : memref<10112x64xf32, #tpu.memory_space<vmem_shared>> -> memref<128x64xf32, #tpu.memory_space<vmem_shared>>
      tpu.enqueue_dma source(%arg9 : memref<128x64xf32, #tpu.memory_space<vmem>>) target(%dma_start3A_69 : memref<128x64xf32, #tpu.memory_space<vmem_shared>>) target_semaphore(%run_scoped3A : memref<!tpu.dma_semaphore, #tpu.memory_space<semaphore_mem>>)
      %dma_wait3A = arith.constant 0 : i32
      %dma_wait3A_70 = tpu.memref_slice %arg12[%add3A_16, %dma_wait3A] : memref<10112x64xf32, #tpu.memory_space<vmem_shared>> -> memref<128x64xf32, #tpu.memory_space<vmem_shared>>
      %dma_wait3A_71 = arith.constant 0 : i32
      %dma_wait3A_72 = tpu.memref_slice %arg12[%add3A_16, %dma_wait3A_71] : memref<10112x64xf32, #tpu.memory_space<vmem_shared>> -> memref<128x64xf32, #tpu.memory_space<vmem_shared>>
      tpu.wait_dma2 semaphore(%run_scoped3A : memref<!tpu.dma_semaphore, #tpu.memory_space<semaphore_mem>>) src(%arg9 : memref<128x64xf32, #tpu.memory_space<vmem>>) dst(%dma_wait3A_72 : memref<128x64xf32, #tpu.memory_space<vmem_shared>>)
      tpu.yield
    }) : () -> ()
    %mul3A_17 = arith.constant 632 : i32
    %mul3A_18 = arith.muli %arg1, %mul3A_17 : i32
    %add3A_19 = arith.constant 256 : i32
    %add3A_20 = arith.addi %mul3A_18, %add3A_19 : i32
    "tpu.region"() ({
      %run_scoped3A = tpu.sem_alloc : memref<!tpu.dma_semaphore, #tpu.memory_space<semaphore_mem>>
      %dma_start3A_66 = arith.constant 0 : i32
      %dma_start3A_67 = tpu.memref_slice %arg12[%add3A_20, %dma_start3A_66] : memref<10112x64xf32, #tpu.memory_space<vmem_shared>> -> memref<128x64xf32, #tpu.memory_space<vmem_shared>>
      %dma_start3A_68 = arith.constant 0 : i32
      %dma_start3A_69 = tpu.memref_slice %arg12[%add3A_20, %dma_start3A_68] : memref<10112x64xf32, #tpu.memory_space<vmem_shared>> -> memref<128x64xf32, #tpu.memory_space<vmem_shared>>
      tpu.enqueue_dma source(%arg9 : memref<128x64xf32, #tpu.memory_space<vmem>>) target(%dma_start3A_69 : memref<128x64xf32, #tpu.memory_space<vmem_shared>>) target_semaphore(%run_scoped3A : memref<!tpu.dma_semaphore, #tpu.memory_space<semaphore_mem>>)
      %dma_wait3A = arith.constant 0 : i32
      %dma_wait3A_70 = tpu.memref_slice %arg12[%add3A_20, %dma_wait3A] : memref<10112x64xf32, #tpu.memory_space<vmem_shared>> -> memref<128x64xf32, #tpu.memory_space<vmem_shared>>
      %dma_wait3A_71 = arith.constant 0 : i32
      %dma_wait3A_72 = tpu.memref_slice %arg12[%add3A_20, %dma_wait3A_71] : memref<10112x64xf32, #tpu.memory_space<vmem_shared>> -> memref<128x64xf32, #tpu.memory_space<vmem_shared>>
      tpu.wait_dma2 semaphore(%run_scoped3A : memref<!tpu.dma_semaphore, #tpu.memory_space<semaphore_mem>>) src(%arg9 : memref<128x64xf32, #tpu.memory_space<vmem>>) dst(%dma_wait3A_72 : memref<128x64xf32, #tpu.memory_space<vmem_shared>>)
      tpu.yield
    }) : () -> ()
    %mul3A_21 = arith.constant 632 : i32
    %mul3A_22 = arith.muli %arg1, %mul3A_21 : i32
    %add3A_23 = arith.constant 384 : i32
    %add3A_24 = arith.addi %mul3A_22, %add3A_23 : i32
    "tpu.region"() ({
      %run_scoped3A = tpu.sem_alloc : memref<!tpu.dma_semaphore, #tpu.memory_space<semaphore_mem>>
      %dma_start3A_66 = arith.constant 0 : i32
      %dma_start3A_67 = tpu.memref_slice %arg12[%add3A_24, %dma_start3A_66] : memref<10112x64xf32, #tpu.memory_space<vmem_shared>> -> memref<128x64xf32, #tpu.memory_space<vmem_shared>>
      %dma_start3A_68 = arith.constant 0 : i32
      %dma_start3A_69 = tpu.memref_slice %arg12[%add3A_24, %dma_start3A_68] : memref<10112x64xf32, #tpu.memory_space<vmem_shared>> -> memref<128x64xf32, #tpu.memory_space<vmem_shared>>
      tpu.enqueue_dma source(%arg9 : memref<128x64xf32, #tpu.memory_space<vmem>>) target(%dma_start3A_69 : memref<128x64xf32, #tpu.memory_space<vmem_shared>>) target_semaphore(%run_scoped3A : memref<!tpu.dma_semaphore, #tpu.memory_space<semaphore_mem>>)
      %dma_wait3A = arith.constant 0 : i32
      %dma_wait3A_70 = tpu.memref_slice %arg12[%add3A_24, %dma_wait3A] : memref<10112x64xf32, #tpu.memory_space<vmem_shared>> -> memref<128x64xf32, #tpu.memory_space<vmem_shared>>
      %dma_wait3A_71 = arith.constant 0 : i32
      %dma_wait3A_72 = tpu.memref_slice %arg12[%add3A_24, %dma_wait3A_71] : memref<10112x64xf32, #tpu.memory_space<vmem_shared>> -> memref<128x64xf32, #tpu.memory_space<vmem_shared>>
      tpu.wait_dma2 semaphore(%run_scoped3A : memref<!tpu.dma_semaphore, #tpu.memory_space<semaphore_mem>>) src(%arg9 : memref<128x64xf32, #tpu.memory_space<vmem>>) dst(%dma_wait3A_72 : memref<128x64xf32, #tpu.memory_space<vmem_shared>>)
      tpu.yield
    }) : () -> ()
    %mul3A_25 = arith.constant 632 : i32
    %mul3A_26 = arith.muli %arg1, %mul3A_25 : i32
    %add3A_27 = arith.constant 512 : i32
    %add3A_28 = arith.addi %mul3A_26, %add3A_27 : i32
    "tpu.region"() ({
      %run_scoped3A = tpu.sem_alloc : memref<!tpu.dma_semaphore, #tpu.memory_space<semaphore_mem>>
      %dma_start3A_66 = arith.constant 0 : i32
      %dma_start3A_67 = arith.constant 0 : i32
      %dma_start3A_68 = tpu.memref_slice %arg9[%dma_start3A_66, %dma_start3A_67] : memref<128x64xf32, #tpu.memory_space<vmem>> -> memref<120x64xf32, #tpu.memory_space<vmem>>
      %dma_start3A_69 = arith.constant 0 : i32
      %dma_start3A_70 = tpu.memref_slice %arg12[%add3A_28, %dma_start3A_69] : memref<10112x64xf32, #tpu.memory_space<vmem_shared>> -> memref<120x64xf32, #tpu.memory_space<vmem_shared>>
      %dma_start3A_71 = arith.constant 0 : i32
      %dma_start3A_72 = tpu.memref_slice %arg12[%add3A_28, %dma_start3A_71] : memref<10112x64xf32, #tpu.memory_space<vmem_shared>> -> memref<120x64xf32, #tpu.memory_space<vmem_shared>>
      %dma_start3A_73 = arith.constant 0 : i32
      %dma_start3A_74 = arith.constant 0 : i32
      %dma_start3A_75 = tpu.memref_slice %arg9[%dma_start3A_73, %dma_start3A_74] : memref<128x64xf32, #tpu.memory_space<vmem>> -> memref<120x64xf32, #tpu.memory_space<vmem>>
      tpu.enqueue_dma source(%dma_start3A_75 : memref<120x64xf32, #tpu.memory_space<vmem>>) target(%dma_start3A_72 : memref<120x64xf32, #tpu.memory_space<vmem_shared>>) target_semaphore(%run_scoped3A : memref<!tpu.dma_semaphore, #tpu.memory_space<semaphore_mem>>)
      %dma_wait3A = arith.constant 0 : i32
      %dma_wait3A_76 = arith.constant 0 : i32
      %dma_wait3A_77 = tpu.memref_slice %arg9[%dma_wait3A, %dma_wait3A_76] : memref<128x64xf32, #tpu.memory_space<vmem>> -> memref<120x64xf32, #tpu.memory_space<vmem>>
      %dma_wait3A_78 = arith.constant 0 : i32
      %dma_wait3A_79 = tpu.memref_slice %arg12[%add3A_28, %dma_wait3A_78] : memref<10112x64xf32, #tpu.memory_space<vmem_shared>> -> memref<120x64xf32, #tpu.memory_space<vmem_shared>>
      %dma_wait3A_80 = arith.constant 0 : i32
      %dma_wait3A_81 = tpu.memref_slice %arg12[%add3A_28, %dma_wait3A_80] : memref<10112x64xf32, #tpu.memory_space<vmem_shared>> -> memref<120x64xf32, #tpu.memory_space<vmem_shared>>
      %dma_wait3A_82 = arith.constant 0 : i32
      %dma_wait3A_83 = arith.constant 0 : i32
      %dma_wait3A_84 = tpu.memref_slice %arg9[%dma_wait3A_82, %dma_wait3A_83] : memref<128x64xf32, #tpu.memory_space<vmem>> -> memref<120x64xf32, #tpu.memory_space<vmem>>
      tpu.wait_dma2 semaphore(%run_scoped3A : memref<!tpu.dma_semaphore, #tpu.memory_space<semaphore_mem>>) src(%dma_wait3A_84 : memref<120x64xf32, #tpu.memory_space<vmem>>) dst(%dma_wait3A_81 : memref<120x64xf32, #tpu.memory_space<vmem_shared>>)
      tpu.yield
    }) : () -> ()
    "tpu.region"() ({
      %run_scoped3A = tpu.sem_alloc : memref<!tpu.dma_semaphore, #tpu.memory_space<semaphore_mem>>
      %dma_start3A_66 = tpu.memref_slice %arg3[%mul3A_0] : memref<327680xi32, #tpu.memory_space<hbm>> -> memref<20480xi32, #tpu.memory_space<hbm>>
      %dma_start3A_67 = tpu.memref_slice %arg3[%mul3A_0] : memref<327680xi32, #tpu.memory_space<hbm>> -> memref<20480xi32, #tpu.memory_space<hbm>>
      tpu.enqueue_dma source(%dma_start3A_67 : memref<20480xi32, #tpu.memory_space<hbm>>) target(%arg6 : memref<20480xi32, #tpu.memory_space<vmem>>) target_semaphore(%run_scoped3A : memref<!tpu.dma_semaphore, #tpu.memory_space<semaphore_mem>>)
      %dma_wait3A = tpu.memref_slice %arg3[%mul3A_0] : memref<327680xi32, #tpu.memory_space<hbm>> -> memref<20480xi32, #tpu.memory_space<hbm>>
      %dma_wait3A_68 = tpu.memref_slice %arg3[%mul3A_0] : memref<327680xi32, #tpu.memory_space<hbm>> -> memref<20480xi32, #tpu.memory_space<hbm>>
      tpu.wait_dma2 semaphore(%run_scoped3A : memref<!tpu.dma_semaphore, #tpu.memory_space<semaphore_mem>>) src(%dma_wait3A_68 : memref<20480xi32, #tpu.memory_space<hbm>>) dst(%arg6 : memref<20480xi32, #tpu.memory_space<vmem>>)
      tpu.yield
    }) : () -> ()
    %barrier3A = arith.constant 0 : index
    tpu.barrier barrier_id(%barrier3A)
    %add3A_29 = arith.constant 0 : i32
    %add3A_30 = arith.addi %mul3A_0, %add3A_29 : i32
    %dma_start3A = arith.constant 0 : i32
    %dma_start3A_31 = tpu.memref_slice %arg4[%add3A_30] : memref<327680xi32, #tpu.memory_space<hbm>> -> memref<128xi32, #tpu.memory_space<hbm>>
    %dma_start3A_32 = tpu.memref_slice %arg13[%dma_start3A] : memref<2x!tpu.dma_semaphore, #tpu.memory_space<semaphore_mem>> -> memref<1x!tpu.dma_semaphore, #tpu.memory_space<semaphore_mem>>
    %dma_start3A_33 = tpu.memref_squeeze %dma_start3A_32 : memref<1x!tpu.dma_semaphore, #tpu.memory_space<semaphore_mem>> -> memref<!tpu.dma_semaphore, #tpu.memory_space<semaphore_mem>>
    %dma_start3A_34 = tpu.memref_slice %arg4[%add3A_30] : memref<327680xi32, #tpu.memory_space<hbm>> -> memref<128xi32, #tpu.memory_space<hbm>>
    tpu.enqueue_dma source(%dma_start3A_34 : memref<128xi32, #tpu.memory_space<hbm>>) target(%arg7 : memref<128xi32, #tpu.memory_space<vmem>>) target_semaphore(%dma_start3A_33 : memref<!tpu.dma_semaphore, #tpu.memory_space<semaphore_mem>>)
    %dma_start3A_35 = arith.constant 0 : i32
    %dma_start3A_36 = arith.constant 0 : i32
    %dma_start3A_37 = tpu.memref_slice %arg6[%dma_start3A_36] : memref<20480xi32, #tpu.memory_space<vmem>> -> memref<128xi32, #tpu.memory_space<vmem>>
    %dma_start3A_38 = arith.constant 0 : i32
    %dma_start3A_39 = arith.constant 0 : i32
    %dma_start3A_40 = tpu.memref_slice %arg11[%dma_start3A_38, %dma_start3A_39] : memref<10112x64xf32, #tpu.memory_space<vmem_shared>> -> memref<10112x64xf32, #tpu.memory_space<vmem_shared>>
    %dma_start3A_41 = tpu.memref_slice %arg14[%dma_start3A_35] : memref<2x!tpu.dma_semaphore, #tpu.memory_space<semaphore_mem>> -> memref<1x!tpu.dma_semaphore, #tpu.memory_space<semaphore_mem>>
    %dma_start3A_42 = tpu.memref_squeeze %dma_start3A_41 : memref<1x!tpu.dma_semaphore, #tpu.memory_space<semaphore_mem>> -> memref<!tpu.dma_semaphore, #tpu.memory_space<semaphore_mem>>
    tpu.enqueue_indirect_dma source(%dma_start3A_40 : memref<10112x64xf32, #tpu.memory_space<vmem_shared>>) target(%arg9 : memref<128x64xf32, #tpu.memory_space<vmem>>) offsets(%dma_start3A_37 : memref<128xi32, #tpu.memory_space<vmem>>) semaphore(%dma_start3A_42 : memref<!tpu.dma_semaphore, #tpu.memory_space<semaphore_mem>>)
    %add3A_43 = arith.constant 128 : i32
    %add3A_44 = arith.addi %mul3A_0, %add3A_43 : i32
    %dma_start3A_45 = arith.constant 1 : i32
    %dma_start3A_46 = tpu.memref_slice %arg4[%add3A_44] : memref<327680xi32, #tpu.memory_space<hbm>> -> memref<128xi32, #tpu.memory_space<hbm>>
    %dma_start3A_47 = tpu.memref_slice %arg13[%dma_start3A_45] : memref<2x!tpu.dma_semaphore, #tpu.memory_space<semaphore_mem>> -> memref<1x!tpu.dma_semaphore, #tpu.memory_space<semaphore_mem>>
    %dma_start3A_48 = tpu.memref_squeeze %dma_start3A_47 : memref<1x!tpu.dma_semaphore, #tpu.memory_space<semaphore_mem>> -> memref<!tpu.dma_semaphore, #tpu.memory_space<semaphore_mem>>
    %dma_start3A_49 = tpu.memref_slice %arg4[%add3A_44] : memref<327680xi32, #tpu.memory_space<hbm>> -> memref<128xi32, #tpu.memory_space<hbm>>
    tpu.enqueue_dma source(%dma_start3A_49 : memref<128xi32, #tpu.memory_space<hbm>>) target(%arg8 : memref<128xi32, #tpu.memory_space<vmem>>) target_semaphore(%dma_start3A_48 : memref<!tpu.dma_semaphore, #tpu.memory_space<semaphore_mem>>)
    %dma_start3A_50 = arith.constant 1 : i32
    %dma_start3A_51 = arith.constant 128 : i32
    %dma_start3A_52 = tpu.memref_slice %arg6[%dma_start3A_51] : memref<20480xi32, #tpu.memory_space<vmem>> -> memref<128xi32, #tpu.memory_space<vmem>>
    %dma_start3A_53 = arith.constant 0 : i32
    %dma_start3A_54 = arith.constant 0 : i32
    %dma_start3A_55 = tpu.memref_slice %arg11[%dma_start3A_53, %dma_start3A_54] : memref<10112x64xf32, #tpu.memory_space<vmem_shared>> -> memref<10112x64xf32, #tpu.memory_space<vmem_shared>>
    %dma_start3A_56 = tpu.memref_slice %arg14[%dma_start3A_50] : memref<2x!tpu.dma_semaphore, #tpu.memory_space<semaphore_mem>> -> memref<1x!tpu.dma_semaphore, #tpu.memory_space<semaphore_mem>>
    %dma_start3A_57 = tpu.memref_squeeze %dma_start3A_56 : memref<1x!tpu.dma_semaphore, #tpu.memory_space<semaphore_mem>> -> memref<!tpu.dma_semaphore, #tpu.memory_space<semaphore_mem>>
    tpu.enqueue_indirect_dma source(%dma_start3A_55 : memref<10112x64xf32, #tpu.memory_space<vmem_shared>>) target(%arg10 : memref<128x64xf32, #tpu.memory_space<vmem>>) offsets(%dma_start3A_52 : memref<128xi32, #tpu.memory_space<vmem>>) semaphore(%dma_start3A_57 : memref<!tpu.dma_semaphore, #tpu.memory_space<semaphore_mem>>)
    %scan3A_58 = arith.constant 0 : i32
    %scan3A_59 = arith.constant 0 : i32
    %scan3A_60 = arith.constant 80 : i32
    %scan3A_61 = arith.addi %scan3A_59, %scan3A_60 : i32
    %scan3A_62 = arith.constant 1 : i32
    %scan3A_63 = scf.for %scan3A_66 = %scan3A_59 to %scan3A_61 step %scan3A_62 iter_args(%scan3A_67 = %scan3A_58) -> (i32)  : i32 {
      %mul3A_68 = arith.constant 2 : i32
      %mul3A_69 = arith.muli %scan3A_66, %mul3A_68 : i32
      %add3A_70 = arith.constant 0 : i32
      %add3A_71 = arith.addi %mul3A_69, %add3A_70 : i32
      %mul3A_72 = arith.constant 128 : i32
      %mul3A_73 = arith.muli %add3A_71, %mul3A_72 : i32
      %add3A_74 = arith.addi %mul3A_0, %mul3A_73 : i32
      %dma_wait3A = arith.constant 0 : i32
      %dma_wait3A_75 = tpu.memref_slice %arg4[%add3A_74] : memref<327680xi32, #tpu.memory_space<hbm>> -> memref<128xi32, #tpu.memory_space<hbm>>
      %dma_wait3A_76 = tpu.memref_slice %arg13[%dma_wait3A] : memref<2x!tpu.dma_semaphore, #tpu.memory_space<semaphore_mem>> -> memref<1x!tpu.dma_semaphore, #tpu.memory_space<semaphore_mem>>
      %dma_wait3A_77 = tpu.memref_squeeze %dma_wait3A_76 : memref<1x!tpu.dma_semaphore, #tpu.memory_space<semaphore_mem>> -> memref<!tpu.dma_semaphore, #tpu.memory_space<semaphore_mem>>
      %dma_wait3A_78 = tpu.memref_slice %arg4[%add3A_74] : memref<327680xi32, #tpu.memory_space<hbm>> -> memref<128xi32, #tpu.memory_space<hbm>>
      tpu.wait_dma2 semaphore(%dma_wait3A_77 : memref<!tpu.dma_semaphore, #tpu.memory_space<semaphore_mem>>) src(%dma_wait3A_78 : memref<128xi32, #tpu.memory_space<hbm>>) dst(%arg7 : memref<128xi32, #tpu.memory_space<vmem>>)
      %mul3A_79 = arith.constant 128 : i32
      %mul3A_80 = arith.muli %add3A_71, %mul3A_79 : i32
      %dma_wait3A_81 = arith.constant 0 : i32
      %dma_wait3A_82 = tpu.memref_slice %arg6[%mul3A_80] : memref<20480xi32, #tpu.memory_space<vmem>> -> memref<128xi32, #tpu.memory_space<vmem>>
      %dma_wait3A_83 = arith.constant 0 : i32
      %dma_wait3A_84 = arith.constant 0 : i32
      %dma_wait3A_85 = tpu.memref_slice %arg11[%dma_wait3A_83, %dma_wait3A_84] : memref<10112x64xf32, #tpu.memory_space<vmem_shared>> -> memref<10112x64xf32, #tpu.memory_space<vmem_shared>>
      %dma_wait3A_86 = tpu.memref_slice %arg14[%dma_wait3A_81] : memref<2x!tpu.dma_semaphore, #tpu.memory_space<semaphore_mem>> -> memref<1x!tpu.dma_semaphore, #tpu.memory_space<semaphore_mem>>
      %dma_wait3A_87 = tpu.memref_squeeze %dma_wait3A_86 : memref<1x!tpu.dma_semaphore, #tpu.memory_space<semaphore_mem>> -> memref<!tpu.dma_semaphore, #tpu.memory_space<semaphore_mem>>
      tpu.wait_indirect_dma semaphore(%dma_wait3A_87 : memref<!tpu.dma_semaphore, #tpu.memory_space<semaphore_mem>>) src(%dma_wait3A_85 : memref<10112x64xf32, #tpu.memory_space<vmem_shared>>) dst(%arg9 : memref<128x64xf32, #tpu.memory_space<vmem>>)
      %dma_start3A_88 = arith.constant 0 : i32
      %dma_start3A_89 = arith.constant 0 : i32
      %dma_start3A_90 = arith.constant 0 : i32
      %dma_start3A_91 = tpu.memref_slice %arg12[%dma_start3A_89, %dma_start3A_90] : memref<10112x64xf32, #tpu.memory_space<vmem_shared>> -> memref<10112x64xf32, #tpu.memory_space<vmem_shared>>
      %dma_start3A_92 = tpu.memref_slice %arg15[%dma_start3A_88] : memref<2x!tpu.dma_semaphore, #tpu.memory_space<semaphore_mem>> -> memref<1x!tpu.dma_semaphore, #tpu.memory_space<semaphore_mem>>
      %dma_start3A_93 = tpu.memref_squeeze %dma_start3A_92 : memref<1x!tpu.dma_semaphore, #tpu.memory_space<semaphore_mem>> -> memref<!tpu.dma_semaphore, #tpu.memory_space<semaphore_mem>>
      tpu.enqueue_indirect_dma source(%arg9 : memref<128x64xf32, #tpu.memory_space<vmem>>) target(%dma_start3A_91 : memref<10112x64xf32, #tpu.memory_space<vmem_shared>>) offsets(%arg7 : memref<128xi32, #tpu.memory_space<vmem>>) semaphore(%dma_start3A_93 : memref<!tpu.dma_semaphore, #tpu.memory_space<semaphore_mem>>) {add = true}
      %mul3A_94 = arith.constant 2 : i32
      %mul3A_95 = arith.muli %scan3A_66, %mul3A_94 : i32
      %add3A_96 = arith.constant 1 : i32
      %add3A_97 = arith.addi %mul3A_95, %add3A_96 : i32
      %mul3A_98 = arith.constant 128 : i32
      %mul3A_99 = arith.muli %add3A_97, %mul3A_98 : i32
      %add3A_100 = arith.addi %mul3A_0, %mul3A_99 : i32
      %dma_wait3A_101 = arith.constant 1 : i32
      %dma_wait3A_102 = tpu.memref_slice %arg4[%add3A_100] : memref<327680xi32, #tpu.memory_space<hbm>> -> memref<128xi32, #tpu.memory_space<hbm>>
      %dma_wait3A_103 = tpu.memref_slice %arg13[%dma_wait3A_101] : memref<2x!tpu.dma_semaphore, #tpu.memory_space<semaphore_mem>> -> memref<1x!tpu.dma_semaphore, #tpu.memory_space<semaphore_mem>>
      %dma_wait3A_104 = tpu.memref_squeeze %dma_wait3A_103 : memref<1x!tpu.dma_semaphore, #tpu.memory_space<semaphore_mem>> -> memref<!tpu.dma_semaphore, #tpu.memory_space<semaphore_mem>>
      %dma_wait3A_105 = tpu.memref_slice %arg4[%add3A_100] : memref<327680xi32, #tpu.memory_space<hbm>> -> memref<128xi32, #tpu.memory_space<hbm>>
      tpu.wait_dma2 semaphore(%dma_wait3A_104 : memref<!tpu.dma_semaphore, #tpu.memory_space<semaphore_mem>>) src(%dma_wait3A_105 : memref<128xi32, #tpu.memory_space<hbm>>) dst(%arg8 : memref<128xi32, #tpu.memory_space<vmem>>)
      %mul3A_106 = arith.constant 128 : i32
      %mul3A_107 = arith.muli %add3A_97, %mul3A_106 : i32
      %dma_wait3A_108 = arith.constant 1 : i32
      %dma_wait3A_109 = tpu.memref_slice %arg6[%mul3A_107] : memref<20480xi32, #tpu.memory_space<vmem>> -> memref<128xi32, #tpu.memory_space<vmem>>
      %dma_wait3A_110 = arith.constant 0 : i32
      %dma_wait3A_111 = arith.constant 0 : i32
      %dma_wait3A_112 = tpu.memref_slice %arg11[%dma_wait3A_110, %dma_wait3A_111] : memref<10112x64xf32, #tpu.memory_space<vmem_shared>> -> memref<10112x64xf32, #tpu.memory_space<vmem_shared>>
      %dma_wait3A_113 = tpu.memref_slice %arg14[%dma_wait3A_108] : memref<2x!tpu.dma_semaphore, #tpu.memory_space<semaphore_mem>> -> memref<1x!tpu.dma_semaphore, #tpu.memory_space<semaphore_mem>>
      %dma_wait3A_114 = tpu.memref_squeeze %dma_wait3A_113 : memref<1x!tpu.dma_semaphore, #tpu.memory_space<semaphore_mem>> -> memref<!tpu.dma_semaphore, #tpu.memory_space<semaphore_mem>>
      tpu.wait_indirect_dma semaphore(%dma_wait3A_114 : memref<!tpu.dma_semaphore, #tpu.memory_space<semaphore_mem>>) src(%dma_wait3A_112 : memref<10112x64xf32, #tpu.memory_space<vmem_shared>>) dst(%arg10 : memref<128x64xf32, #tpu.memory_space<vmem>>)
      %dma_start3A_115 = arith.constant 1 : i32
      %dma_start3A_116 = arith.constant 0 : i32
      %dma_start3A_117 = arith.constant 0 : i32
      %dma_start3A_118 = tpu.memref_slice %arg12[%dma_start3A_116, %dma_start3A_117] : memref<10112x64xf32, #tpu.memory_space<vmem_shared>> -> memref<10112x64xf32, #tpu.memory_space<vmem_shared>>
      %dma_start3A_119 = tpu.memref_slice %arg15[%dma_start3A_115] : memref<2x!tpu.dma_semaphore, #tpu.memory_space<semaphore_mem>> -> memref<1x!tpu.dma_semaphore, #tpu.memory_space<semaphore_mem>>
      %dma_start3A_120 = tpu.memref_squeeze %dma_start3A_119 : memref<1x!tpu.dma_semaphore, #tpu.memory_space<semaphore_mem>> -> memref<!tpu.dma_semaphore, #tpu.memory_space<semaphore_mem>>
      tpu.enqueue_indirect_dma source(%arg10 : memref<128x64xf32, #tpu.memory_space<vmem>>) target(%dma_start3A_118 : memref<10112x64xf32, #tpu.memory_space<vmem_shared>>) offsets(%arg8 : memref<128xi32, #tpu.memory_space<vmem>>) semaphore(%dma_start3A_120 : memref<!tpu.dma_semaphore, #tpu.memory_space<semaphore_mem>>) {add = true}
      %dma_wait3A_121 = arith.constant 0 : i32
      %dma_wait3A_122 = arith.constant 0 : i32
      %dma_wait3A_123 = arith.constant 0 : i32
      %dma_wait3A_124 = tpu.memref_slice %arg12[%dma_wait3A_122, %dma_wait3A_123] : memref<10112x64xf32, #tpu.memory_space<vmem_shared>> -> memref<10112x64xf32, #tpu.memory_space<vmem_shared>>
      %dma_wait3A_125 = tpu.memref_slice %arg15[%dma_wait3A_121] : memref<2x!tpu.dma_semaphore, #tpu.memory_space<semaphore_mem>> -> memref<1x!tpu.dma_semaphore, #tpu.memory_space<semaphore_mem>>
      %dma_wait3A_126 = tpu.memref_squeeze %dma_wait3A_125 : memref<1x!tpu.dma_semaphore, #tpu.memory_space<semaphore_mem>> -> memref<!tpu.dma_semaphore, #tpu.memory_space<semaphore_mem>>
      tpu.wait_indirect_dma semaphore(%dma_wait3A_126 : memref<!tpu.dma_semaphore, #tpu.memory_space<semaphore_mem>>) src(%arg9 : memref<128x64xf32, #tpu.memory_space<vmem>>) dst(%dma_wait3A_124 : memref<10112x64xf32, #tpu.memory_space<vmem_shared>>)
      %lt3A = arith.constant 79 : i32
      %lt3A_127 = arith.cmpi slt, %scan3A_66, %lt3A : i32
      %convert_element_type3A = arith.extui %lt3A_127 : i1 to i32
      %cond3A = arith.constant 0 : i32
      %cond3A_128 = arith.cmpi ne, %convert_element_type3A, %cond3A : i32
      scf.if %cond3A_128 {
        %add3A_141 = arith.constant 1 : i32
        %add3A_142 = arith.addi %scan3A_66, %add3A_141 : i32
        %mul3A_143 = arith.constant 2 : i32
        %mul3A_144 = arith.muli %add3A_142, %mul3A_143 : i32
        %add3A_145 = arith.constant 0 : i32
        %add3A_146 = arith.addi %mul3A_144, %add3A_145 : i32
        %mul3A_147 = arith.constant 128 : i32
        %mul3A_148 = arith.muli %add3A_146, %mul3A_147 : i32
        %add3A_149 = arith.addi %mul3A_0, %mul3A_148 : i32
        %dma_start3A_150 = arith.constant 0 : i32
        %dma_start3A_151 = tpu.memref_slice %arg4[%add3A_149] : memref<327680xi32, #tpu.memory_space<hbm>> -> memref<128xi32, #tpu.memory_space<hbm>>
        %dma_start3A_152 = tpu.memref_slice %arg13[%dma_start3A_150] : memref<2x!tpu.dma_semaphore, #tpu.memory_space<semaphore_mem>> -> memref<1x!tpu.dma_semaphore, #tpu.memory_space<semaphore_mem>>
        %dma_start3A_153 = tpu.memref_squeeze %dma_start3A_152 : memref<1x!tpu.dma_semaphore, #tpu.memory_space<semaphore_mem>> -> memref<!tpu.dma_semaphore, #tpu.memory_space<semaphore_mem>>
        %dma_start3A_154 = tpu.memref_slice %arg4[%add3A_149] : memref<327680xi32, #tpu.memory_space<hbm>> -> memref<128xi32, #tpu.memory_space<hbm>>
        tpu.enqueue_dma source(%dma_start3A_154 : memref<128xi32, #tpu.memory_space<hbm>>) target(%arg7 : memref<128xi32, #tpu.memory_space<vmem>>) target_semaphore(%dma_start3A_153 : memref<!tpu.dma_semaphore, #tpu.memory_space<semaphore_mem>>)
        %mul3A_155 = arith.constant 128 : i32
        %mul3A_156 = arith.muli %add3A_146, %mul3A_155 : i32
        %dma_start3A_157 = arith.constant 0 : i32
        %dma_start3A_158 = tpu.memref_slice %arg6[%mul3A_156] : memref<20480xi32, #tpu.memory_space<vmem>> -> memref<128xi32, #tpu.memory_space<vmem>>
        %dma_start3A_159 = arith.constant 0 : i32
        %dma_start3A_160 = arith.constant 0 : i32
        %dma_start3A_161 = tpu.memref_slice %arg11[%dma_start3A_159, %dma_start3A_160] : memref<10112x64xf32, #tpu.memory_space<vmem_shared>> -> memref<10112x64xf32, #tpu.memory_space<vmem_shared>>
        %dma_start3A_162 = tpu.memref_slice %arg14[%dma_start3A_157] : memref<2x!tpu.dma_semaphore, #tpu.memory_space<semaphore_mem>> -> memref<1x!tpu.dma_semaphore, #tpu.memory_space<semaphore_mem>>
        %dma_start3A_163 = tpu.memref_squeeze %dma_start3A_162 : memref<1x!tpu.dma_semaphore, #tpu.memory_space<semaphore_mem>> -> memref<!tpu.dma_semaphore, #tpu.memory_space<semaphore_mem>>
        tpu.enqueue_indirect_dma source(%dma_start3A_161 : memref<10112x64xf32, #tpu.memory_space<vmem_shared>>) target(%arg9 : memref<128x64xf32, #tpu.memory_space<vmem>>) offsets(%dma_start3A_158 : memref<128xi32, #tpu.memory_space<vmem>>) semaphore(%dma_start3A_163 : memref<!tpu.dma_semaphore, #tpu.memory_space<semaphore_mem>>)
      } else {
      }
      %dma_wait3A_129 = arith.constant 1 : i32
      %dma_wait3A_130 = arith.constant 0 : i32
      %dma_wait3A_131 = arith.constant 0 : i32
      %dma_wait3A_132 = tpu.memref_slice %arg12[%dma_wait3A_130, %dma_wait3A_131] : memref<10112x64xf32, #tpu.memory_space<vmem_shared>> -> memref<10112x64xf32, #tpu.memory_space<vmem_shared>>
      %dma_wait3A_133 = tpu.memref_slice %arg15[%dma_wait3A_129] : memref<2x!tpu.dma_semaphore, #tpu.memory_space<semaphore_mem>> -> memref<1x!tpu.dma_semaphore, #tpu.memory_space<semaphore_mem>>
      %dma_wait3A_134 = tpu.memref_squeeze %dma_wait3A_133 : memref<1x!tpu.dma_semaphore, #tpu.memory_space<semaphore_mem>> -> memref<!tpu.dma_semaphore, #tpu.memory_space<semaphore_mem>>
      tpu.wait_indirect_dma semaphore(%dma_wait3A_134 : memref<!tpu.dma_semaphore, #tpu.memory_space<semaphore_mem>>) src(%arg10 : memref<128x64xf32, #tpu.memory_space<vmem>>) dst(%dma_wait3A_132 : memref<10112x64xf32, #tpu.memory_space<vmem_shared>>)
      %lt3A_135 = arith.constant 79 : i32
      %lt3A_136 = arith.cmpi slt, %scan3A_66, %lt3A_135 : i32
      %convert_element_type3A_137 = arith.extui %lt3A_136 : i1 to i32
      %cond3A_138 = arith.constant 0 : i32
      %cond3A_139 = arith.cmpi ne, %convert_element_type3A_137, %cond3A_138 : i32
      scf.if %cond3A_139 {
        %add3A_141 = arith.constant 1 : i32
        %add3A_142 = arith.addi %scan3A_66, %add3A_141 : i32
        %mul3A_143 = arith.constant 2 : i32
        %mul3A_144 = arith.muli %add3A_142, %mul3A_143 : i32
        %add3A_145 = arith.constant 1 : i32
        %add3A_146 = arith.addi %mul3A_144, %add3A_145 : i32
        %mul3A_147 = arith.constant 128 : i32
        %mul3A_148 = arith.muli %add3A_146, %mul3A_147 : i32
        %add3A_149 = arith.addi %mul3A_0, %mul3A_148 : i32
        %dma_start3A_150 = arith.constant 1 : i32
        %dma_start3A_151 = tpu.memref_slice %arg4[%add3A_149] : memref<327680xi32, #tpu.memory_space<hbm>> -> memref<128xi32, #tpu.memory_space<hbm>>
        %dma_start3A_152 = tpu.memref_slice %arg13[%dma_start3A_150] : memref<2x!tpu.dma_semaphore, #tpu.memory_space<semaphore_mem>> -> memref<1x!tpu.dma_semaphore, #tpu.memory_space<semaphore_mem>>
        %dma_start3A_153 = tpu.memref_squeeze %dma_start3A_152 : memref<1x!tpu.dma_semaphore, #tpu.memory_space<semaphore_mem>> -> memref<!tpu.dma_semaphore, #tpu.memory_space<semaphore_mem>>
        %dma_start3A_154 = tpu.memref_slice %arg4[%add3A_149] : memref<327680xi32, #tpu.memory_space<hbm>> -> memref<128xi32, #tpu.memory_space<hbm>>
        tpu.enqueue_dma source(%dma_start3A_154 : memref<128xi32, #tpu.memory_space<hbm>>) target(%arg8 : memref<128xi32, #tpu.memory_space<vmem>>) target_semaphore(%dma_start3A_153 : memref<!tpu.dma_semaphore, #tpu.memory_space<semaphore_mem>>)
        %mul3A_155 = arith.constant 128 : i32
        %mul3A_156 = arith.muli %add3A_146, %mul3A_155 : i32
        %dma_start3A_157 = arith.constant 1 : i32
        %dma_start3A_158 = tpu.memref_slice %arg6[%mul3A_156] : memref<20480xi32, #tpu.memory_space<vmem>> -> memref<128xi32, #tpu.memory_space<vmem>>
        %dma_start3A_159 = arith.constant 0 : i32
        %dma_start3A_160 = arith.constant 0 : i32
        %dma_start3A_161 = tpu.memref_slice %arg11[%dma_start3A_159, %dma_start3A_160] : memref<10112x64xf32, #tpu.memory_space<vmem_shared>> -> memref<10112x64xf32, #tpu.memory_space<vmem_shared>>
        %dma_start3A_162 = tpu.memref_slice %arg14[%dma_start3A_157] : memref<2x!tpu.dma_semaphore, #tpu.memory_space<semaphore_mem>> -> memref<1x!tpu.dma_semaphore, #tpu.memory_space<semaphore_mem>>
        %dma_start3A_163 = tpu.memref_squeeze %dma_start3A_162 : memref<1x!tpu.dma_semaphore, #tpu.memory_space<semaphore_mem>> -> memref<!tpu.dma_semaphore, #tpu.memory_space<semaphore_mem>>
        tpu.enqueue_indirect_dma source(%dma_start3A_161 : memref<10112x64xf32, #tpu.memory_space<vmem_shared>>) target(%arg10 : memref<128x64xf32, #tpu.memory_space<vmem>>) offsets(%dma_start3A_158 : memref<128xi32, #tpu.memory_space<vmem>>) semaphore(%dma_start3A_163 : memref<!tpu.dma_semaphore, #tpu.memory_space<semaphore_mem>>)
      } else {
      }
      %scan3A_140 = arith.constant 0 : i32
      scf.yield %scan3A_140 : i32
    }
    %scan3A_64 = arith.constant 80 : i32
    %barrier3A_65 = arith.constant 0 : index
    tpu.barrier barrier_id(%barrier3A_65)
    "tpu.region"() ({
      %run_scoped3A = tpu.sem_alloc : memref<!tpu.dma_semaphore, #tpu.memory_space<semaphore_mem>>
      %dma_start3A_66 = arith.constant 0 : i32
      %dma_start3A_67 = tpu.memref_slice %arg5[%arg0, %mul3A_2, %dma_start3A_66] : memref<2x10112x64xf32, #tpu.memory_space<hbm>> -> memref<1x632x64xf32, #tpu.memory_space<hbm>>
      %dma_start3A_68 = tpu.memref_squeeze %dma_start3A_67 : memref<1x632x64xf32, #tpu.memory_space<hbm>> -> memref<632x64xf32, #tpu.memory_space<hbm>>
      %dma_start3A_69 = arith.constant 0 : i32
      %dma_start3A_70 = tpu.memref_slice %arg12[%mul3A_2, %dma_start3A_69] : memref<10112x64xf32, #tpu.memory_space<vmem_shared>> -> memref<632x64xf32, #tpu.memory_space<vmem_shared>>
      tpu.enqueue_dma source(%dma_start3A_70 : memref<632x64xf32, #tpu.memory_space<vmem_shared>>) target(%dma_start3A_68 : memref<632x64xf32, #tpu.memory_space<hbm>>) target_semaphore(%run_scoped3A : memref<!tpu.dma_semaphore, #tpu.memory_space<semaphore_mem>>)
      %dma_wait3A = arith.constant 0 : i32
      %dma_wait3A_71 = tpu.memref_slice %arg5[%arg0, %mul3A_2, %dma_wait3A] : memref<2x10112x64xf32, #tpu.memory_space<hbm>> -> memref<1x632x64xf32, #tpu.memory_space<hbm>>
      %dma_wait3A_72 = tpu.memref_squeeze %dma_wait3A_71 : memref<1x632x64xf32, #tpu.memory_space<hbm>> -> memref<632x64xf32, #tpu.memory_space<hbm>>
      %dma_wait3A_73 = arith.constant 0 : i32
      %dma_wait3A_74 = tpu.memref_slice %arg12[%mul3A_2, %dma_wait3A_73] : memref<10112x64xf32, #tpu.memory_space<vmem_shared>> -> memref<632x64xf32, #tpu.memory_space<vmem_shared>>
      tpu.wait_dma2 semaphore(%run_scoped3A : memref<!tpu.dma_semaphore, #tpu.memory_space<semaphore_mem>>) src(%dma_wait3A_74 : memref<632x64xf32, #tpu.memory_space<vmem_shared>>) dst(%dma_wait3A_72 : memref<632x64xf32, #tpu.memory_space<hbm>>)
      tpu.yield
    }) : () -> ()
    return
  }
}

module attributes {stable_mosaic.version = 14 : i64} {
  func.func @_tc1_body(%arg0: memref<32x10112xf32, #tpu.memory_space<vmem>>, %arg1: memref<32x1xf32, #tpu.memory_space<vmem>>, %arg2: memref<10112x128xf32, #tpu.memory_space<vmem>>, %arg3: memref<128x128xf32, #tpu.memory_space<vmem>>, %arg4: memref<10112x1xf32, #tpu.memory_space<vmem>>, %arg5: memref<2x10112x64xf32, #tpu.memory_space<vmem>>) attributes {dimension_semantics = [], scalar_prefetch = 0 : i64, scratch_operands = 0 : i64, tpu.core_type = #tpu.core_type<tc>} {
    %get3A = arith.constant 0 : index
    %get3A_0 = arith.constant 0 : index
    %get3A_1 = vector.load %arg0[%get3A, %get3A_0] : memref<32x10112xf32, #tpu.memory_space<vmem>>, vector<32x10112xf32>
    %get3A_2 = arith.constant 0 : index
    %get3A_3 = arith.constant 0 : index
    %get3A_4 = vector.load %arg1[%get3A_2, %get3A_3] : memref<32x1xf32, #tpu.memory_space<vmem>>, vector<32x1xf32>
    %dot_general3A = arith.constant dense<0.000000e+00> : vector<10112x1xf32>
    %dot_general3A_5 = tpu.matmul %get3A_1, %get3A_4, %dot_general3A {dimension_numbers = #tpu.dot_dimension_numbers<[0], [0], [1], [1], [0, 1, 1, 1], [], []>, transpose_lhs_hint = false} : vector<32x10112xf32>, vector<32x1xf32>, vector<10112x1xf32> -> vector<10112x1xf32>
    %add3A = arith.constant 1.000000e+00 : f32
    %add3A_6 = vector.broadcast %add3A : f32 to vector<10112x1xf32>
    %add3A_7 = arith.addf %dot_general3A_5, %add3A_6 : vector<10112x1xf32>
    %rsqrt3A = math.rsqrt %add3A_7 : vector<10112x1xf32>
    %swap3A = arith.constant 0 : index
    %swap3A_8 = arith.constant 0 : index
    %swap3A_9 = vector.load %arg4[%swap3A, %swap3A_8] : memref<10112x1xf32, #tpu.memory_space<vmem>>, vector<10112x1xf32>
    tpu.vector_store %arg4[%swap3A, %swap3A_8], %rsqrt3A {strides = array<i32>} : memref<10112x1xf32, #tpu.memory_space<vmem>>, vector<10112x1xf32>,
    %get3A_10 = arith.constant 0 : index
    %get3A_11 = arith.constant 0 : index
    %get3A_12 = vector.load %arg2[%get3A_10, %get3A_11] : memref<10112x128xf32, #tpu.memory_space<vmem>>, vector<10112x128xf32>
    %get3A_13 = arith.constant 0 : index
    %get3A_14 = arith.constant 0 : index
    %get3A_15 = vector.load %arg3[%get3A_13, %get3A_14] : memref<128x128xf32, #tpu.memory_space<vmem>>, vector<128x128xf32>
    %dot_general3A_16 = arith.constant dense<0.000000e+00> : vector<10112x128xf32>
    %dot_general3A_17 = tpu.matmul %get3A_12, %get3A_15, %dot_general3A_16 {dimension_numbers = #tpu.dot_dimension_numbers<[1], [0], [0], [1], [0, 0, 1, 1], [], []>, transpose_lhs_hint = false} : vector<10112x128xf32>, vector<128x128xf32>, vector<10112x128xf32> -> vector<10112x128xf32>
    %mul3A = vector.broadcast %rsqrt3A : vector<10112x1xf32> to vector<10112x128xf32>
    %mul3A_18 = arith.mulf %dot_general3A_17, %mul3A : vector<10112x128xf32>
    %slice3A = vector.extract_strided_slice %mul3A_18 {offsets = [0, 0], sizes = [10112, 64], strides = [1, 1]} : vector<10112x128xf32> to vector<10112x64xf32>
    %swap3A_19 = arith.constant 0 : index
    %swap3A_20 = arith.constant 0 : index
    %swap3A_21 = arith.constant 0 : index
    %swap3A_22 = vector.load %arg5[%swap3A_19, %swap3A_20, %swap3A_21] : memref<2x10112x64xf32, #tpu.memory_space<vmem>>, vector<1x10112x64xf32>
    %swap3A_23 = vector.shape_cast %swap3A_22 : vector<1x10112x64xf32> to vector<10112x64xf32>
    %swap3A_24 = vector.shape_cast %slice3A : vector<10112x64xf32> to vector<1x10112x64xf32>
    tpu.vector_store %arg5[%swap3A_19, %swap3A_20, %swap3A_21], %swap3A_24 {strides = array<i32>} : memref<2x10112x64xf32, #tpu.memory_space<vmem>>, vector<1x10112x64xf32>,
    %slice3A_25 = vector.extract_strided_slice %mul3A_18 {offsets = [0, 64], sizes = [10112, 64], strides = [1, 1]} : vector<10112x128xf32> to vector<10112x64xf32>
    %swap3A_26 = arith.constant 1 : index
    %swap3A_27 = arith.constant 0 : index
    %swap3A_28 = arith.constant 0 : index
    %swap3A_29 = vector.load %arg5[%swap3A_26, %swap3A_27, %swap3A_28] : memref<2x10112x64xf32, #tpu.memory_space<vmem>>, vector<1x10112x64xf32>
    %swap3A_30 = vector.shape_cast %swap3A_29 : vector<1x10112x64xf32> to vector<10112x64xf32>
    %swap3A_31 = vector.shape_cast %slice3A_25 : vector<10112x64xf32> to vector<1x10112x64xf32>
    tpu.vector_store %arg5[%swap3A_26, %swap3A_27, %swap3A_28], %swap3A_31 {strides = array<i32>} : memref<2x10112x64xf32, #tpu.memory_space<vmem>>, vector<1x10112x64xf32>,
    return
  }
}

module attributes {stable_mosaic.version = 14 : i64} {
  func.func @_tc_mid_body(%arg0: memref<2x10112x64xf32, #tpu.memory_space<vmem>>, %arg1: memref<2x10112x64xf32, #tpu.memory_space<vmem>>, %arg2: memref<10112x1xf32, #tpu.memory_space<vmem>>, %arg3: memref<1x128xf32, #tpu.memory_space<vmem>>, %arg4: memref<128x128xf32, #tpu.memory_space<vmem>>, %arg5: memref<2x10112x64xf32, #tpu.memory_space<vmem>>) attributes {dimension_semantics = [], scalar_prefetch = 0 : i64, scratch_operands = 0 : i64, tpu.core_type = #tpu.core_type<tc>} {
    %get3A = arith.constant 0 : index
    %get3A_0 = arith.constant 0 : index
    %get3A_1 = vector.load %arg2[%get3A, %get3A_0] : memref<10112x1xf32, #tpu.memory_space<vmem>>, vector<10112x1xf32>
    %get3A_2 = arith.constant 0 : index
    %get3A_3 = arith.constant 0 : index
    %get3A_4 = arith.constant 0 : index
    %get3A_5 = vector.load %arg0[%get3A_2, %get3A_3, %get3A_4] : memref<2x10112x64xf32, #tpu.memory_space<vmem>>, vector<1x10112x64xf32>
    %get3A_6 = vector.shape_cast %get3A_5 : vector<1x10112x64xf32> to vector<10112x64xf32>
    %get3A_7 = arith.constant 0 : index
    %get3A_8 = arith.constant 0 : index
    %get3A_9 = arith.constant 0 : index
    %get3A_10 = vector.load %arg1[%get3A_7, %get3A_8, %get3A_9] : memref<2x10112x64xf32, #tpu.memory_space<vmem>>, vector<1x10112x64xf32>
    %get3A_11 = vector.shape_cast %get3A_10 : vector<1x10112x64xf32> to vector<10112x64xf32>
    %add3A = arith.addf %get3A_6, %get3A_11 : vector<10112x64xf32>
    %get3A_12 = arith.constant 1 : index
    %get3A_13 = arith.constant 0 : index
    %get3A_14 = arith.constant 0 : index
    %get3A_15 = vector.load %arg0[%get3A_12, %get3A_13, %get3A_14] : memref<2x10112x64xf32, #tpu.memory_space<vmem>>, vector<1x10112x64xf32>
    %get3A_16 = vector.shape_cast %get3A_15 : vector<1x10112x64xf32> to vector<10112x64xf32>
    %get3A_17 = arith.constant 1 : index
    %get3A_18 = arith.constant 0 : index
    %get3A_19 = arith.constant 0 : index
    %get3A_20 = vector.load %arg1[%get3A_17, %get3A_18, %get3A_19] : memref<2x10112x64xf32, #tpu.memory_space<vmem>>, vector<1x10112x64xf32>
    %get3A_21 = vector.shape_cast %get3A_20 : vector<1x10112x64xf32> to vector<10112x64xf32>
    %add3A_22 = arith.addf %get3A_16, %get3A_21 : vector<10112x64xf32>
    %concatenate3A = tpu.concatenate %add3A, %add3A_22 in 1 : vector<10112x64xf32>, vector<10112x64xf32> -> vector<10112x128xf32>
    %mul3A = vector.broadcast %get3A_1 : vector<10112x1xf32> to vector<10112x128xf32>
    %mul3A_23 = arith.mulf %mul3A, %concatenate3A : vector<10112x128xf32>
    %get3A_24 = arith.constant 0 : index
    %get3A_25 = arith.constant 0 : index
    %get3A_26 = vector.load %arg3[%get3A_24, %get3A_25] : memref<1x128xf32, #tpu.memory_space<vmem>>, vector<1x128xf32>
    %add3A_27 = vector.broadcast %get3A_26 : vector<1x128xf32> to vector<10112x128xf32>
    %add3A_28 = arith.addf %mul3A_23, %add3A_27 : vector<10112x128xf32>
    %max3A = arith.constant 0.000000e+00 : f32
    %max3A_29 = vector.broadcast %max3A : f32 to vector<10112x128xf32>
    %max3A_30 = arith.maximumf %add3A_28, %max3A_29 : vector<10112x128xf32>
    %get3A_31 = arith.constant 0 : index
    %get3A_32 = arith.constant 0 : index
    %get3A_33 = vector.load %arg4[%get3A_31, %get3A_32] : memref<128x128xf32, #tpu.memory_space<vmem>>, vector<128x128xf32>
    %dot_general3A = arith.constant dense<0.000000e+00> : vector<10112x128xf32>
    %dot_general3A_34 = tpu.matmul %max3A_30, %get3A_33, %dot_general3A {dimension_numbers = #tpu.dot_dimension_numbers<[1], [0], [0], [1], [0, 0, 1, 1], [], []>, transpose_lhs_hint = false} : vector<10112x128xf32>, vector<128x128xf32>, vector<10112x128xf32> -> vector<10112x128xf32>
    %mul3A_35 = vector.broadcast %get3A_1 : vector<10112x1xf32> to vector<10112x128xf32>
    %mul3A_36 = arith.mulf %dot_general3A_34, %mul3A_35 : vector<10112x128xf32>
    %slice3A = vector.extract_strided_slice %mul3A_36 {offsets = [0, 0], sizes = [10112, 64], strides = [1, 1]} : vector<10112x128xf32> to vector<10112x64xf32>
    %swap3A = arith.constant 0 : index
    %swap3A_37 = arith.constant 0 : index
    %swap3A_38 = arith.constant 0 : index
    %swap3A_39 = vector.load %arg5[%swap3A, %swap3A_37, %swap3A_38] : memref<2x10112x64xf32, #tpu.memory_space<vmem>>, vector<1x10112x64xf32>
    %swap3A_40 = vector.shape_cast %swap3A_39 : vector<1x10112x64xf32> to vector<10112x64xf32>
    %swap3A_41 = vector.shape_cast %slice3A : vector<10112x64xf32> to vector<1x10112x64xf32>
    tpu.vector_store %arg5[%swap3A, %swap3A_37, %swap3A_38], %swap3A_41 {strides = array<i32>} : memref<2x10112x64xf32, #tpu.memory_space<vmem>>, vector<1x10112x64xf32>,
    %slice3A_42 = vector.extract_strided_slice %mul3A_36 {offsets = [0, 64], sizes = [10112, 64], strides = [1, 1]} : vector<10112x128xf32> to vector<10112x64xf32>
    %swap3A_43 = arith.constant 1 : index
    %swap3A_44 = arith.constant 0 : index
    %swap3A_45 = arith.constant 0 : index
    %swap3A_46 = vector.load %arg5[%swap3A_43, %swap3A_44, %swap3A_45] : memref<2x10112x64xf32, #tpu.memory_space<vmem>>, vector<1x10112x64xf32>
    %swap3A_47 = vector.shape_cast %swap3A_46 : vector<1x10112x64xf32> to vector<10112x64xf32>
    %swap3A_48 = vector.shape_cast %slice3A_42 : vector<10112x64xf32> to vector<1x10112x64xf32>
    tpu.vector_store %arg5[%swap3A_43, %swap3A_44, %swap3A_45], %swap3A_48 {strides = array<i32>} : memref<2x10112x64xf32, #tpu.memory_space<vmem>>, vector<1x10112x64xf32>,
    return
  }
}

module attributes {stable_mosaic.version = 14 : i64} {
  func.func @_tc_mid_body(%arg0: memref<2x10112x64xf32, #tpu.memory_space<vmem>>, %arg1: memref<2x10112x64xf32, #tpu.memory_space<vmem>>, %arg2: memref<10112x1xf32, #tpu.memory_space<vmem>>, %arg3: memref<1x128xf32, #tpu.memory_space<vmem>>, %arg4: memref<128x1xf32, #tpu.memory_space<vmem>>, %arg5: memref<10112x1xf32, #tpu.memory_space<vmem>>) attributes {dimension_semantics = [], scalar_prefetch = 0 : i64, scratch_operands = 0 : i64, tpu.core_type = #tpu.core_type<tc>} {
    %get3A = arith.constant 0 : index
    %get3A_0 = arith.constant 0 : index
    %get3A_1 = vector.load %arg2[%get3A, %get3A_0] : memref<10112x1xf32, #tpu.memory_space<vmem>>, vector<10112x1xf32>
    %get3A_2 = arith.constant 0 : index
    %get3A_3 = arith.constant 0 : index
    %get3A_4 = arith.constant 0 : index
    %get3A_5 = vector.load %arg0[%get3A_2, %get3A_3, %get3A_4] : memref<2x10112x64xf32, #tpu.memory_space<vmem>>, vector<1x10112x64xf32>
    %get3A_6 = vector.shape_cast %get3A_5 : vector<1x10112x64xf32> to vector<10112x64xf32>
    %get3A_7 = arith.constant 0 : index
    %get3A_8 = arith.constant 0 : index
    %get3A_9 = arith.constant 0 : index
    %get3A_10 = vector.load %arg1[%get3A_7, %get3A_8, %get3A_9] : memref<2x10112x64xf32, #tpu.memory_space<vmem>>, vector<1x10112x64xf32>
    %get3A_11 = vector.shape_cast %get3A_10 : vector<1x10112x64xf32> to vector<10112x64xf32>
    %add3A = arith.addf %get3A_6, %get3A_11 : vector<10112x64xf32>
    %get3A_12 = arith.constant 1 : index
    %get3A_13 = arith.constant 0 : index
    %get3A_14 = arith.constant 0 : index
    %get3A_15 = vector.load %arg0[%get3A_12, %get3A_13, %get3A_14] : memref<2x10112x64xf32, #tpu.memory_space<vmem>>, vector<1x10112x64xf32>
    %get3A_16 = vector.shape_cast %get3A_15 : vector<1x10112x64xf32> to vector<10112x64xf32>
    %get3A_17 = arith.constant 1 : index
    %get3A_18 = arith.constant 0 : index
    %get3A_19 = arith.constant 0 : index
    %get3A_20 = vector.load %arg1[%get3A_17, %get3A_18, %get3A_19] : memref<2x10112x64xf32, #tpu.memory_space<vmem>>, vector<1x10112x64xf32>
    %get3A_21 = vector.shape_cast %get3A_20 : vector<1x10112x64xf32> to vector<10112x64xf32>
    %add3A_22 = arith.addf %get3A_16, %get3A_21 : vector<10112x64xf32>
    %concatenate3A = tpu.concatenate %add3A, %add3A_22 in 1 : vector<10112x64xf32>, vector<10112x64xf32> -> vector<10112x128xf32>
    %mul3A = vector.broadcast %get3A_1 : vector<10112x1xf32> to vector<10112x128xf32>
    %mul3A_23 = arith.mulf %mul3A, %concatenate3A : vector<10112x128xf32>
    %get3A_24 = arith.constant 0 : index
    %get3A_25 = arith.constant 0 : index
    %get3A_26 = vector.load %arg3[%get3A_24, %get3A_25] : memref<1x128xf32, #tpu.memory_space<vmem>>, vector<1x128xf32>
    %add3A_27 = vector.broadcast %get3A_26 : vector<1x128xf32> to vector<10112x128xf32>
    %add3A_28 = arith.addf %mul3A_23, %add3A_27 : vector<10112x128xf32>
    %max3A = arith.constant 0.000000e+00 : f32
    %max3A_29 = vector.broadcast %max3A : f32 to vector<10112x128xf32>
    %max3A_30 = arith.maximumf %add3A_28, %max3A_29 : vector<10112x128xf32>
    %get3A_31 = arith.constant 0 : index
    %get3A_32 = arith.constant 0 : index
    %get3A_33 = vector.load %arg4[%get3A_31, %get3A_32] : memref<128x1xf32, #tpu.memory_space<vmem>>, vector<128x1xf32>
    %dot_general3A = arith.constant dense<0.000000e+00> : vector<10112x1xf32>
    %dot_general3A_34 = tpu.matmul %max3A_30, %get3A_33, %dot_general3A {dimension_numbers = #tpu.dot_dimension_numbers<[1], [0], [0], [1], [0, 0, 1, 1], [], []>, transpose_lhs_hint = false} : vector<10112x128xf32>, vector<128x1xf32>, vector<10112x1xf32> -> vector<10112x1xf32>
    %mul3A_35 = arith.mulf %dot_general3A_34, %get3A_1 : vector<10112x1xf32>
    %swap3A = arith.constant 0 : index
    %swap3A_36 = arith.constant 0 : index
    %swap3A_37 = vector.load %arg5[%swap3A, %swap3A_36] : memref<10112x1xf32, #tpu.memory_space<vmem>>, vector<10112x1xf32>
    tpu.vector_store %arg5[%swap3A, %swap3A_36], %mul3A_35 {strides = array<i32>} : memref<10112x1xf32, #tpu.memory_space<vmem>>, vector<10112x1xf32>,
    return
  }
}

module attributes {stable_mosaic.version = 14 : i64} {
  func.func @_tc_out_body(%arg0: memref<32x10112xf32, #tpu.memory_space<vmem>>, %arg1: memref<32x1xf32, #tpu.memory_space<vmem>>, %arg2: memref<10112x1xf32, #tpu.memory_space<vmem>>, %arg3: memref<10112x1xf32, #tpu.memory_space<vmem>>, %arg4: memref<1x1xf32, #tpu.memory_space<vmem>>, %arg5: memref<10112x1xf32, #tpu.memory_space<vmem>>) attributes {dimension_semantics = [], scalar_prefetch = 0 : i64, scratch_operands = 0 : i64, tpu.core_type = #tpu.core_type<tc>} {
    %get3A = arith.constant 0 : index
    %get3A_0 = arith.constant 0 : index
    %get3A_1 = vector.load %arg0[%get3A, %get3A_0] : memref<32x10112xf32, #tpu.memory_space<vmem>>, vector<32x10112xf32>
    %get3A_2 = arith.constant 0 : index
    %get3A_3 = arith.constant 0 : index
    %get3A_4 = vector.load %arg1[%get3A_2, %get3A_3] : memref<32x1xf32, #tpu.memory_space<vmem>>, vector<32x1xf32>
    %dot_general3A = arith.constant dense<0.000000e+00> : vector<10112x1xf32>
    %dot_general3A_5 = tpu.matmul %get3A_1, %get3A_4, %dot_general3A {dimension_numbers = #tpu.dot_dimension_numbers<[0], [0], [1], [1], [0, 1, 1, 1], [], []>, transpose_lhs_hint = false} : vector<32x10112xf32>, vector<32x1xf32>, vector<10112x1xf32> -> vector<10112x1xf32>
    %get3A_6 = arith.constant 0 : index
    %get3A_7 = arith.constant 0 : index
    %get3A_8 = vector.load %arg2[%get3A_6, %get3A_7] : memref<10112x1xf32, #tpu.memory_space<vmem>>, vector<10112x1xf32>
    %add3A = arith.addf %dot_general3A_5, %get3A_8 : vector<10112x1xf32>
    %get3A_9 = arith.constant 0 : index
    %get3A_10 = arith.constant 0 : index
    %get3A_11 = vector.load %arg3[%get3A_9, %get3A_10] : memref<10112x1xf32, #tpu.memory_space<vmem>>, vector<10112x1xf32>
    %mul3A = arith.mulf %get3A_11, %add3A : vector<10112x1xf32>
    %get3A_12 = arith.constant 0 : index
    %get3A_13 = arith.constant 0 : index
    %get3A_14 = vector.load %arg4[%get3A_12, %get3A_13] : memref<1x1xf32, #tpu.memory_space<vmem>>, vector<1x1xf32>
    %add3A_15 = vector.broadcast %get3A_14 : vector<1x1xf32> to vector<10112x1xf32>
    %add3A_16 = arith.addf %mul3A, %add3A_15 : vector<10112x1xf32>
    %logistic3A = arith.negf %add3A_16 : vector<10112x1xf32>
    %logistic3A_17 = math.exp %logistic3A : vector<10112x1xf32>
    %logistic3A_18 = arith.constant 1.000000e+00 : f32
    %logistic3A_19 = vector.broadcast %logistic3A_18 : f32 to vector<10112x1xf32>
    %logistic3A_20 = arith.addf %logistic3A_19, %logistic3A_17 : vector<10112x1xf32>
    %logistic3A_21 = arith.divf %logistic3A_19, %logistic3A_20 : vector<10112x1xf32>
    %swap3A = arith.constant 0 : index
    %swap3A_22 = arith.constant 0 : index
    %swap3A_23 = vector.load %arg5[%swap3A, %swap3A_22] : memref<10112x1xf32, #tpu.memory_space<vmem>>, vector<10112x1xf32>
    tpu.vector_store %arg5[%swap3A, %swap3A_22], %logistic3A_21 {strides = array<i32>} : memref<10112x1xf32, #tpu.memory_space<vmem>>, vector<10112x1xf32>,
    return
  }
}

</mosaic_0001>

<sc_bundles>
// kernel: kernel.10.cloned.1.call-start
scs
__scs_entry_jumppad:
0x0: {  	(pc) =	sbr.rel $0x88, $3  }
0x1: {  	(tag) =	ssettag $0x0;
	lr =	simm.s32 $0x1  }
0x2: {  	[smem:$0x3F99] =	sst lr;
	_ =	strace $0xD0000000  }
0x3: {  	_ = 	snop  }
0x4: {  	_ = 	snop  }
0x5: {  	_ = 	snop  }
0x6: {  	_ = 	snop  }
0x7: {  	_ = 	snop  }
__scs_overlays_trampoline_lowered:
0x8: {  	[smem:$0x3FA8] =	sst s0  }
0x9: {  	[smem:$0x3FA9] =	sst s1  }
0xa: {  	[smem:$0x3FAA] =	sst s2  }
0xb: {  	[smem:$0x3FAB] =	sst s3  }
0xc: {  	[smem:$0x3FAC] =	sst s4  }
0xd: {  	[smem:$0x3FAD] =	sst s5  }
0xe: {  	[smem:$0x3FAE] =	sst s6  }
0xf: {  	[smem:$0x3FAF] =	sst s7  }
0x10: {  	[smem:$0x3FB0] =	sst s8  }
0x11: {  	[smem:$0x3FB1] =	sst s9;
	s0 =	simm.s32 @!p0 $0x0  }
0x12: {  	s1 =	sld [smem:$0x3F97];
	s0 =	simm.s32 @p0 $0x1  }
0x13: {  	[smem:$0x3FB2] =	sst s0;
	s0 =	simm.s32 @!p1 $0x0  }
0x14: {  	s2 =	sld [smem:$0x3F96];
	s0 =	simm.s32 @p1 $0x1  }
0x15: {  	[smem:$0x3FB3] =	sst s0;
	s0 =	simm.s32 @!p2 $0x0  }
0x16: {  	s3 =	sld [smem:$0x3FDB];
	s0 =	simm.s32 @p2 $0x1  }
0x17: {  	s4 =	simm.s32 $0x1BF5;
	[smem:$0x3FB5] =	sst s0  }
0x18: {  	s0 =	sld [smem:$0x3F98];
	_ =	swait.ge [sflag:s4], $0x0  }
0x19: {  	s7 =	sld [smem:$0x3F99]  }
0x1a: {  	s8 =	sadd.s32 $0xFFFFE003, lr  }
0x1b: {  	s9 =	sadd.s32 $0xFFFFFEF7, lr;
	s5 =	simm.s32 $0xFFFFFFFF;
	p2 =	slt.u32 s8, $0xFFFFF086  }
0x1c: {  	p1 =	slt.u32 s9, $0xF7A;
	s5 =	simm.s32 @!p2 $0x0  }
0x1d: {  	s5 =	simm.s32 @p1 $0x1;
	p0 =	seq.s32 s7, s2  }
0x1e: {  	s7 =	smul.u32 @!p0 $0xF7A, s2;
	p2 =	seq.s32 @!p0 s5, $0x0  }
0x1f: {  	s9 =	smul.u32 $0xF7A, s1;
	s8 =	simm.s32 @!p0 $0x1BF5;
	p2 =	por !p2, p0  }
0x20: {  	[sflag:s8] =	ssyncset.s32 @!p0 $0xFFFFF086;
	s6 =	sadd.s32 @!p0 s3, s7;
	s7 =	simm.s32 @!p0 $0x108  }
0x21: {  	s3 =	sadd.s32 s3, s9;
	s6 =	sadd.s32 @!p0 $0x88, s6;
	s7 =	simm.s32 @p2 $0x1082  }
0x22: {  	[simem:s7], [sflag:s8] =	dma.local @!p0 [hbm:s6], $0xF7A  }
0x23: {  	s9 =	sor.u32 $0xD0000000, s2;
	s6 =	simm.s32 $0x108;
	_ =	swait.ge @!p0 [sflag:s8], $0x0  }
0x24: {  	s3 =	sadd.s32 $0x88, s3;
	s6 =	simm.s32 @!p1 $0x1082;
	[sflag:s4] =	ssyncset.s32 $0xFFFFF086  }
0x25: {  	[simem:s6], [sflag:s4] =	dma.local [hbm:s3], $0xF7A  }
0x26: {  	[smem:$0x3F99] =	sst s1;
	(tag) =	ssettag s2;
	_ =	strace s9  }
0x27: {  	s1 =	sld [smem:$0x3FA9]  }
0x28: {  	s2 =	sld [smem:$0x3FAA]  }
0x29: {  	s4 =	sld [smem:$0x3FAC]  }
0x2a: {  	p0 =	seq.s32 s5, $0x0;
	s5 =	sld [smem:$0x3FAD]  }
0x2b: {  	s6 =	sld [smem:$0x3FAE]  }
0x2c: {  	s7 =	sld [smem:$0x3FAF]  }
0x2d: {  	s3 =	simm.s32 $0x108;
	s8 =	sld [smem:$0x3FB0]  }
0x2e: {  	s3 =	simm.s32 @!p0 $0x1082;
	s9 =	sld [smem:$0x3FB1]  }
0x2f: {  	lr =	sadd.s32 s0, s3;
	s0 =	sld [smem:$0x3FA8]  }
0x30: {  	s3 =	sld [smem:$0x3FAB]  }
0x31: {  	[smem:$0x3FB4] =	sst s10  }
0x32: {  	s10 =	sld [smem:$0x3FB2];
	_ =	sdelay $0x3  }
0x33: {  	p0 =	seq.s32 s10, $0x1;
	s10 =	sld [smem:$0x3FB4];
	_ =	sdelay $0x3  }
0x34: {  	[smem:$0x3FB4] =	sst s10  }
0x35: {  	s10 =	sld [smem:$0x3FB3];
	_ =	sdelay $0x3  }
0x36: {  	p1 =	seq.s32 s10, $0x1;
	s10 =	sld [smem:$0x3FB4];
	_ =	sdelay $0x3  }
0x37: {  	[smem:$0x3FB4] =	sst s10  }
0x38: {  	s10 =	sld [smem:$0x3FB5]  }
0x39: {  	_ = 	snop;
	(pc) =	sbr.ind lr, $3  }
0x3a: {  	_ = 	snop  }
0x3b: {  	_ = 	snop  }
0x3c: {  	p2 =	seq.s32 s10, $0x1;
	s10 =	sld [smem:$0x3FB4]  }
0x3d: {  	_ =	shalt  }
0x3e: {  	_ =	shalt  }
0x3f: {  	_ =	shalt  }
0x40: {  	_ =	shalt  }
0x41: {  	_ =	shalt  }
0x42: {  	_ =	shalt  }
0x43: {  	_ =	shalt  }
0x44: {  	_ =	shalt  }
0x45: {  	_ =	shalt  }
0x46: {  	_ =	shalt  }
0x47: {  	_ =	shalt  }
0x48: {  	_ =	shalt  }
0x49: {  	_ =	shalt  }
0x4a: {  	_ =	shalt  }
0x4b: {  	_ =	shalt  }
0x4c: {  	_ =	shalt  }
0x4d: {  	_ =	shalt  }
0x4e: {  	_ =	shalt  }
0x4f: {  	_ =	shalt  }
0x50: {  	_ =	shalt  }
0x51: {  	_ =	shalt  }
0x52: {  	_ =	shalt  }
0x53: {  	_ =	shalt  }
0x54: {  	_ =	shalt  }
0x55: {  	_ =	shalt  }
0x56: {  	_ =	shalt  }
0x57: {  	_ =	shalt  }
0x58: {  	_ =	shalt  }
0x59: {  	_ =	shalt  }
0x5a: {  	_ =	shalt  }
0x5b: {  	_ =	shalt  }
0x5c: {  	_ =	shalt  }
0x5d: {  	_ =	shalt  }
0x5e: {  	_ =	shalt  }
0x5f: {  	_ =	shalt  }
0x60: {  	_ =	shalt  }
0x61: {  	_ =	shalt  }
0x62: {  	_ =	shalt  }
0x63: {  	_ =	shalt  }
0x64: {  	_ =	shalt  }
0x65: {  	_ =	shalt  }
0x66: {  	_ =	shalt  }
0x67: {  	_ =	shalt  }
0x68: {  	_ =	shalt  }
0x69: {  	_ =	shalt  }
0x6a: {  	_ =	shalt  }
0x6b: {  	_ =	shalt  }
0x6c: {  	_ =	shalt  }
0x6d: {  	_ =	shalt  }
0x6e: {  	_ =	shalt  }
0x6f: {  	_ =	shalt  }
0x70: {  	_ =	shalt  }
0x71: {  	_ =	shalt  }
0x72: {  	_ =	shalt  }
0x73: {  	_ =	shalt  }
0x74: {  	_ =	shalt  }
0x75: {  	_ =	shalt  }
0x76: {  	_ =	shalt  }
0x77: {  	_ =	shalt  }
0x78: {  	_ =	shalt  }
0x79: {  	_ =	shalt  }
0x7a: {  	_ =	shalt  }
0x7b: {  	_ =	shalt  }
0x7c: {  	_ =	shalt  }
0x7d: {  	_ =	shalt  }
0x7e: {  	_ =	shalt  }
0x7f: {  	_ =	shalt  }
0x80: {  	_ =	shalt  }
0x81: {  	_ =	shalt  }
0x82: {  	_ =	shalt  }
0x83: {  	_ =	shalt  }
0x84: {  	_ =	shalt  }
0x85: {  	_ =	shalt  }
0x86: {  	_ =	shalt  }
0x87: {  	_ =	shalt  }
.Lfunc_end0:
.L_simem_size_0:
called_computation_lowered:
.L_overlay_start_0:
0x88: {  	s2 =	sld [smem:$0x3FD9]  }
0x89: {  	s3 =	sld [smem:$0x3FFE];
	_ =	sdelay $0x1  }
0x8a: {  	s1 =	srdreg.scid  }
0x8b: {  	s0 =	sand.u32 $0x1, s1  }
0x8c: {  	s16 =	sshll.u32 s0, $0xA;
	s2 =	sadd.s32 s3, s2  }
0x8d: {  	s2 =	sadd.s32 s2, s16  }
0x8e: {  	[smem:$0x3FC0] =	sst s2  }
0x8f: {  	_ = 	snop  }
0x90: {  	(tm) =	ssettm $0x1  }
0x91: {  	s17 =	sld [smem:$0x3FFB];
	_ =	sdelay $0x3  }
0x92: {  	_ =	strace s17  }
0x93: {  	s2 =	sld [smem:$0x3FFC];
	_ =	sdelay $0x3  }
0x94: {  	_ =	strace s2  }
0x95: {  	s2 =	sld [smem:$0x3FFD];
	_ =	sdelay $0x3  }
0x96: {  	_ =	strace s2  }
0x97: {  	_ =	strace $0x8FFFFFFF  }
0x98: {  	s18 =	sld [smem:$0x3FDB];
	_ =	sdelay $0x1  }
0x99: {  	s19 =	simm.s32 $_scs_section_size  }
0x9a: {  	s4 =	simm.s32 $_size__tile_overlayer_lowered;
	s5 =	simm.s32 $_tile_overlayer_lowered  }
0x9b: {  	s22 =	simm.s32 $0x1BFF;
	s21 =	sshll.u32 s5, $0x1;
	s2 =	sadd.s32 s19, s18  }
0x9c: {  	s6 =	simm.s32 $0x0;
	s20 =	sshll.u32 s4, $0x1;
	s4 =	sadd.s32 s21, s2  }
0x9d: {  	[timem:s6], [sflag:s22] =	dma.local [hbm:s4], s20  }
0x9e: {  	_ =	swait.ge [sflag:s22], s20  }
0x9f: {  	s3 =	ssub.s32 $0x0, s20;
	[sflag:s22] =	ssyncset.done $0x0  }
0xa0: {  	[sflag:s22] =	ssyncadd.s32 s3;
	_ =	sdelay $0x1  }
0xa1: {  	s23 =	simm.s32 $0x1B8B  }
0xa2: {  	_ =	swait.ge [sflag:s23], $0x1  }
0xa3: {  	[sflag:s23] =	ssyncset.done $0x0  }
0xa4: {  	s25 =	simm.s32 $0x1B8E;
	s24 =	sld [smem:$0x3FFE];
	[sflag:s23] =	ssyncadd.s32 $0xFFFFFFFF  }
0xa5: {  	s26 =	simm.s32 $execute0_lowered;
	[smem:$0x3FD2] =	sst s25  }
0xa6: {  	s4 =	sshll.u32 s26, $0x1;
	_ =	strace $0x80000046;
	[dreg:$0x1] =	wrdreg $0xFFFFFFFF  }
0xa7: {  	s28 =	simm.s32 $_size_execute0_lowered;
	s2 =	sadd.s32 s2, s4;
	[dreg:$0x0] =	wrdreg $0x0  }
0xa8: {  	s4 =	sshll.u32 s28, $0x1;
	[dreg:$0x2] =	wrdreg s2  }
0xa9: {  	[dreg:$0x3] =	wrdreg s4  }
0xaa: {  	[dreg:$0x4] =	wrdreg $0xC0  }
0xab: {  	_ =	task [dreg:s6], $0x5FFFF  }
0xac: {  	[dreg:$0x1] =	wrdreg $0xFFFFFFFF  }
0xad: {  	[dreg:$0x0] =	wrdreg $0x60  }
0xae: {  	[dreg:$0x2] =	wrdreg s24  }
0xaf: {  	[dreg:$0x3] =	wrdreg $0x9  }
0xb0: {  	_ =	task.clear_ibuf [dreg:s6], $0x4FFFF;
	_ =	strace $0x90000046  }
0xb1: {  	s29 =	simm.s32 $0x9;
	_ =	strace $0x80000048  }
0xb2: {  	_ =	swait.ge [sflag:s29], $0x1  }
0xb3: {  	[sflag:s29] =	ssyncadd.s32 $0xFFFFFFFF  }
0xb4: {  	_ =	strace $0x90000048  }
0xb5: {  	_ =	sfence  }
0xb6: {  	s30 =	sld [smem:$0x0];
	_ =	sdelay $0x2  }
0xb7: {  	s31 =	sshll.u32 s1, $0xD;
	s1 =	sshrl.u32 s1, $0x2  }
0xb8: {  	s3 =	sand.u32 $0x4000, s31;
	s1 =	sadd.s32 s1, s30  }
0xb9: {  	s0 =	sor.u32 s3, s0;
	s1 =	sshll.u32 s1, $0x11  }
0xba: {  	s0 =	sor.u32 s1, s0  }
0xbb: {  	s0 =	sadd.s32 $0x8F2B, s0  }
0xbc: {  	[sflag:s0] =	ssyncadd.remote.s32 $0x1  }
0xbd: {  	_ =	sfence.sel $0xFFFF  }
0xbe: {  	[dreg:$0x0] =	wrdreg $0xFFFFFFFF;
	(pc) =	sbr.abs _section_cstart, $3  }
0xbf: {  	[dreg:$0x1] =	wrdreg $0xFFFFFFFF  }
0xc0: {  	_ =	task.clear_ibuf [dreg:s6], $0x2FFFF;
	_ =	strace $0x9FFFFFFF  }
0xc1: {  	(tm) =	ssettm $0x7FFFFFFF  }
tec
execute0_lowered:
.L_overlay_start_1:
0x0: {  	(tag) =	ssettag $0x1  }
0x1: {  	s1 =	srdreg.scid  }
0x2: {  	s0 =	stileid.u32;
	s4 =	rddreg [dreg:$0x0]  }
0x3: {  	s2 =	simm.s32 $0x0;
	s10 =	simm.s32 $0x2800;
	s11 =	simm.s32 $0x7780  }
0x4: {  	s3 =	sand.u32 $0x1, s1;
	s31 =	sshll.u32 s0, $0x1;
	s1 =	rddreg [dreg:$0x1]  }
0x5: {  	s12 =	simm.s32 $0x0;
	[smem:$0x7FF] =	sst s2;
	s5 =	sor.u32 s3, s31  }
0x6: {  	s7 =	ssub.s32 $0x2, s3;
	_ =	strace $0x80000047;
	s6 =	smul.u32 $0x500, s5  }
0x7: {  	s3 =	sadd.s32 $0x16400, s4;
	s5 =	smul.u32 $0x4F0, s5;
	s8 =	sshrl.u32 s7, $0x1  }
0x8: {  	s7 =	ssub.s32 s7, s8;
	s8 =	simm.s32 $0x5000;
	s6 =	sadd.s32 s6, s4  }
0x9: {  	s9 =	sadd.s32 s5, s4;
	s7 =	smax.u32 s7, $0x1;
	s4 =	sadd.s32 $0xC400, s6  }
0xa: {  	v0 =	vimm.f32 $0.0e+00;
	s5 =	sadd.s32 $0x2400, s6;
	s6 =	sadd.s32 $0x16A00, s9;
	s9 =	simm.s32 $0x1  }
.LBB2_1:
0xb: {  	s13 =	simm.s32 $0x40;
	s14 =	simm.s32 $0x0  }
.LBB2_2:
0xc: {  	p0 =	sne.s32 s13, $0x9DC0;
	[tilespmem:s14+$0x7780] =	vst v0;
	s14 =	smov.u32 s13;
	s13 =	sadd.s32 $0x40, s13  }
.Ltmp0:
0xd: {  	(pc) =	sbr.rel @p0 .LBB2_2-.Ltmp0, $2  }
0xe: {  	_ =	sdelay $0x2  }
0xf: {  	s14 =	sshra.s32 s14, $0x2  }
0x10: {  	[tilespmem:s14+$0x7780] =	vst v0;
	s13 =	simm.s32 $0x0  }
0x11: {  	[tilespmem:s8], [sflag:$0x1] =	stream.linear.gather [hbm4b:s3+s13], $0x2780, $0x38;
	[tilespmem:$0x9F00] =	vst v63  }
0x12: {  	_ =	swait.ge [sflag:s9], $0x2780  }
0x13: {  	[sflag:s9] =	ssyncset.done $0x0  }
0x14: {  	[sflag:s9] =	ssyncadd.s32 $0xFFFFD880  }
0x15: {  	[tilespmem:s13], [sflag:$0x1] =	stream.linear.gather [hbm4b:s4+s13], $0x2800, $0x38;
	[tilespmem:$0x9F00] =	vst v63  }
0x16: {  	_ =	swait.ge [sflag:s9], $0x2800  }
0x17: {  	[sflag:s9] =	ssyncset.done $0x0  }
0x18: {  	[sflag:s9] =	ssyncadd.s32 $0xFFFFD800  }
0x19: {  	[tilespmem:s10], [sflag:$0x1] =	stream.linear.gather [hbm4b:s5+s13], $0x2800, $0x38;
	[tilespmem:$0x9F00] =	vst v63  }
0x1a: {  	_ =	swait.ge [sflag:s9], $0x2800  }
0x1b: {  	[sflag:s9] =	ssyncset.done $0x0  }
0x1c: {  	[sflag:s9] =	ssyncadd.s32 $0xFFFFD800  }
.LBB2_4:
0x1d: {  	s14 =	sshra.s32 s13, $0x2  }
0x1e: {  	v1 =	vld [tilespmem:s14+$0x0];
	_ =	sdelay $0x4  }
0x1f: {  	v2 =	vld [tilespmem:s14+$0x2800];
	_ =	sdelay $0x2  }
0x20: {  	v1 =	vld.idx.msk [tilespmem:v1+s8+$0x0], $0xffff;
	_ =	sdelay $0x4  }
0x21: {  	[tilespmem:v2+s11+$0x0] =	vst.idx.add.f32.msk $0xffff, v1  }
0x22: {  	v1 =	vld [tilespmem:s14+$0x10];
	_ =	sdelay $0x4  }
0x23: {  	v2 =	vld [tilespmem:s14+$0x2810];
	_ =	sdelay $0x2  }
0x24: {  	v1 =	vld.idx.msk [tilespmem:v1+s8+$0x0], $0xffff;
	_ =	sdelay $0x4  }
0x25: {  	[tilespmem:v2+s11+$0x0] =	vst.idx.add.f32.msk $0xffff, v1  }
0x26: {  	v1 =	vld [tilespmem:s14+$0x20];
	_ =	sdelay $0x4  }
0x27: {  	v2 =	vld [tilespmem:s14+$0x2820];
	_ =	sdelay $0x2  }
0x28: {  	v1 =	vld.idx.msk [tilespmem:v1+s8+$0x0], $0xffff;
	_ =	sdelay $0x4  }
0x29: {  	[tilespmem:v2+s11+$0x0] =	vst.idx.add.f32.msk $0xffff, v1  }
0x2a: {  	v1 =	vld [tilespmem:s14+$0x30];
	_ =	sdelay $0x4  }
0x2b: {  	v2 =	vld [tilespmem:s14+$0x2830];
	_ =	sdelay $0x2  }
0x2c: {  	v1 =	vld.idx.msk [tilespmem:v1+s8+$0x0], $0xffff;
	_ =	sdelay $0x4  }
0x2d: {  	[tilespmem:v2+s11+$0x0] =	vst.idx.add.f32.msk $0xffff, v1  }
0x2e: {  	v1 =	vld [tilespmem:s14+$0x40];
	_ =	sdelay $0x4  }
0x2f: {  	v2 =	vld [tilespmem:s14+$0x2840];
	_ =	sdelay $0x2  }
0x30: {  	v1 =	vld.idx.msk [tilespmem:v1+s8+$0x0], $0xffff;
	_ =	sdelay $0x4  }
0x31: {  	[tilespmem:v2+s11+$0x0] =	vst.idx.add.f32.msk $0xffff, v1  }
0x32: {  	v1 =	vld [tilespmem:s14+$0x50];
	_ =	sdelay $0x4  }
0x33: {  	v2 =	vld [tilespmem:s14+$0x2850];
	_ =	sdelay $0x2  }
0x34: {  	v1 =	vld.idx.msk [tilespmem:v1+s8+$0x0], $0xffff;
	_ =	sdelay $0x4  }
0x35: {  	[tilespmem:v2+s11+$0x0] =	vst.idx.add.f32.msk $0xffff, v1  }
0x36: {  	v1 =	vld [tilespmem:s14+$0x60];
	_ =	sdelay $0x4  }
0x37: {  	v2 =	vld [tilespmem:s14+$0x2860];
	_ =	sdelay $0x2  }
0x38: {  	v1 =	vld.idx.msk [tilespmem:v1+s8+$0x0], $0xffff;
	_ =	sdelay $0x4  }
0x39: {  	[tilespmem:v2+s11+$0x0] =	vst.idx.add.f32.msk $0xffff, v1  }
0x3a: {  	v1 =	vld [tilespmem:s14+$0x70];
	_ =	sdelay $0x4  }
0x3b: {  	v2 =	vld [tilespmem:s14+$0x2870];
	_ =	sdelay $0x2  }
0x3c: {  	p0 =	sne.s32 s13, $0x9E00;
	v1 =	vld.idx.msk [tilespmem:v1+s8+$0x0], $0xffff  }
.Ltmp1:
0x3d: {  	_ = 	snop;
	(pc) =	sbr.rel @p0 .LBB2_4-.Ltmp1, $2  }
0x3e: {  	_ =	sdelay $0x2  }
0x3f: {  	s13 =	sadd.s32 $0x200, s13;
	[tilespmem:v2+s11+$0x0] =	vst.idx.add.f32.msk $0xffff, v1  }
0x40: {  	s12 =	sadd.s32 $0x1, s12  }
0x41: {  	p0 =	sne.s32 s12, s7  }
.Ltmp2:
0x42: {  	_ = 	snop;
	(pc) =	sbr.rel @p0 .LBB2_1-.Ltmp2, $4  }
0x43: {  	[hbm4b:s6+s2] =	stream.linear.scatter [tilespmem:s11], [sflag:$0x1], $0x2780, $0x38;
	[tilespmem:$0x9F00] =	vst v63  }
0x44: {  	_ =	swait.ge [sflag:s9], $0x2780  }
0x45: {  	[sflag:s9] =	ssyncset.done $0x0  }
0x46: {  	[sflag:s9] =	ssyncadd.s32 $0xFFFFD880  }
0x47: {  	_ =	sfence.sel $0x180000  }
0x48: {  	[bflag:$0x0] =	sbarrier.arrive $0xFFFF  }
0x49: {  	p0 =	sne.s32 s0, $0x0;
	_ =	strace $0x90000047  }
0x4a: {  	s0 =	sadd.s32 @!p0 $0x100000, s1;
	[bflag:$0x2] =	sbarrier.arrive $0xFFFF  }
0x4b: {  	[sflag:s0] =	ssyncadd.tile.s32 @!p0 $0x1;
	_ =	shalt  }
.Lfunc_end2:
_tile_overlayer_lowered:
.L_overlay_start_2:
0x4c: {  	(tag) =	ssettag $0x2  }
0x4d: {  	s0 =	rddreg [dreg:$0x0];
	s2 =	stileid.u32  }
0x4e: {  	s1 =	rddreg [dreg:$0x1];
	p0 =	sne.s32 s2, $0x0  }
0x4f: {  	s3 =	rddreg [dreg:$0x2];
	[bflag:$0x3] =	sbarrier.arrive $0xFFFF;
	s2 =	simm.s32 @!p0 $0x1C01  }
0x50: {  	[timem:s3], [sflag:s2] =	dma.local @!p0 [hbm:s0], s1  }
0x51: {  	s0 =	simm.s32 @!p0 $0x1  }
0x52: {  	_ =	swait.ge @!p0 [sflag:s0], s1  }
0x53: {  	s1 =	ssub.s32 @!p0 $0x0, s1;
	[sflag:s0] =	ssyncset.done @!p0 $0x0  }
0x54: {  	[sflag:s0] =	ssyncadd.s32 @!p0 s1  }
0x55: {  	[bflag:$0x3] =	sbarrier.arrive $0xFFFF  }
0x56: {  	_ =	shalt  }

// kernel: kernel.13.cloned.1.call-start
scs
__scs_entry_jumppad:
0x0: {  	(pc) =	sbr.rel $0x88, $3  }
0x1: {  	(tag) =	ssettag $0x0;
	lr =	simm.s32 $0x1  }
0x2: {  	[smem:$0x3F99] =	sst lr;
	_ =	strace $0xD0000000  }
0x3: {  	_ = 	snop  }
0x4: {  	_ = 	snop  }
0x5: {  	_ = 	snop  }
0x6: {  	_ = 	snop  }
0x7: {  	_ = 	snop  }
__scs_overlays_trampoline_lowered:
0x8: {  	[smem:$0x3FA8] =	sst s0  }
0x9: {  	[smem:$0x3FA9] =	sst s1  }
0xa: {  	[smem:$0x3FAA] =	sst s2  }
0xb: {  	[smem:$0x3FAB] =	sst s3  }
0xc: {  	[smem:$0x3FAC] =	sst s4  }
0xd: {  	[smem:$0x3FAD] =	sst s5  }
0xe: {  	[smem:$0x3FAE] =	sst s6  }
0xf: {  	[smem:$0x3FAF] =	sst s7  }
0x10: {  	[smem:$0x3FB0] =	sst s8  }
0x11: {  	[smem:$0x3FB1] =	sst s9;
	s0 =	simm.s32 @!p0 $0x0  }
0x12: {  	s1 =	sld [smem:$0x3F97];
	s0 =	simm.s32 @p0 $0x1  }
0x13: {  	[smem:$0x3FB2] =	sst s0;
	s0 =	simm.s32 @!p1 $0x0  }
0x14: {  	s2 =	sld [smem:$0x3F96];
	s0 =	simm.s32 @p1 $0x1  }
0x15: {  	[smem:$0x3FB3] =	sst s0;
	s0 =	simm.s32 @!p2 $0x0  }
0x16: {  	s3 =	sld [smem:$0x3FDB];
	s0 =	simm.s32 @p2 $0x1  }
0x17: {  	s4 =	simm.s32 $0x1BF5;
	[smem:$0x3FB5] =	sst s0  }
0x18: {  	s0 =	sld [smem:$0x3F98];
	_ =	swait.ge [sflag:s4], $0x0  }
0x19: {  	s7 =	sld [smem:$0x3F99]  }
0x1a: {  	s8 =	sadd.s32 $0xFFFFE003, lr  }
0x1b: {  	s9 =	sadd.s32 $0xFFFFFEF7, lr;
	s5 =	simm.s32 $0xFFFFFFFF;
	p2 =	slt.u32 s8, $0xFFFFF086  }
0x1c: {  	p1 =	slt.u32 s9, $0xF7A;
	s5 =	simm.s32 @!p2 $0x0  }
0x1d: {  	s5 =	simm.s32 @p1 $0x1;
	p0 =	seq.s32 s7, s2  }
0x1e: {  	s7 =	smul.u32 @!p0 $0xF7A, s2;
	p2 =	seq.s32 @!p0 s5, $0x0  }
0x1f: {  	s9 =	smul.u32 $0xF7A, s1;
	s8 =	simm.s32 @!p0 $0x1BF5;
	p2 =	por !p2, p0  }
0x20: {  	[sflag:s8] =	ssyncset.s32 @!p0 $0xFFFFF086;
	s6 =	sadd.s32 @!p0 s3, s7;
	s7 =	simm.s32 @!p0 $0x108  }
0x21: {  	s3 =	sadd.s32 s3, s9;
	s6 =	sadd.s32 @!p0 $0x88, s6;
	s7 =	simm.s32 @p2 $0x1082  }
0x22: {  	[simem:s7], [sflag:s8] =	dma.local @!p0 [hbm:s6], $0xF7A  }
0x23: {  	s9 =	sor.u32 $0xD0000000, s2;
	s6 =	simm.s32 $0x108;
	_ =	swait.ge @!p0 [sflag:s8], $0x0  }
0x24: {  	s3 =	sadd.s32 $0x88, s3;
	s6 =	simm.s32 @!p1 $0x1082;
	[sflag:s4] =	ssyncset.s32 $0xFFFFF086  }
0x25: {  	[simem:s6], [sflag:s4] =	dma.local [hbm:s3], $0xF7A  }
0x26: {  	[smem:$0x3F99] =	sst s1;
	(tag) =	ssettag s2;
	_ =	strace s9  }
0x27: {  	s1 =	sld [smem:$0x3FA9]  }
0x28: {  	s2 =	sld [smem:$0x3FAA]  }
0x29: {  	s4 =	sld [smem:$0x3FAC]  }
0x2a: {  	p0 =	seq.s32 s5, $0x0;
	s5 =	sld [smem:$0x3FAD]  }
0x2b: {  	s6 =	sld [smem:$0x3FAE]  }
0x2c: {  	s7 =	sld [smem:$0x3FAF]  }
0x2d: {  	s3 =	simm.s32 $0x108;
	s8 =	sld [smem:$0x3FB0]  }
0x2e: {  	s3 =	simm.s32 @!p0 $0x1082;
	s9 =	sld [smem:$0x3FB1]  }
0x2f: {  	lr =	sadd.s32 s0, s3;
	s0 =	sld [smem:$0x3FA8]  }
0x30: {  	s3 =	sld [smem:$0x3FAB]  }
0x31: {  	[smem:$0x3FB4] =	sst s10  }
0x32: {  	s10 =	sld [smem:$0x3FB2];
	_ =	sdelay $0x3  }
0x33: {  	p0 =	seq.s32 s10, $0x1;
	s10 =	sld [smem:$0x3FB4];
	_ =	sdelay $0x3  }
0x34: {  	[smem:$0x3FB4] =	sst s10  }
0x35: {  	s10 =	sld [smem:$0x3FB3];
	_ =	sdelay $0x3  }
0x36: {  	p1 =	seq.s32 s10, $0x1;
	s10 =	sld [smem:$0x3FB4];
	_ =	sdelay $0x3  }
0x37: {  	[smem:$0x3FB4] =	sst s10  }
0x38: {  	s10 =	sld [smem:$0x3FB5]  }
0x39: {  	_ = 	snop;
	(pc) =	sbr.ind lr, $3  }
0x3a: {  	_ = 	snop  }
0x3b: {  	_ = 	snop  }
0x3c: {  	p2 =	seq.s32 s10, $0x1;
	s10 =	sld [smem:$0x3FB4]  }
0x3d: {  	_ =	shalt  }
0x3e: {  	_ =	shalt  }
0x3f: {  	_ =	shalt  }
0x40: {  	_ =	shalt  }
0x41: {  	_ =	shalt  }
0x42: {  	_ =	shalt  }
0x43: {  	_ =	shalt  }
0x44: {  	_ =	shalt  }
0x45: {  	_ =	shalt  }
0x46: {  	_ =	shalt  }
0x47: {  	_ =	shalt  }
0x48: {  	_ =	shalt  }
0x49: {  	_ =	shalt  }
0x4a: {  	_ =	shalt  }
0x4b: {  	_ =	shalt  }
0x4c: {  	_ =	shalt  }
0x4d: {  	_ =	shalt  }
0x4e: {  	_ =	shalt  }
0x4f: {  	_ =	shalt  }
0x50: {  	_ =	shalt  }
0x51: {  	_ =	shalt  }
0x52: {  	_ =	shalt  }
0x53: {  	_ =	shalt  }
0x54: {  	_ =	shalt  }
0x55: {  	_ =	shalt  }
0x56: {  	_ =	shalt  }
0x57: {  	_ =	shalt  }
0x58: {  	_ =	shalt  }
0x59: {  	_ =	shalt  }
0x5a: {  	_ =	shalt  }
0x5b: {  	_ =	shalt  }
0x5c: {  	_ =	shalt  }
0x5d: {  	_ =	shalt  }
0x5e: {  	_ =	shalt  }
0x5f: {  	_ =	shalt  }
0x60: {  	_ =	shalt  }
0x61: {  	_ =	shalt  }
0x62: {  	_ =	shalt  }
0x63: {  	_ =	shalt  }
0x64: {  	_ =	shalt  }
0x65: {  	_ =	shalt  }
0x66: {  	_ =	shalt  }
0x67: {  	_ =	shalt  }
0x68: {  	_ =	shalt  }
0x69: {  	_ =	shalt  }
0x6a: {  	_ =	shalt  }
0x6b: {  	_ =	shalt  }
0x6c: {  	_ =	shalt  }
0x6d: {  	_ =	shalt  }
0x6e: {  	_ =	shalt  }
0x6f: {  	_ =	shalt  }
0x70: {  	_ =	shalt  }
0x71: {  	_ =	shalt  }
0x72: {  	_ =	shalt  }
0x73: {  	_ =	shalt  }
0x74: {  	_ =	shalt  }
0x75: {  	_ =	shalt  }
0x76: {  	_ =	shalt  }
0x77: {  	_ =	shalt  }
0x78: {  	_ =	shalt  }
0x79: {  	_ =	shalt  }
0x7a: {  	_ =	shalt  }
0x7b: {  	_ =	shalt  }
0x7c: {  	_ =	shalt  }
0x7d: {  	_ =	shalt  }
0x7e: {  	_ =	shalt  }
0x7f: {  	_ =	shalt  }
0x80: {  	_ =	shalt  }
0x81: {  	_ =	shalt  }
0x82: {  	_ =	shalt  }
0x83: {  	_ =	shalt  }
0x84: {  	_ =	shalt  }
0x85: {  	_ =	shalt  }
0x86: {  	_ =	shalt  }
0x87: {  	_ =	shalt  }
.Lfunc_end0:
.L_simem_size_0:
called_computation.1_lowered:
.L_overlay_start_0:
0x88: {  	s2 =	sld [smem:$0x3FD9]  }
0x89: {  	s3 =	sld [smem:$0x3FFE];
	_ =	sdelay $0x1  }
0x8a: {  	s1 =	srdreg.scid  }
0x8b: {  	s0 =	sand.u32 $0x1, s1  }
0x8c: {  	s16 =	sshll.u32 s0, $0xA;
	s2 =	sadd.s32 s3, s2  }
0x8d: {  	s2 =	sadd.s32 s2, s16  }
0x8e: {  	[smem:$0x3FC0] =	sst s2  }
0x8f: {  	_ = 	snop  }
0x90: {  	(tm) =	ssettm $0x1  }
0x91: {  	s17 =	sld [smem:$0x3FFB];
	_ =	sdelay $0x3  }
0x92: {  	_ =	strace s17  }
0x93: {  	s2 =	sld [smem:$0x3FFC];
	_ =	sdelay $0x3  }
0x94: {  	_ =	strace s2  }
0x95: {  	s2 =	sld [smem:$0x3FFD];
	_ =	sdelay $0x3  }
0x96: {  	_ =	strace s2  }
0x97: {  	_ =	strace $0x8FFFFFFF  }
0x98: {  	s18 =	sld [smem:$0x3FDB];
	_ =	sdelay $0x1  }
0x99: {  	s19 =	simm.s32 $_scs_section_size  }
0x9a: {  	s4 =	simm.s32 $_size__tile_overlayer_lowered;
	s5 =	simm.s32 $_tile_overlayer_lowered  }
0x9b: {  	s22 =	simm.s32 $0x1BFF;
	s21 =	sshll.u32 s5, $0x1;
	s2 =	sadd.s32 s19, s18  }
0x9c: {  	s6 =	simm.s32 $0x0;
	s20 =	sshll.u32 s4, $0x1;
	s4 =	sadd.s32 s21, s2  }
0x9d: {  	[timem:s6], [sflag:s22] =	dma.local [hbm:s4], s20  }
0x9e: {  	_ =	swait.ge [sflag:s22], s20  }
0x9f: {  	s3 =	ssub.s32 $0x0, s20;
	[sflag:s22] =	ssyncset.done $0x0  }
0xa0: {  	[sflag:s22] =	ssyncadd.s32 s3;
	_ =	sdelay $0x1  }
0xa1: {  	s23 =	simm.s32 $0x1B8B  }
0xa2: {  	_ =	swait.ge [sflag:s23], $0x1  }
0xa3: {  	[sflag:s23] =	ssyncset.done $0x0  }
0xa4: {  	s25 =	simm.s32 $0x1B8E;
	s24 =	sld [smem:$0x3FFE];
	[sflag:s23] =	ssyncadd.s32 $0xFFFFFFFF  }
0xa5: {  	s26 =	simm.s32 $execute0_lowered;
	[smem:$0x3FD2] =	sst s25  }
0xa6: {  	s4 =	sshll.u32 s26, $0x1;
	_ =	strace $0x80000049;
	[dreg:$0x1] =	wrdreg $0xFFFFFFFF  }
0xa7: {  	s28 =	simm.s32 $_size_execute0_lowered;
	s2 =	sadd.s32 s2, s4;
	[dreg:$0x0] =	wrdreg $0x0  }
0xa8: {  	s4 =	sshll.u32 s28, $0x1;
	[dreg:$0x2] =	wrdreg s2  }
0xa9: {  	[dreg:$0x3] =	wrdreg s4  }
0xaa: {  	[dreg:$0x4] =	wrdreg $0xC0  }
0xab: {  	_ =	task [dreg:s6], $0x5FFFF  }
0xac: {  	[dreg:$0x1] =	wrdreg $0xFFFFFFFF  }
0xad: {  	[dreg:$0x0] =	wrdreg $0x60  }
0xae: {  	[dreg:$0x2] =	wrdreg s24  }
0xaf: {  	[dreg:$0x3] =	wrdreg $0x91000  }
0xb0: {  	[dreg:$0x4] =	wrdreg $0x12F000  }
0xb1: {  	[dreg:$0x5] =	wrdreg $0x9  }
0xb2: {  	_ =	task.clear_ibuf [dreg:s6], $0x6FFFF;
	_ =	strace $0x90000049  }
0xb3: {  	s29 =	simm.s32 $0x9;
	_ =	strace $0x8000004B  }
0xb4: {  	_ =	swait.ge [sflag:s29], $0x1  }
0xb5: {  	[sflag:s29] =	ssyncadd.s32 $0xFFFFFFFF  }
0xb6: {  	_ =	strace $0x9000004B  }
0xb7: {  	_ =	sfence  }
0xb8: {  	s30 =	sld [smem:$0x0];
	_ =	sdelay $0x2  }
0xb9: {  	s31 =	sshll.u32 s1, $0xD;
	s1 =	sshrl.u32 s1, $0x2  }
0xba: {  	s3 =	sand.u32 $0x4000, s31;
	s1 =	sadd.s32 s1, s30  }
0xbb: {  	s0 =	sor.u32 s3, s0;
	s1 =	sshll.u32 s1, $0x11  }
0xbc: {  	s0 =	sor.u32 s1, s0  }
0xbd: {  	s0 =	sadd.s32 $0x8F2B, s0  }
0xbe: {  	[sflag:s0] =	ssyncadd.remote.s32 $0x1  }
0xbf: {  	_ =	sfence.sel $0xFFFF  }
0xc0: {  	[dreg:$0x0] =	wrdreg $0xFFFFFFFF;
	(pc) =	sbr.abs _section_cstart, $3  }
0xc1: {  	[dreg:$0x1] =	wrdreg $0xFFFFFFFF  }
0xc2: {  	_ =	task.clear_ibuf [dreg:s6], $0x2FFFF;
	_ =	strace $0x9FFFFFFF  }
0xc3: {  	(tm) =	ssettm $0x7FFFFFFF  }
tec
execute0_lowered:
.L_overlay_start_1:
0x0: {  	(tag) =	ssettag $0x1  }
0x1: {  	s0 =	rddreg [dreg:$0x0]  }
0x2: {  	s14 =	stileid.u32;
	s2 =	rddreg [dreg:$0x1]  }
0x3: {  	s1 =	srdreg.scid;
	s3 =	rddreg [dreg:$0x2];
	s4 =	simm.s32 $0x0  }
0x4: {  	s19 =	simm.s32 $0x7;
	s28 =	simm.s32 $0x2;
	s5 =	smul.u32 $0x5000, s14  }
0x5: {  	s29 =	simm.s32 $0x4;
	s30 =	simm.s32 $0x5;
	s7 =	smul.u32 $0x9E00, s14  }
0x6: {  	s31 =	simm.s32 $0x6;
	s1 =	sand.u32 $0x1, s1;
	s9 =	smul.u32 $0x27800, s14  }
0x7: {  	[smem:$0x7FF] =	sst s4;
	s17 =	sadd.s32 $0x2400, s0;
	s26 =	smul.u32 $0xA00, s14  }
0x8: {  	s23 =	sshll.u32 s14, $0x6;
	s6 =	smul.u32 $0x9E000, s1;
	s1 =	ssub.s32 $0x2, s1  }
0x9: {  	_ =	strace $0x8000004A;
	s5 =	sshrl.u32 s5, $0x3;
	s20 =	sshrl.u32 s1, $0x1  }
0xa: {  	s18 =	sadd.s32 s7, s2;
	s21 =	sshrl.u32 s9, $0x2;
	s8 =	sadd.s32 s5, s0  }
0xb: {  	s6 =	sadd.s32 s7, s6;
	s1 =	ssub.s32 s1, s20;
	s11 =	sadd.s32 s21, s3  }
0xc: {  	s7 =	sadd.s32 s7, s3;
	s13 =	sadd.s32 s17, s5;
	s17 =	sadd.s32 s26, s17  }
0xd: {  	s18 =	sshrl.u32 s18, $0x3;
	s20 =	simm.s32 $0x5100;
	s21 =	simm.s32 $0x5000  }
0xe: {  	s26 =	simm.s32 $0x3;
	s6 =	sshrl.u32 s6, $0x3;
	s24 =	sadd.s32 $0x2000, s11  }
0xf: {  	s25 =	sadd.s32 $0x4000, s11;
	s10 =	sadd.s32 $0x6000, s11;
	s11 =	sadd.s32 $0x8000, s11  }
0x10: {  	s12 =	sadd.s32 $0xC400, s8;
	s14 =	sadd.s32 $0x10, s13;
	s16 =	smax.u32 s1, $0x1  }
0x11: {  	s1 =	simm.s32 $0x0;
	s0 =	sadd.s32 s6, s0;
	[dreg:$0x5] =	wrdreg s24  }
0x12: {  	s6 =	sor.u32 $0x1C07, s23;
	[dreg:$0x6] =	wrdreg s25;
	s23 =	simm.s32 $0x5080  }
0x13: {  	s24 =	simm.s32 $0x7100;
	s25 =	simm.s32 $0x1;
	s22 =	sadd.s32 $0x8CC00, s0  }
0x14: {  	v0 =	vimm.f32 $0.0e+00;
	s15 =	sadd.s32 $0xB4400, s0;
	[dreg:$0x4] =	wrdreg s22;
	s22 =	simm.s32 $0x80  }
.LBB2_1:
0x15: {  	s5 =	simm.s32 $0x100;
	s0 =	simm.s32 $0x0  }
.LBB2_2:
0x16: {  	p0 =	sne.s32 s5, $0x7F00;
	[tilespmem:s0+$0x5130] =	vst v0;
	s8 =	smov.u32 s5;
	s5 =	sadd.s32 $0x100, s5  }
.Ltmp0:
0x17: {  	[tilespmem:s0+$0x5120] =	vst v0;
	(pc) =	sbr.rel @p0 .LBB2_2-.Ltmp0, $3  }
0x18: {  	[tilespmem:s0+$0x5100] =	vst v0  }
0x19: {  	[tilespmem:s0+$0x5110] =	vst v0;
	_ =	sdelay $0x1  }
0x1a: {  	s0 =	sshra.s32 s8, $0x2  }
0x1b: {  	[tilespmem:s0+$0x5130] =	vst v0  }
0x1c: {  	[tilespmem:s0+$0x5120] =	vst v0  }
0x1d: {  	[tilespmem:s0+$0x5100] =	vst v0  }
0x1e: {  	[tilespmem:s0+$0x5110] =	vst v0;
	s8 =	rddreg [dreg:$0x4]  }
0x1f: {  	[spmem:s18], [sflag:s6] =	dma.local [hbm:s8], $0x13C0  }
0x20: {  	_ =	swait.ge [sflag:s19], $0x13C0  }
0x21: {  	[sflag:s19] =	ssyncset.done $0x0  }
0x22: {  	[sflag:s19] =	ssyncadd.s32 $0xFFFFEC40  }
0x23: {  	[spmem:s7] =	stream.linear.scatter [tilespmem:s20], [sflag:$0x7], $0x2000, $0x38;
	[tilespmem:$0x1CD00] =	vst v63  }
0x24: {  	_ =	swait.ge [sflag:s19], $0x2000  }
0x25: {  	[sflag:s19] =	ssyncset.done $0x0  }
0x26: {  	s9 =	rddreg [dreg:$0x5];
	[sflag:s19] =	ssyncadd.s32 $0xFFFFE000  }
0x27: {  	[spmem:s9] =	stream.linear.scatter [tilespmem:s20], [sflag:$0x7], $0x2000, $0x38;
	[tilespmem:$0x1CD00] =	vst v63  }
0x28: {  	_ =	swait.ge [sflag:s19], $0x2000  }
0x29: {  	[sflag:s19] =	ssyncset.done $0x0  }
0x2a: {  	s5 =	rddreg [dreg:$0x6];
	[sflag:s19] =	ssyncadd.s32 $0xFFFFE000  }
0x2b: {  	[spmem:s5] =	stream.linear.scatter [tilespmem:s20], [sflag:$0x7], $0x2000, $0x38;
	[tilespmem:$0x1CD00] =	vst v63  }
0x2c: {  	_ =	swait.ge [sflag:s19], $0x2000  }
0x2d: {  	[sflag:s19] =	ssyncset.done $0x0  }
0x2e: {  	[sflag:s19] =	ssyncadd.s32 $0xFFFFE000  }
0x2f: {  	[spmem:s10] =	stream.linear.scatter [tilespmem:s20], [sflag:$0x7], $0x2000, $0x38;
	[tilespmem:$0x1CD00] =	vst v63  }
0x30: {  	_ =	swait.ge [sflag:s19], $0x2000  }
0x31: {  	[sflag:s19] =	ssyncset.done $0x0  }
0x32: {  	[sflag:s19] =	ssyncadd.s32 $0xFFFFE000  }
0x33: {  	[spmem:s11] =	stream.linear.scatter [tilespmem:s20], [sflag:$0x7], $0x1E00, $0x38;
	[tilespmem:$0x1CD00] =	vst v63  }
0x34: {  	_ =	swait.ge [sflag:s19], $0x1E00  }
0x35: {  	[sflag:s19] =	ssyncset.done $0x0  }
0x36: {  	[sflag:s19] =	ssyncadd.s32 $0xFFFFE200  }
0x37: {  	[tilespmem:s4], [sflag:$0x7] =	stream.linear.gather [hbm4b:s12+s4], $0x5000, $0x38;
	[tilespmem:$0x1CD00] =	vst v63  }
0x38: {  	_ =	swait.ge [sflag:s19], $0x5000  }
0x39: {  	[sflag:s19] =	ssyncset.done $0x0  }
0x3a: {  	[sflag:s19] =	ssyncadd.s32 $0xFFFFB000  }
0x3b: {  	[bflag:$0x0] =	sbarrier.arrive $0xFFFF  }
0x3c: {  	[tilespmem:s21], [sflag:$0x1] =	stream.linear.gather [hbm4b:s13+s4], $0x80, $0x38;
	[tilespmem:$0x1CD00] =	vst v63  }
0x3d: {  	_ = 	snop  }
0x3e: {  	[tilespmem:s20], [sflag:$0x3] =	stream.indirect.gather [spmem:s2], $0x40, s4, s22, $0xb8;
	[tilespmem:$0x1CD00] =	vst v63  }
0x3f: {  	_ = 	snop  }
0x40: {  	[tilespmem:s23], [sflag:$0x2] =	stream.linear.gather [hbm4b:s14+s4], $0x80, $0x38;
	[tilespmem:$0x1CD00] =	vst v63  }
0x41: {  	_ = 	snop  }
0x42: {  	[tilespmem:s24], [sflag:$0x4] =	stream.indirect.gather [spmem:s2], $0x40, s22, s22, $0xb8;
	[tilespmem:$0x1CD00] =	vst v63  }
0x43: {  	_ =	swait.ge [sflag:s25], $0x80  }
0x44: {  	[sflag:s25] =	ssyncset.done $0x0  }
0x45: {  	[sflag:s25] =	ssyncadd.s32 $0xFFFFFF80  }
0x46: {  	_ =	swait.ge [sflag:s26], $0x2000  }
0x47: {  	[sflag:s26] =	ssyncset.done $0x0  }
0x48: {  	[sflag:s26] =	ssyncadd.s32 $0xFFFFE000  }
0x49: {  	[spmem:s3] =	stream.indirect.scatter.add.f32 [tilespmem:s20], [sflag:$0x5], $0x40, s21, s22, $0xb8;
	[tilespmem:$0x1CD00] =	vst v63  }
0x4a: {  	_ =	swait.ge [sflag:s28], $0x80  }
0x4b: {  	[sflag:s28] =	ssyncset.done $0x0  }
0x4c: {  	[sflag:s28] =	ssyncadd.s32 $0xFFFFFF80  }
0x4d: {  	_ =	swait.ge [sflag:s29], $0x2000  }
0x4e: {  	[sflag:s29] =	ssyncset.done $0x0  }
0x4f: {  	[sflag:s29] =	ssyncadd.s32 $0xFFFFE000  }
0x50: {  	[spmem:s3] =	stream.indirect.scatter.add.f32 [tilespmem:s24], [sflag:$0x6], $0x40, s23, s22, $0xb8;
	[tilespmem:$0x1CD00] =	vst v63  }
0x51: {  	_ =	swait.ge [sflag:s30], $0x2000  }
0x52: {  	s8 =	sadd.s32 $0xFFFFF620, s17;
	[sflag:s30] =	ssyncset.done $0x0  }
0x53: {  	s5 =	sadd.s32 $0xA00, s8;
	[sflag:s30] =	ssyncadd.s32 $0xFFFFE000  }
0x54: {  	[tilespmem:s21], [sflag:$0x1] =	stream.linear.gather [hbm4b:s5+s4], $0x80, $0x38;
	[tilespmem:$0x1CD00] =	vst v63  }
0x55: {  	s9 =	simm.s32 $0x100  }
0x56: {  	[tilespmem:s20], [sflag:$0x3] =	stream.indirect.gather [spmem:s2], $0x40, s9, s22, $0xb8;
	[tilespmem:$0x1CD00] =	vst v63  }
0x57: {  	_ =	swait.ge [sflag:s31], $0x2000  }
0x58: {  	[sflag:s31] =	ssyncset.done $0x0  }
0x59: {  	s0 =	sadd.s32 $0xA10, s8;
	[sflag:s31] =	ssyncadd.s32 $0xFFFFE000  }
0x5a: {  	[tilespmem:s23], [sflag:$0x2] =	stream.linear.gather [hbm4b:s0+s4], $0x80, $0x38;
	[tilespmem:$0x1CD00] =	vst v63  }
0x5b: {  	s8 =	simm.s32 $0x180;
	s5 =	simm.s32 $0x200;
	s0 =	simm.s32 $0xFFFFF640  }
.LBB2_4:
0x5c: {  	[tilespmem:s24], [sflag:$0x4] =	stream.indirect.gather [spmem:s2], $0x40, s8, s22, $0xb8;
	[tilespmem:$0x1CD00] =	vst v63  }
0x5d: {  	s8 =	smov.u32 s0  }
0x5e: {  	p0 =	sne.s32 s0, $0xFFFFFFE0;
	s0 =	sadd.s32 $0x20, s0;
	_ =	swait.ge [sflag:s25], $0x80  }
0x5f: {  	[sflag:s25] =	ssyncset.done $0x0  }
0x60: {  	[sflag:s25] =	ssyncadd.s32 $0xFFFFFF80  }
0x61: {  	_ =	swait.ge [sflag:s26], $0x2000  }
0x62: {  	[sflag:s26] =	ssyncset.done $0x0  }
0x63: {  	[sflag:s26] =	ssyncadd.s32 $0xFFFFE000  }
0x64: {  	[spmem:s3] =	stream.indirect.scatter.add.f32 [tilespmem:s20], [sflag:$0x5], $0x40, s21, s22, $0xb8;
	[tilespmem:$0x1CD00] =	vst v63  }
0x65: {  	_ =	swait.ge [sflag:s28], $0x80  }
0x66: {  	[sflag:s28] =	ssyncset.done $0x0  }
0x67: {  	[sflag:s28] =	ssyncadd.s32 $0xFFFFFF80  }
0x68: {  	_ =	swait.ge [sflag:s29], $0x2000  }
0x69: {  	[sflag:s29] =	ssyncset.done $0x0  }
0x6a: {  	[sflag:s29] =	ssyncadd.s32 $0xFFFFE000  }
0x6b: {  	[spmem:s3] =	stream.indirect.scatter.add.f32 [tilespmem:s24], [sflag:$0x6], $0x40, s23, s22, $0xb8;
	[tilespmem:$0x1CD00] =	vst v63  }
0x6c: {  	_ =	swait.ge [sflag:s30], $0x2000  }
0x6d: {  	s8 =	sadd.s32 s8, s17;
	[sflag:s30] =	ssyncset.done $0x0  }
0x6e: {  	s9 =	sadd.s32 $0xA00, s8;
	[sflag:s30] =	ssyncadd.s32 $0xFFFFE000  }
0x6f: {  	[tilespmem:s21], [sflag:$0x1] =	stream.linear.gather [hbm4b:s9+s4], $0x80, $0x38;
	[tilespmem:$0x1CD00] =	vst v63  }
0x70: {  	_ = 	snop  }
0x71: {  	[tilespmem:s20], [sflag:$0x3] =	stream.indirect.gather [spmem:s2], $0x40, s5, s22, $0xb8;
	[tilespmem:$0x1CD00] =	vst v63  }
.Ltmp1:
0x72: {  	_ =	swait.ge [sflag:s31], $0x2000;
	(pc) =	sbr.rel @p0 .LBB2_4-.Ltmp1, $4  }
0x73: {  	[sflag:s31] =	ssyncset.done $0x0  }
0x74: {  	s8 =	sadd.s32 $0xA10, s8;
	[sflag:s31] =	ssyncadd.s32 $0xFFFFE000  }
0x75: {  	[tilespmem:s23], [sflag:$0x2] =	stream.linear.gather [hbm4b:s8+s4], $0x80, $0x38;
	[tilespmem:$0x1CD00] =	vst v63  }
0x76: {  	s8 =	sadd.s32 $0x80, s5;
	s5 =	sadd.s32 $0x100, s5  }
0x77: {  	[tilespmem:s24], [sflag:$0x4] =	stream.indirect.gather [spmem:s2], $0x40, s8, s22, $0xb8;
	[tilespmem:$0x1CD00] =	vst v63  }
0x78: {  	_ =	swait.ge [sflag:s25], $0x80  }
0x79: {  	[sflag:s25] =	ssyncset.done $0x0  }
0x7a: {  	[sflag:s25] =	ssyncadd.s32 $0xFFFFFF80  }
0x7b: {  	_ =	swait.ge [sflag:s26], $0x2000  }
0x7c: {  	[sflag:s26] =	ssyncset.done $0x0  }
0x7d: {  	[sflag:s26] =	ssyncadd.s32 $0xFFFFE000  }
0x7e: {  	[spmem:s3] =	stream.indirect.scatter.add.f32 [tilespmem:s20], [sflag:$0x5], $0x40, s21, s22, $0xb8;
	[tilespmem:$0x1CD00] =	vst v63  }
0x7f: {  	_ =	swait.ge [sflag:s28], $0x80  }
0x80: {  	[sflag:s28] =	ssyncset.done $0x0  }
0x81: {  	[sflag:s28] =	ssyncadd.s32 $0xFFFFFF80  }
0x82: {  	_ =	swait.ge [sflag:s29], $0x2000  }
0x83: {  	[sflag:s29] =	ssyncset.done $0x0  }
0x84: {  	[sflag:s29] =	ssyncadd.s32 $0xFFFFE000  }
0x85: {  	[spmem:s3] =	stream.indirect.scatter.add.f32 [tilespmem:s24], [sflag:$0x6], $0x40, s23, s22, $0xb8;
	[tilespmem:$0x1CD00] =	vst v63  }
0x86: {  	_ =	swait.ge [sflag:s30], $0x2000  }
0x87: {  	[sflag:s30] =	ssyncset.done $0x0  }
0x88: {  	[sflag:s30] =	ssyncadd.s32 $0xFFFFE000  }
0x89: {  	_ =	swait.ge [sflag:s31], $0x2000  }
0x8a: {  	s1 =	sadd.s32 $0x1, s1;
	[sflag:s31] =	ssyncset.done $0x0  }
0x8b: {  	p0 =	sne.s32 s1, s16;
	[sflag:s31] =	ssyncadd.s32 $0xFFFFE000  }
.Ltmp2:
0x8c: {  	s0 =	sshrl.u32 s7, $0x3;
	[bflag:$0x0] =	sbarrier.arrive $0xFFFF;
	(pc) =	sbr.rel @p0 .LBB2_1-.Ltmp2, $4  }
0x8d: {  	[hbm:s15], [sflag:s6] =	dma.local [spmem:s0], $0x13C0  }
0x8e: {  	_ =	swait.ge [sflag:s19], $0x13C0  }
0x8f: {  	[sflag:s19] =	ssyncset.done $0x0  }
0x90: {  	[sflag:s19] =	ssyncadd.s32 $0xFFFFEC40  }
0x91: {  	_ =	sfence.sel $0x180000  }
0x92: {  	[bflag:$0x0] =	sbarrier.arrive $0xFFFF  }
0x93: {  	_ =	strace $0x9000004A  }
0x94: {  	s0 =	stileid.u32;
	[bflag:$0x2] =	sbarrier.arrive $0xFFFF  }
0x95: {  	p0 =	sne.s32 s0, $0x0;
	s0 =	rddreg [dreg:$0x3]  }
0x96: {  	s0 =	sadd.s32 @!p0 $0x100000, s0  }
0x97: {  	[sflag:s0] =	ssyncadd.tile.s32 @!p0 $0x1;
	_ =	shalt  }
.Lfunc_end2:
_tile_overlayer_lowered:
.L_overlay_start_2:
0x98: {  	(tag) =	ssettag $0x2  }
0x99: {  	s0 =	rddreg [dreg:$0x0];
	s2 =	stileid.u32  }
0x9a: {  	s1 =	rddreg [dreg:$0x1];
	p0 =	sne.s32 s2, $0x0  }
0x9b: {  	s3 =	rddreg [dreg:$0x2];
	[bflag:$0x3] =	sbarrier.arrive $0xFFFF;
	s2 =	simm.s32 @!p0 $0x1C07  }
0x9c: {  	[timem:s3], [sflag:s2] =	dma.local @!p0 [hbm:s0], s1  }
0x9d: {  	s0 =	simm.s32 @!p0 $0x7  }
0x9e: {  	_ =	swait.ge @!p0 [sflag:s0], s1  }
0x9f: {  	s1 =	ssub.s32 @!p0 $0x0, s1;
	[sflag:s0] =	ssyncset.done @!p0 $0x0  }
0xa0: {  	[sflag:s0] =	ssyncadd.s32 @!p0 s1  }
0xa1: {  	[bflag:$0x3] =	sbarrier.arrive $0xFFFF  }
0xa2: {  	_ =	shalt  }

// kernel: kernel.16.cloned.1.call-start
scs
__scs_entry_jumppad:
0x0: {  	(pc) =	sbr.rel $0x88, $3  }
0x1: {  	(tag) =	ssettag $0x0;
	lr =	simm.s32 $0x1  }
0x2: {  	[smem:$0x3F99] =	sst lr;
	_ =	strace $0xD0000000  }
0x3: {  	_ = 	snop  }
0x4: {  	_ = 	snop  }
0x5: {  	_ = 	snop  }
0x6: {  	_ = 	snop  }
0x7: {  	_ = 	snop  }
__scs_overlays_trampoline_lowered:
0x8: {  	[smem:$0x3FA8] =	sst s0  }
0x9: {  	[smem:$0x3FA9] =	sst s1  }
0xa: {  	[smem:$0x3FAA] =	sst s2  }
0xb: {  	[smem:$0x3FAB] =	sst s3  }
0xc: {  	[smem:$0x3FAC] =	sst s4  }
0xd: {  	[smem:$0x3FAD] =	sst s5  }
0xe: {  	[smem:$0x3FAE] =	sst s6  }
0xf: {  	[smem:$0x3FAF] =	sst s7  }
0x10: {  	[smem:$0x3FB0] =	sst s8  }
0x11: {  	[smem:$0x3FB1] =	sst s9;
	s0 =	simm.s32 @!p0 $0x0  }
0x12: {  	s1 =	sld [smem:$0x3F97];
	s0 =	simm.s32 @p0 $0x1  }
0x13: {  	[smem:$0x3FB2] =	sst s0;
	s0 =	simm.s32 @!p1 $0x0  }
0x14: {  	s2 =	sld [smem:$0x3F96];
	s0 =	simm.s32 @p1 $0x1  }
0x15: {  	[smem:$0x3FB3] =	sst s0;
	s0 =	simm.s32 @!p2 $0x0  }
0x16: {  	s3 =	sld [smem:$0x3FDB];
	s0 =	simm.s32 @p2 $0x1  }
0x17: {  	s4 =	simm.s32 $0x1BF5;
	[smem:$0x3FB5] =	sst s0  }
0x18: {  	s0 =	sld [smem:$0x3F98];
	_ =	swait.ge [sflag:s4], $0x0  }
0x19: {  	s7 =	sld [smem:$0x3F99]  }
0x1a: {  	s8 =	sadd.s32 $0xFFFFE003, lr  }
0x1b: {  	s9 =	sadd.s32 $0xFFFFFEF7, lr;
	s5 =	simm.s32 $0xFFFFFFFF;
	p2 =	slt.u32 s8, $0xFFFFF086  }
0x1c: {  	p1 =	slt.u32 s9, $0xF7A;
	s5 =	simm.s32 @!p2 $0x0  }
0x1d: {  	s5 =	simm.s32 @p1 $0x1;
	p0 =	seq.s32 s7, s2  }
0x1e: {  	s7 =	smul.u32 @!p0 $0xF7A, s2;
	p2 =	seq.s32 @!p0 s5, $0x0  }
0x1f: {  	s9 =	smul.u32 $0xF7A, s1;
	s8 =	simm.s32 @!p0 $0x1BF5;
	p2 =	por !p2, p0  }
0x20: {  	[sflag:s8] =	ssyncset.s32 @!p0 $0xFFFFF086;
	s6 =	sadd.s32 @!p0 s3, s7;
	s7 =	simm.s32 @!p0 $0x108  }
0x21: {  	s3 =	sadd.s32 s3, s9;
	s6 =	sadd.s32 @!p0 $0x88, s6;
	s7 =	simm.s32 @p2 $0x1082  }
0x22: {  	[simem:s7], [sflag:s8] =	dma.local @!p0 [hbm:s6], $0xF7A  }
0x23: {  	s9 =	sor.u32 $0xD0000000, s2;
	s6 =	simm.s32 $0x108;
	_ =	swait.ge @!p0 [sflag:s8], $0x0  }
0x24: {  	s3 =	sadd.s32 $0x88, s3;
	s6 =	simm.s32 @!p1 $0x1082;
	[sflag:s4] =	ssyncset.s32 $0xFFFFF086  }
0x25: {  	[simem:s6], [sflag:s4] =	dma.local [hbm:s3], $0xF7A  }
0x26: {  	[smem:$0x3F99] =	sst s1;
	(tag) =	ssettag s2;
	_ =	strace s9  }
0x27: {  	s1 =	sld [smem:$0x3FA9]  }
0x28: {  	s2 =	sld [smem:$0x3FAA]  }
0x29: {  	s4 =	sld [smem:$0x3FAC]  }
0x2a: {  	p0 =	seq.s32 s5, $0x0;
	s5 =	sld [smem:$0x3FAD]  }
0x2b: {  	s6 =	sld [smem:$0x3FAE]  }
0x2c: {  	s7 =	sld [smem:$0x3FAF]  }
0x2d: {  	s3 =	simm.s32 $0x108;
	s8 =	sld [smem:$0x3FB0]  }
0x2e: {  	s3 =	simm.s32 @!p0 $0x1082;
	s9 =	sld [smem:$0x3FB1]  }
0x2f: {  	lr =	sadd.s32 s0, s3;
	s0 =	sld [smem:$0x3FA8]  }
0x30: {  	s3 =	sld [smem:$0x3FAB]  }
0x31: {  	[smem:$0x3FB4] =	sst s10  }
0x32: {  	s10 =	sld [smem:$0x3FB2];
	_ =	sdelay $0x3  }
0x33: {  	p0 =	seq.s32 s10, $0x1;
	s10 =	sld [smem:$0x3FB4];
	_ =	sdelay $0x3  }
0x34: {  	[smem:$0x3FB4] =	sst s10  }
0x35: {  	s10 =	sld [smem:$0x3FB3];
	_ =	sdelay $0x3  }
0x36: {  	p1 =	seq.s32 s10, $0x1;
	s10 =	sld [smem:$0x3FB4];
	_ =	sdelay $0x3  }
0x37: {  	[smem:$0x3FB4] =	sst s10  }
0x38: {  	s10 =	sld [smem:$0x3FB5]  }
0x39: {  	_ = 	snop;
	(pc) =	sbr.ind lr, $3  }
0x3a: {  	_ = 	snop  }
0x3b: {  	_ = 	snop  }
0x3c: {  	p2 =	seq.s32 s10, $0x1;
	s10 =	sld [smem:$0x3FB4]  }
0x3d: {  	_ =	shalt  }
0x3e: {  	_ =	shalt  }
0x3f: {  	_ =	shalt  }
0x40: {  	_ =	shalt  }
0x41: {  	_ =	shalt  }
0x42: {  	_ =	shalt  }
0x43: {  	_ =	shalt  }
0x44: {  	_ =	shalt  }
0x45: {  	_ =	shalt  }
0x46: {  	_ =	shalt  }
0x47: {  	_ =	shalt  }
0x48: {  	_ =	shalt  }
0x49: {  	_ =	shalt  }
0x4a: {  	_ =	shalt  }
0x4b: {  	_ =	shalt  }
0x4c: {  	_ =	shalt  }
0x4d: {  	_ =	shalt  }
0x4e: {  	_ =	shalt  }
0x4f: {  	_ =	shalt  }
0x50: {  	_ =	shalt  }
0x51: {  	_ =	shalt  }
0x52: {  	_ =	shalt  }
0x53: {  	_ =	shalt  }
0x54: {  	_ =	shalt  }
0x55: {  	_ =	shalt  }
0x56: {  	_ =	shalt  }
0x57: {  	_ =	shalt  }
0x58: {  	_ =	shalt  }
0x59: {  	_ =	shalt  }
0x5a: {  	_ =	shalt  }
0x5b: {  	_ =	shalt  }
0x5c: {  	_ =	shalt  }
0x5d: {  	_ =	shalt  }
0x5e: {  	_ =	shalt  }
0x5f: {  	_ =	shalt  }
0x60: {  	_ =	shalt  }
0x61: {  	_ =	shalt  }
0x62: {  	_ =	shalt  }
0x63: {  	_ =	shalt  }
0x64: {  	_ =	shalt  }
0x65: {  	_ =	shalt  }
0x66: {  	_ =	shalt  }
0x67: {  	_ =	shalt  }
0x68: {  	_ =	shalt  }
0x69: {  	_ =	shalt  }
0x6a: {  	_ =	shalt  }
0x6b: {  	_ =	shalt  }
0x6c: {  	_ =	shalt  }
0x6d: {  	_ =	shalt  }
0x6e: {  	_ =	shalt  }
0x6f: {  	_ =	shalt  }
0x70: {  	_ =	shalt  }
0x71: {  	_ =	shalt  }
0x72: {  	_ =	shalt  }
0x73: {  	_ =	shalt  }
0x74: {  	_ =	shalt  }
0x75: {  	_ =	shalt  }
0x76: {  	_ =	shalt  }
0x77: {  	_ =	shalt  }
0x78: {  	_ =	shalt  }
0x79: {  	_ =	shalt  }
0x7a: {  	_ =	shalt  }
0x7b: {  	_ =	shalt  }
0x7c: {  	_ =	shalt  }
0x7d: {  	_ =	shalt  }
0x7e: {  	_ =	shalt  }
0x7f: {  	_ =	shalt  }
0x80: {  	_ =	shalt  }
0x81: {  	_ =	shalt  }
0x82: {  	_ =	shalt  }
0x83: {  	_ =	shalt  }
0x84: {  	_ =	shalt  }
0x85: {  	_ =	shalt  }
0x86: {  	_ =	shalt  }
0x87: {  	_ =	shalt  }
.Lfunc_end0:
.L_simem_size_0:
called_computation.2_lowered:
.L_overlay_start_0:
0x88: {  	s2 =	sld [smem:$0x3FD9]  }
0x89: {  	s3 =	sld [smem:$0x3FFE];
	_ =	sdelay $0x1  }
0x8a: {  	s1 =	srdreg.scid  }
0x8b: {  	s0 =	sand.u32 $0x1, s1  }
0x8c: {  	s16 =	sshll.u32 s0, $0xA;
	s2 =	sadd.s32 s3, s2  }
0x8d: {  	s2 =	sadd.s32 s2, s16  }
0x8e: {  	[smem:$0x3FC0] =	sst s2  }
0x8f: {  	_ = 	snop  }
0x90: {  	(tm) =	ssettm $0x1  }
0x91: {  	s17 =	sld [smem:$0x3FFB];
	_ =	sdelay $0x3  }
0x92: {  	_ =	strace s17  }
0x93: {  	s2 =	sld [smem:$0x3FFC];
	_ =	sdelay $0x3  }
0x94: {  	_ =	strace s2  }
0x95: {  	s2 =	sld [smem:$0x3FFD];
	_ =	sdelay $0x3  }
0x96: {  	_ =	strace s2  }
0x97: {  	_ =	strace $0x8FFFFFFF  }
0x98: {  	s18 =	sld [smem:$0x3FDB];
	_ =	sdelay $0x1  }
0x99: {  	s19 =	simm.s32 $_scs_section_size  }
0x9a: {  	s4 =	simm.s32 $_size__tile_overlayer_lowered;
	s5 =	simm.s32 $_tile_overlayer_lowered  }
0x9b: {  	s22 =	simm.s32 $0x1BFF;
	s21 =	sshll.u32 s5, $0x1;
	s2 =	sadd.s32 s19, s18  }
0x9c: {  	s6 =	simm.s32 $0x0;
	s20 =	sshll.u32 s4, $0x1;
	s4 =	sadd.s32 s21, s2  }
0x9d: {  	[timem:s6], [sflag:s22] =	dma.local [hbm:s4], s20  }
0x9e: {  	_ =	swait.ge [sflag:s22], s20  }
0x9f: {  	s3 =	ssub.s32 $0x0, s20;
	[sflag:s22] =	ssyncset.done $0x0  }
0xa0: {  	[sflag:s22] =	ssyncadd.s32 s3;
	_ =	sdelay $0x1  }
0xa1: {  	s23 =	simm.s32 $0x1B8B  }
0xa2: {  	_ =	swait.ge [sflag:s23], $0x1  }
0xa3: {  	[sflag:s23] =	ssyncset.done $0x0  }
0xa4: {  	s25 =	simm.s32 $0x1B8E;
	s24 =	sld [smem:$0x3FFE];
	[sflag:s23] =	ssyncadd.s32 $0xFFFFFFFF  }
0xa5: {  	s26 =	simm.s32 $execute0_lowered;
	[smem:$0x3FD2] =	sst s25  }
0xa6: {  	s4 =	sshll.u32 s26, $0x1;
	_ =	strace $0x8000004C;
	[dreg:$0x1] =	wrdreg $0xFFFFFFFF  }
0xa7: {  	s28 =	simm.s32 $_size_execute0_lowered;
	s2 =	sadd.s32 s2, s4;
	[dreg:$0x0] =	wrdreg $0x0  }
0xa8: {  	s4 =	sshll.u32 s28, $0x1;
	[dreg:$0x2] =	wrdreg s2  }
0xa9: {  	[dreg:$0x3] =	wrdreg s4  }
0xaa: {  	[dreg:$0x4] =	wrdreg $0xC0  }
0xab: {  	_ =	task [dreg:s6], $0x5FFFF  }
0xac: {  	[dreg:$0x1] =	wrdreg $0xFFFFFFFF  }
0xad: {  	[dreg:$0x0] =	wrdreg $0x60  }
0xae: {  	[dreg:$0x2] =	wrdreg s24  }
0xaf: {  	[dreg:$0x3] =	wrdreg $0x91000  }
0xb0: {  	[dreg:$0x4] =	wrdreg $0x12F000  }
0xb1: {  	[dreg:$0x5] =	wrdreg $0x9  }
0xb2: {  	_ =	task.clear_ibuf [dreg:s6], $0x6FFFF;
	_ =	strace $0x9000004C  }
0xb3: {  	s29 =	simm.s32 $0x9;
	_ =	strace $0x8000004E  }
0xb4: {  	_ =	swait.ge [sflag:s29], $0x1  }
0xb5: {  	[sflag:s29] =	ssyncadd.s32 $0xFFFFFFFF  }
0xb6: {  	_ =	strace $0x9000004E  }
0xb7: {  	_ =	sfence  }
0xb8: {  	s30 =	sld [smem:$0x0];
	_ =	sdelay $0x2  }
0xb9: {  	s31 =	sshll.u32 s1, $0xD;
	s1 =	sshrl.u32 s1, $0x2  }
0xba: {  	s3 =	sand.u32 $0x4000, s31;
	s1 =	sadd.s32 s1, s30  }
0xbb: {  	s0 =	sor.u32 s3, s0;
	s1 =	sshll.u32 s1, $0x11  }
0xbc: {  	s0 =	sor.u32 s1, s0  }
0xbd: {  	s0 =	sadd.s32 $0x8F2B, s0  }
0xbe: {  	[sflag:s0] =	ssyncadd.remote.s32 $0x1  }
0xbf: {  	_ =	sfence.sel $0xFFFF  }
0xc0: {  	[dreg:$0x0] =	wrdreg $0xFFFFFFFF;
	(pc) =	sbr.abs _section_cstart, $3  }
0xc1: {  	[dreg:$0x1] =	wrdreg $0xFFFFFFFF  }
0xc2: {  	_ =	task.clear_ibuf [dreg:s6], $0x2FFFF;
	_ =	strace $0x9FFFFFFF  }
0xc3: {  	(tm) =	ssettm $0x7FFFFFFF  }
tec
execute0_lowered:
.L_overlay_start_1:
0x0: {  	(tag) =	ssettag $0x1  }
0x1: {  	s0 =	rddreg [dreg:$0x0]  }
0x2: {  	s14 =	stileid.u32;
	s2 =	rddreg [dreg:$0x1]  }
0x3: {  	s1 =	srdreg.scid;
	s3 =	rddreg [dreg:$0x2];
	s4 =	simm.s32 $0x0  }
0x4: {  	s19 =	simm.s32 $0x7;
	s28 =	simm.s32 $0x2;
	s5 =	smul.u32 $0x5000, s14  }
0x5: {  	s29 =	simm.s32 $0x4;
	s30 =	simm.s32 $0x5;
	s7 =	smul.u32 $0x9E00, s14  }
0x6: {  	s31 =	simm.s32 $0x6;
	s1 =	sand.u32 $0x1, s1;
	s9 =	smul.u32 $0x27800, s14  }
0x7: {  	[smem:$0x7FF] =	sst s4;
	s17 =	sadd.s32 $0x2400, s0;
	s26 =	smul.u32 $0xA00, s14  }
0x8: {  	s23 =	sshll.u32 s14, $0x6;
	s6 =	smul.u32 $0x9E000, s1;
	s1 =	ssub.s32 $0x2, s1  }
0x9: {  	_ =	strace $0x8000004D;
	s5 =	sshrl.u32 s5, $0x3;
	s20 =	sshrl.u32 s1, $0x1  }
0xa: {  	s18 =	sadd.s32 s7, s2;
	s21 =	sshrl.u32 s9, $0x2;
	s8 =	sadd.s32 s5, s0  }
0xb: {  	s6 =	sadd.s32 s7, s6;
	s1 =	ssub.s32 s1, s20;
	s11 =	sadd.s32 s21, s3  }
0xc: {  	s7 =	sadd.s32 s7, s3;
	s13 =	sadd.s32 s17, s5;
	s17 =	sadd.s32 s26, s17  }
0xd: {  	s18 =	sshrl.u32 s18, $0x3;
	s20 =	simm.s32 $0x5100;
	s21 =	simm.s32 $0x5000  }
0xe: {  	s26 =	simm.s32 $0x3;
	s6 =	sshrl.u32 s6, $0x3;
	s24 =	sadd.s32 $0x2000, s11  }
0xf: {  	s25 =	sadd.s32 $0x4000, s11;
	s10 =	sadd.s32 $0x6000, s11;
	s11 =	sadd.s32 $0x8000, s11  }
0x10: {  	s12 =	sadd.s32 $0xC400, s8;
	s14 =	sadd.s32 $0x10, s13;
	s16 =	smax.u32 s1, $0x1  }
0x11: {  	s1 =	simm.s32 $0x0;
	s0 =	sadd.s32 s6, s0;
	[dreg:$0x5] =	wrdreg s24  }
0x12: {  	s6 =	sor.u32 $0x1C07, s23;
	[dreg:$0x6] =	wrdreg s25;
	s23 =	simm.s32 $0x5080  }
0x13: {  	s24 =	simm.s32 $0x7100;
	s25 =	simm.s32 $0x1;
	s22 =	sadd.s32 $0x8CC00, s0  }
0x14: {  	v0 =	vimm.f32 $0.0e+00;
	s15 =	sadd.s32 $0xB4400, s0;
	[dreg:$0x4] =	wrdreg s22;
	s22 =	simm.s32 $0x80  }
.LBB2_1:
0x15: {  	s5 =	simm.s32 $0x100;
	s0 =	simm.s32 $0x0  }
.LBB2_2:
0x16: {  	p0 =	sne.s32 s5, $0x7F00;
	[tilespmem:s0+$0x5130] =	vst v0;
	s8 =	smov.u32 s5;
	s5 =	sadd.s32 $0x100, s5  }
.Ltmp0:
0x17: {  	[tilespmem:s0+$0x5120] =	vst v0;
	(pc) =	sbr.rel @p0 .LBB2_2-.Ltmp0, $3  }
0x18: {  	[tilespmem:s0+$0x5100] =	vst v0  }
0x19: {  	[tilespmem:s0+$0x5110] =	vst v0;
	_ =	sdelay $0x1  }
0x1a: {  	s0 =	sshra.s32 s8, $0x2  }
0x1b: {  	[tilespmem:s0+$0x5130] =	vst v0  }
0x1c: {  	[tilespmem:s0+$0x5120] =	vst v0  }
0x1d: {  	[tilespmem:s0+$0x5100] =	vst v0  }
0x1e: {  	[tilespmem:s0+$0x5110] =	vst v0;
	s8 =	rddreg [dreg:$0x4]  }
0x1f: {  	[spmem:s18], [sflag:s6] =	dma.local [hbm:s8], $0x13C0  }
0x20: {  	_ =	swait.ge [sflag:s19], $0x13C0  }
0x21: {  	[sflag:s19] =	ssyncset.done $0x0  }
0x22: {  	[sflag:s19] =	ssyncadd.s32 $0xFFFFEC40  }
0x23: {  	[spmem:s7] =	stream.linear.scatter [tilespmem:s20], [sflag:$0x7], $0x2000, $0x38;
	[tilespmem:$0x1CD00] =	vst v63  }
0x24: {  	_ =	swait.ge [sflag:s19], $0x2000  }
0x25: {  	[sflag:s19] =	ssyncset.done $0x0  }
0x26: {  	s9 =	rddreg [dreg:$0x5];
	[sflag:s19] =	ssyncadd.s32 $0xFFFFE000  }
0x27: {  	[spmem:s9] =	stream.linear.scatter [tilespmem:s20], [sflag:$0x7], $0x2000, $0x38;
	[tilespmem:$0x1CD00] =	vst v63  }
0x28: {  	_ =	swait.ge [sflag:s19], $0x2000  }
0x29: {  	[sflag:s19] =	ssyncset.done $0x0  }
0x2a: {  	s5 =	rddreg [dreg:$0x6];
	[sflag:s19] =	ssyncadd.s32 $0xFFFFE000  }
0x2b: {  	[spmem:s5] =	stream.linear.scatter [tilespmem:s20], [sflag:$0x7], $0x2000, $0x38;
	[tilespmem:$0x1CD00] =	vst v63  }
0x2c: {  	_ =	swait.ge [sflag:s19], $0x2000  }
0x2d: {  	[sflag:s19] =	ssyncset.done $0x0  }
0x2e: {  	[sflag:s19] =	ssyncadd.s32 $0xFFFFE000  }
0x2f: {  	[spmem:s10] =	stream.linear.scatter [tilespmem:s20], [sflag:$0x7], $0x2000, $0x38;
	[tilespmem:$0x1CD00] =	vst v63  }
0x30: {  	_ =	swait.ge [sflag:s19], $0x2000  }
0x31: {  	[sflag:s19] =	ssyncset.done $0x0  }
0x32: {  	[sflag:s19] =	ssyncadd.s32 $0xFFFFE000  }
0x33: {  	[spmem:s11] =	stream.linear.scatter [tilespmem:s20], [sflag:$0x7], $0x1E00, $0x38;
	[tilespmem:$0x1CD00] =	vst v63  }
0x34: {  	_ =	swait.ge [sflag:s19], $0x1E00  }
0x35: {  	[sflag:s19] =	ssyncset.done $0x0  }
0x36: {  	[sflag:s19] =	ssyncadd.s32 $0xFFFFE200  }
0x37: {  	[tilespmem:s4], [sflag:$0x7] =	stream.linear.gather [hbm4b:s12+s4], $0x5000, $0x38;
	[tilespmem:$0x1CD00] =	vst v63  }
0x38: {  	_ =	swait.ge [sflag:s19], $0x5000  }
0x39: {  	[sflag:s19] =	ssyncset.done $0x0  }
0x3a: {  	[sflag:s19] =	ssyncadd.s32 $0xFFFFB000  }
0x3b: {  	[bflag:$0x0] =	sbarrier.arrive $0xFFFF  }
0x3c: {  	[tilespmem:s21], [sflag:$0x1] =	stream.linear.gather [hbm4b:s13+s4], $0x80, $0x38;
	[tilespmem:$0x1CD00] =	vst v63  }
0x3d: {  	_ = 	snop  }
0x3e: {  	[tilespmem:s20], [sflag:$0x3] =	stream.indirect.gather [spmem:s2], $0x40, s4, s22, $0xb8;
	[tilespmem:$0x1CD00] =	vst v63  }
0x3f: {  	_ = 	snop  }
0x40: {  	[tilespmem:s23], [sflag:$0x2] =	stream.linear.gather [hbm4b:s14+s4], $0x80, $0x38;
	[tilespmem:$0x1CD00] =	vst v63  }
0x41: {  	_ = 	snop  }
0x42: {  	[tilespmem:s24], [sflag:$0x4] =	stream.indirect.gather [spmem:s2], $0x40, s22, s22, $0xb8;
	[tilespmem:$0x1CD00] =	vst v63  }
0x43: {  	_ =	swait.ge [sflag:s25], $0x80  }
0x44: {  	[sflag:s25] =	ssyncset.done $0x0  }
0x45: {  	[sflag:s25] =	ssyncadd.s32 $0xFFFFFF80  }
0x46: {  	_ =	swait.ge [sflag:s26], $0x2000  }
0x47: {  	[sflag:s26] =	ssyncset.done $0x0  }
0x48: {  	[sflag:s26] =	ssyncadd.s32 $0xFFFFE000  }
0x49: {  	[spmem:s3] =	stream.indirect.scatter.add.f32 [tilespmem:s20], [sflag:$0x5], $0x40, s21, s22, $0xb8;
	[tilespmem:$0x1CD00] =	vst v63  }
0x4a: {  	_ =	swait.ge [sflag:s28], $0x80  }
0x4b: {  	[sflag:s28] =	ssyncset.done $0x0  }
0x4c: {  	[sflag:s28] =	ssyncadd.s32 $0xFFFFFF80  }
0x4d: {  	_ =	swait.ge [sflag:s29], $0x2000  }
0x4e: {  	[sflag:s29] =	ssyncset.done $0x0  }
0x4f: {  	[sflag:s29] =	ssyncadd.s32 $0xFFFFE000  }
0x50: {  	[spmem:s3] =	stream.indirect.scatter.add.f32 [tilespmem:s24], [sflag:$0x6], $0x40, s23, s22, $0xb8;
	[tilespmem:$0x1CD00] =	vst v63  }
0x51: {  	_ =	swait.ge [sflag:s30], $0x2000  }
0x52: {  	s8 =	sadd.s32 $0xFFFFF620, s17;
	[sflag:s30] =	ssyncset.done $0x0  }
0x53: {  	s5 =	sadd.s32 $0xA00, s8;
	[sflag:s30] =	ssyncadd.s32 $0xFFFFE000  }
0x54: {  	[tilespmem:s21], [sflag:$0x1] =	stream.linear.gather [hbm4b:s5+s4], $0x80, $0x38;
	[tilespmem:$0x1CD00] =	vst v63  }
0x55: {  	s9 =	simm.s32 $0x100  }
0x56: {  	[tilespmem:s20], [sflag:$0x3] =	stream.indirect.gather [spmem:s2], $0x40, s9, s22, $0xb8;
	[tilespmem:$0x1CD00] =	vst v63  }
0x57: {  	_ =	swait.ge [sflag:s31], $0x2000  }
0x58: {  	[sflag:s31] =	ssyncset.done $0x0  }
0x59: {  	s0 =	sadd.s32 $0xA10, s8;
	[sflag:s31] =	ssyncadd.s32 $0xFFFFE000  }
0x5a: {  	[tilespmem:s23], [sflag:$0x2] =	stream.linear.gather [hbm4b:s0+s4], $0x80, $0x38;
	[tilespmem:$0x1CD00] =	vst v63  }
0x5b: {  	s8 =	simm.s32 $0x180;
	s5 =	simm.s32 $0x200;
	s0 =	simm.s32 $0xFFFFF640  }
.LBB2_4:
0x5c: {  	[tilespmem:s24], [sflag:$0x4] =	stream.indirect.gather [spmem:s2], $0x40, s8, s22, $0xb8;
	[tilespmem:$0x1CD00] =	vst v63  }
0x5d: {  	s8 =	smov.u32 s0  }
0x5e: {  	p0 =	sne.s32 s0, $0xFFFFFFE0;
	s0 =	sadd.s32 $0x20, s0;
	_ =	swait.ge [sflag:s25], $0x80  }
0x5f: {  	[sflag:s25] =	ssyncset.done $0x0  }
0x60: {  	[sflag:s25] =	ssyncadd.s32 $0xFFFFFF80  }
0x61: {  	_ =	swait.ge [sflag:s26], $0x2000  }
0x62: {  	[sflag:s26] =	ssyncset.done $0x0  }
0x63: {  	[sflag:s26] =	ssyncadd.s32 $0xFFFFE000  }
0x64: {  	[spmem:s3] =	stream.indirect.scatter.add.f32 [tilespmem:s20], [sflag:$0x5], $0x40, s21, s22, $0xb8;
	[tilespmem:$0x1CD00] =	vst v63  }
0x65: {  	_ =	swait.ge [sflag:s28], $0x80  }
0x66: {  	[sflag:s28] =	ssyncset.done $0x0  }
0x67: {  	[sflag:s28] =	ssyncadd.s32 $0xFFFFFF80  }
0x68: {  	_ =	swait.ge [sflag:s29], $0x2000  }
0x69: {  	[sflag:s29] =	ssyncset.done $0x0  }
0x6a: {  	[sflag:s29] =	ssyncadd.s32 $0xFFFFE000  }
0x6b: {  	[spmem:s3] =	stream.indirect.scatter.add.f32 [tilespmem:s24], [sflag:$0x6], $0x40, s23, s22, $0xb8;
	[tilespmem:$0x1CD00] =	vst v63  }
0x6c: {  	_ =	swait.ge [sflag:s30], $0x2000  }
0x6d: {  	s8 =	sadd.s32 s8, s17;
	[sflag:s30] =	ssyncset.done $0x0  }
0x6e: {  	s9 =	sadd.s32 $0xA00, s8;
	[sflag:s30] =	ssyncadd.s32 $0xFFFFE000  }
0x6f: {  	[tilespmem:s21], [sflag:$0x1] =	stream.linear.gather [hbm4b:s9+s4], $0x80, $0x38;
	[tilespmem:$0x1CD00] =	vst v63  }
0x70: {  	_ = 	snop  }
0x71: {  	[tilespmem:s20], [sflag:$0x3] =	stream.indirect.gather [spmem:s2], $0x40, s5, s22, $0xb8;
	[tilespmem:$0x1CD00] =	vst v63  }
.Ltmp1:
0x72: {  	_ =	swait.ge [sflag:s31], $0x2000;
	(pc) =	sbr.rel @p0 .LBB2_4-.Ltmp1, $4  }
0x73: {  	[sflag:s31] =	ssyncset.done $0x0  }
0x74: {  	s8 =	sadd.s32 $0xA10, s8;
	[sflag:s31] =	ssyncadd.s32 $0xFFFFE000  }
0x75: {  	[tilespmem:s23], [sflag:$0x2] =	stream.linear.gather [hbm4b:s8+s4], $0x80, $0x38;
	[tilespmem:$0x1CD00] =	vst v63  }
0x76: {  	s8 =	sadd.s32 $0x80, s5;
	s5 =	sadd.s32 $0x100, s5  }
0x77: {  	[tilespmem:s24], [sflag:$0x4] =	stream.indirect.gather [spmem:s2], $0x40, s8, s22, $0xb8;
	[tilespmem:$0x1CD00] =	vst v63  }
0x78: {  	_ =	swait.ge [sflag:s25], $0x80  }
0x79: {  	[sflag:s25] =	ssyncset.done $0x0  }
0x7a: {  	[sflag:s25] =	ssyncadd.s32 $0xFFFFFF80  }
0x7b: {  	_ =	swait.ge [sflag:s26], $0x2000  }
0x7c: {  	[sflag:s26] =	ssyncset.done $0x0  }
0x7d: {  	[sflag:s26] =	ssyncadd.s32 $0xFFFFE000  }
0x7e: {  	[spmem:s3] =	stream.indirect.scatter.add.f32 [tilespmem:s20], [sflag:$0x5], $0x40, s21, s22, $0xb8;
	[tilespmem:$0x1CD00] =	vst v63  }
0x7f: {  	_ =	swait.ge [sflag:s28], $0x80  }
0x80: {  	[sflag:s28] =	ssyncset.done $0x0  }
0x81: {  	[sflag:s28] =	ssyncadd.s32 $0xFFFFFF80  }
0x82: {  	_ =	swait.ge [sflag:s29], $0x2000  }
0x83: {  	[sflag:s29] =	ssyncset.done $0x0  }
0x84: {  	[sflag:s29] =	ssyncadd.s32 $0xFFFFE000  }
0x85: {  	[spmem:s3] =	stream.indirect.scatter.add.f32 [tilespmem:s24], [sflag:$0x6], $0x40, s23, s22, $0xb8;
	[tilespmem:$0x1CD00] =	vst v63  }
0x86: {  	_ =	swait.ge [sflag:s30], $0x2000  }
0x87: {  	[sflag:s30] =	ssyncset.done $0x0  }
0x88: {  	[sflag:s30] =	ssyncadd.s32 $0xFFFFE000  }
0x89: {  	_ =	swait.ge [sflag:s31], $0x2000  }
0x8a: {  	s1 =	sadd.s32 $0x1, s1;
	[sflag:s31] =	ssyncset.done $0x0  }
0x8b: {  	p0 =	sne.s32 s1, s16;
	[sflag:s31] =	ssyncadd.s32 $0xFFFFE000  }
.Ltmp2:
0x8c: {  	s0 =	sshrl.u32 s7, $0x3;
	[bflag:$0x0] =	sbarrier.arrive $0xFFFF;
	(pc) =	sbr.rel @p0 .LBB2_1-.Ltmp2, $4  }
0x8d: {  	[hbm:s15], [sflag:s6] =	dma.local [spmem:s0], $0x13C0  }
0x8e: {  	_ =	swait.ge [sflag:s19], $0x13C0  }
0x8f: {  	[sflag:s19] =	ssyncset.done $0x0  }
0x90: {  	[sflag:s19] =	ssyncadd.s32 $0xFFFFEC40  }
0x91: {  	_ =	sfence.sel $0x180000  }
0x92: {  	[bflag:$0x0] =	sbarrier.arrive $0xFFFF  }
0x93: {  	_ =	strace $0x9000004D  }
0x94: {  	s0 =	stileid.u32;
	[bflag:$0x2] =	sbarrier.arrive $0xFFFF  }
0x95: {  	p0 =	sne.s32 s0, $0x0;
	s0 =	rddreg [dreg:$0x3]  }
0x96: {  	s0 =	sadd.s32 @!p0 $0x100000, s0  }
0x97: {  	[sflag:s0] =	ssyncadd.tile.s32 @!p0 $0x1;
	_ =	shalt  }
.Lfunc_end2:
_tile_overlayer_lowered:
.L_overlay_start_2:
0x98: {  	(tag) =	ssettag $0x2  }
0x99: {  	s0 =	rddreg [dreg:$0x0];
	s2 =	stileid.u32  }
0x9a: {  	s1 =	rddreg [dreg:$0x1];
	p0 =	sne.s32 s2, $0x0  }
0x9b: {  	s3 =	rddreg [dreg:$0x2];
	[bflag:$0x3] =	sbarrier.arrive $0xFFFF;
	s2 =	simm.s32 @!p0 $0x1C07  }
0x9c: {  	[timem:s3], [sflag:s2] =	dma.local @!p0 [hbm:s0], s1  }
0x9d: {  	s0 =	simm.s32 @!p0 $0x7  }
0x9e: {  	_ =	swait.ge @!p0 [sflag:s0], s1  }
0x9f: {  	s1 =	ssub.s32 @!p0 $0x0, s1;
	[sflag:s0] =	ssyncset.done @!p0 $0x0  }
0xa0: {  	[sflag:s0] =	ssyncadd.s32 @!p0 s1  }
0xa1: {  	[bflag:$0x3] =	sbarrier.arrive $0xFFFF  }
0xa2: {  	_ =	shalt  }

// kernel: kernel.19.cloned.1.call-start
scs
__scs_entry_jumppad:
0x0: {  	(pc) =	sbr.rel $0x88, $3  }
0x1: {  	(tag) =	ssettag $0x0;
	lr =	simm.s32 $0x1  }
0x2: {  	[smem:$0x3F99] =	sst lr;
	_ =	strace $0xD0000000  }
0x3: {  	_ = 	snop  }
0x4: {  	_ = 	snop  }
0x5: {  	_ = 	snop  }
0x6: {  	_ = 	snop  }
0x7: {  	_ = 	snop  }
__scs_overlays_trampoline_lowered:
0x8: {  	[smem:$0x3FA8] =	sst s0  }
0x9: {  	[smem:$0x3FA9] =	sst s1  }
0xa: {  	[smem:$0x3FAA] =	sst s2  }
0xb: {  	[smem:$0x3FAB] =	sst s3  }
0xc: {  	[smem:$0x3FAC] =	sst s4  }
0xd: {  	[smem:$0x3FAD] =	sst s5  }
0xe: {  	[smem:$0x3FAE] =	sst s6  }
0xf: {  	[smem:$0x3FAF] =	sst s7  }
0x10: {  	[smem:$0x3FB0] =	sst s8  }
0x11: {  	[smem:$0x3FB1] =	sst s9;
	s0 =	simm.s32 @!p0 $0x0  }
0x12: {  	s1 =	sld [smem:$0x3F97];
	s0 =	simm.s32 @p0 $0x1  }
0x13: {  	[smem:$0x3FB2] =	sst s0;
	s0 =	simm.s32 @!p1 $0x0  }
0x14: {  	s2 =	sld [smem:$0x3F96];
	s0 =	simm.s32 @p1 $0x1  }
0x15: {  	[smem:$0x3FB3] =	sst s0;
	s0 =	simm.s32 @!p2 $0x0  }
0x16: {  	s3 =	sld [smem:$0x3FDB];
	s0 =	simm.s32 @p2 $0x1  }
0x17: {  	s4 =	simm.s32 $0x1BF5;
	[smem:$0x3FB5] =	sst s0  }
0x18: {  	s0 =	sld [smem:$0x3F98];
	_ =	swait.ge [sflag:s4], $0x0  }
0x19: {  	s7 =	sld [smem:$0x3F99]  }
0x1a: {  	s8 =	sadd.s32 $0xFFFFE003, lr  }
0x1b: {  	s9 =	sadd.s32 $0xFFFFFEF7, lr;
	s5 =	simm.s32 $0xFFFFFFFF;
	p2 =	slt.u32 s8, $0xFFFFF086  }
0x1c: {  	p1 =	slt.u32 s9, $0xF7A;
	s5 =	simm.s32 @!p2 $0x0  }
0x1d: {  	s5 =	simm.s32 @p1 $0x1;
	p0 =	seq.s32 s7, s2  }
0x1e: {  	s7 =	smul.u32 @!p0 $0xF7A, s2;
	p2 =	seq.s32 @!p0 s5, $0x0  }
0x1f: {  	s9 =	smul.u32 $0xF7A, s1;
	s8 =	simm.s32 @!p0 $0x1BF5;
	p2 =	por !p2, p0  }
0x20: {  	[sflag:s8] =	ssyncset.s32 @!p0 $0xFFFFF086;
	s6 =	sadd.s32 @!p0 s3, s7;
	s7 =	simm.s32 @!p0 $0x108  }
0x21: {  	s3 =	sadd.s32 s3, s9;
	s6 =	sadd.s32 @!p0 $0x88, s6;
	s7 =	simm.s32 @p2 $0x1082  }
0x22: {  	[simem:s7], [sflag:s8] =	dma.local @!p0 [hbm:s6], $0xF7A  }
0x23: {  	s9 =	sor.u32 $0xD0000000, s2;
	s6 =	simm.s32 $0x108;
	_ =	swait.ge @!p0 [sflag:s8], $0x0  }
0x24: {  	s3 =	sadd.s32 $0x88, s3;
	s6 =	simm.s32 @!p1 $0x1082;
	[sflag:s4] =	ssyncset.s32 $0xFFFFF086  }
0x25: {  	[simem:s6], [sflag:s4] =	dma.local [hbm:s3], $0xF7A  }
0x26: {  	[smem:$0x3F99] =	sst s1;
	(tag) =	ssettag s2;
	_ =	strace s9  }
0x27: {  	s1 =	sld [smem:$0x3FA9]  }
0x28: {  	s2 =	sld [smem:$0x3FAA]  }
0x29: {  	s4 =	sld [smem:$0x3FAC]  }
0x2a: {  	p0 =	seq.s32 s5, $0x0;
	s5 =	sld [smem:$0x3FAD]  }
0x2b: {  	s6 =	sld [smem:$0x3FAE]  }
0x2c: {  	s7 =	sld [smem:$0x3FAF]  }
0x2d: {  	s3 =	simm.s32 $0x108;
	s8 =	sld [smem:$0x3FB0]  }
0x2e: {  	s3 =	simm.s32 @!p0 $0x1082;
	s9 =	sld [smem:$0x3FB1]  }
0x2f: {  	lr =	sadd.s32 s0, s3;
	s0 =	sld [smem:$0x3FA8]  }
0x30: {  	s3 =	sld [smem:$0x3FAB]  }
0x31: {  	[smem:$0x3FB4] =	sst s10  }
0x32: {  	s10 =	sld [smem:$0x3FB2];
	_ =	sdelay $0x3  }
0x33: {  	p0 =	seq.s32 s10, $0x1;
	s10 =	sld [smem:$0x3FB4];
	_ =	sdelay $0x3  }
0x34: {  	[smem:$0x3FB4] =	sst s10  }
0x35: {  	s10 =	sld [smem:$0x3FB3];
	_ =	sdelay $0x3  }
0x36: {  	p1 =	seq.s32 s10, $0x1;
	s10 =	sld [smem:$0x3FB4];
	_ =	sdelay $0x3  }
0x37: {  	[smem:$0x3FB4] =	sst s10  }
0x38: {  	s10 =	sld [smem:$0x3FB5]  }
0x39: {  	_ = 	snop;
	(pc) =	sbr.ind lr, $3  }
0x3a: {  	_ = 	snop  }
0x3b: {  	_ = 	snop  }
0x3c: {  	p2 =	seq.s32 s10, $0x1;
	s10 =	sld [smem:$0x3FB4]  }
0x3d: {  	_ =	shalt  }
0x3e: {  	_ =	shalt  }
0x3f: {  	_ =	shalt  }
0x40: {  	_ =	shalt  }
0x41: {  	_ =	shalt  }
0x42: {  	_ =	shalt  }
0x43: {  	_ =	shalt  }
0x44: {  	_ =	shalt  }
0x45: {  	_ =	shalt  }
0x46: {  	_ =	shalt  }
0x47: {  	_ =	shalt  }
0x48: {  	_ =	shalt  }
0x49: {  	_ =	shalt  }
0x4a: {  	_ =	shalt  }
0x4b: {  	_ =	shalt  }
0x4c: {  	_ =	shalt  }
0x4d: {  	_ =	shalt  }
0x4e: {  	_ =	shalt  }
0x4f: {  	_ =	shalt  }
0x50: {  	_ =	shalt  }
0x51: {  	_ =	shalt  }
0x52: {  	_ =	shalt  }
0x53: {  	_ =	shalt  }
0x54: {  	_ =	shalt  }
0x55: {  	_ =	shalt  }
0x56: {  	_ =	shalt  }
0x57: {  	_ =	shalt  }
0x58: {  	_ =	shalt  }
0x59: {  	_ =	shalt  }
0x5a: {  	_ =	shalt  }
0x5b: {  	_ =	shalt  }
0x5c: {  	_ =	shalt  }
0x5d: {  	_ =	shalt  }
0x5e: {  	_ =	shalt  }
0x5f: {  	_ =	shalt  }
0x60: {  	_ =	shalt  }
0x61: {  	_ =	shalt  }
0x62: {  	_ =	shalt  }
0x63: {  	_ =	shalt  }
0x64: {  	_ =	shalt  }
0x65: {  	_ =	shalt  }
0x66: {  	_ =	shalt  }
0x67: {  	_ =	shalt  }
0x68: {  	_ =	shalt  }
0x69: {  	_ =	shalt  }
0x6a: {  	_ =	shalt  }
0x6b: {  	_ =	shalt  }
0x6c: {  	_ =	shalt  }
0x6d: {  	_ =	shalt  }
0x6e: {  	_ =	shalt  }
0x6f: {  	_ =	shalt  }
0x70: {  	_ =	shalt  }
0x71: {  	_ =	shalt  }
0x72: {  	_ =	shalt  }
0x73: {  	_ =	shalt  }
0x74: {  	_ =	shalt  }
0x75: {  	_ =	shalt  }
0x76: {  	_ =	shalt  }
0x77: {  	_ =	shalt  }
0x78: {  	_ =	shalt  }
0x79: {  	_ =	shalt  }
0x7a: {  	_ =	shalt  }
0x7b: {  	_ =	shalt  }
0x7c: {  	_ =	shalt  }
0x7d: {  	_ =	shalt  }
0x7e: {  	_ =	shalt  }
0x7f: {  	_ =	shalt  }
0x80: {  	_ =	shalt  }
0x81: {  	_ =	shalt  }
0x82: {  	_ =	shalt  }
0x83: {  	_ =	shalt  }
0x84: {  	_ =	shalt  }
0x85: {  	_ =	shalt  }
0x86: {  	_ =	shalt  }
0x87: {  	_ =	shalt  }
.Lfunc_end0:
.L_simem_size_0:
called_computation.3_lowered:
.L_overlay_start_0:
0x88: {  	s2 =	sld [smem:$0x3FD9]  }
0x89: {  	s3 =	sld [smem:$0x3FFE];
	_ =	sdelay $0x1  }
0x8a: {  	s1 =	srdreg.scid  }
0x8b: {  	s0 =	sand.u32 $0x1, s1  }
0x8c: {  	s16 =	sshll.u32 s0, $0xA;
	s2 =	sadd.s32 s3, s2  }
0x8d: {  	s2 =	sadd.s32 s2, s16  }
0x8e: {  	[smem:$0x3FC0] =	sst s2  }
0x8f: {  	_ = 	snop  }
0x90: {  	(tm) =	ssettm $0x1  }
0x91: {  	s17 =	sld [smem:$0x3FFB];
	_ =	sdelay $0x3  }
0x92: {  	_ =	strace s17  }
0x93: {  	s2 =	sld [smem:$0x3FFC];
	_ =	sdelay $0x3  }
0x94: {  	_ =	strace s2  }
0x95: {  	s2 =	sld [smem:$0x3FFD];
	_ =	sdelay $0x3  }
0x96: {  	_ =	strace s2  }
0x97: {  	_ =	strace $0x8FFFFFFF  }
0x98: {  	s18 =	sld [smem:$0x3FDB];
	_ =	sdelay $0x1  }
0x99: {  	s19 =	simm.s32 $_scs_section_size  }
0x9a: {  	s4 =	simm.s32 $_size__tile_overlayer_lowered;
	s5 =	simm.s32 $_tile_overlayer_lowered  }
0x9b: {  	s22 =	simm.s32 $0x1BFF;
	s21 =	sshll.u32 s5, $0x1;
	s2 =	sadd.s32 s19, s18  }
0x9c: {  	s6 =	simm.s32 $0x0;
	s20 =	sshll.u32 s4, $0x1;
	s4 =	sadd.s32 s21, s2  }
0x9d: {  	[timem:s6], [sflag:s22] =	dma.local [hbm:s4], s20  }
0x9e: {  	_ =	swait.ge [sflag:s22], s20  }
0x9f: {  	s3 =	ssub.s32 $0x0, s20;
	[sflag:s22] =	ssyncset.done $0x0  }
0xa0: {  	[sflag:s22] =	ssyncadd.s32 s3;
	_ =	sdelay $0x1  }
0xa1: {  	s23 =	simm.s32 $0x1B8B  }
0xa2: {  	_ =	swait.ge [sflag:s23], $0x1  }
0xa3: {  	[sflag:s23] =	ssyncset.done $0x0  }
0xa4: {  	s25 =	simm.s32 $0x1B8E;
	s24 =	sld [smem:$0x3FFE];
	[sflag:s23] =	ssyncadd.s32 $0xFFFFFFFF  }
0xa5: {  	s26 =	simm.s32 $execute0_lowered;
	[smem:$0x3FD2] =	sst s25  }
0xa6: {  	s4 =	sshll.u32 s26, $0x1;
	_ =	strace $0x8000004F;
	[dreg:$0x1] =	wrdreg $0xFFFFFFFF  }
0xa7: {  	s28 =	simm.s32 $_size_execute0_lowered;
	s2 =	sadd.s32 s2, s4;
	[dreg:$0x0] =	wrdreg $0x0  }
0xa8: {  	s4 =	sshll.u32 s28, $0x1;
	[dreg:$0x2] =	wrdreg s2  }
0xa9: {  	[dreg:$0x3] =	wrdreg s4  }
0xaa: {  	[dreg:$0x4] =	wrdreg $0xC0  }
0xab: {  	_ =	task [dreg:s6], $0x5FFFF  }
0xac: {  	[dreg:$0x1] =	wrdreg $0xFFFFFFFF  }
0xad: {  	[dreg:$0x0] =	wrdreg $0x60  }
0xae: {  	[dreg:$0x2] =	wrdreg s24  }
0xaf: {  	[dreg:$0x3] =	wrdreg $0x9  }
0xb0: {  	_ =	task.clear_ibuf [dreg:s6], $0x4FFFF;
	_ =	strace $0x9000004F  }
0xb1: {  	s29 =	simm.s32 $0x9;
	_ =	strace $0x80000051  }
0xb2: {  	_ =	swait.ge [sflag:s29], $0x1  }
0xb3: {  	[sflag:s29] =	ssyncadd.s32 $0xFFFFFFFF  }
0xb4: {  	_ =	strace $0x90000051  }
0xb5: {  	_ =	sfence  }
0xb6: {  	s30 =	sld [smem:$0x0];
	_ =	sdelay $0x2  }
0xb7: {  	s31 =	sshll.u32 s1, $0xD;
	s1 =	sshrl.u32 s1, $0x2  }
0xb8: {  	s3 =	sand.u32 $0x4000, s31;
	s1 =	sadd.s32 s1, s30  }
0xb9: {  	s0 =	sor.u32 s3, s0;
	s1 =	sshll.u32 s1, $0x11  }
0xba: {  	s0 =	sor.u32 s1, s0  }
0xbb: {  	s0 =	sadd.s32 $0x8F2B, s0  }
0xbc: {  	[sflag:s0] =	ssyncadd.remote.s32 $0x1  }
0xbd: {  	_ =	sfence.sel $0xFFFF  }
0xbe: {  	[dreg:$0x0] =	wrdreg $0xFFFFFFFF;
	(pc) =	sbr.abs _section_cstart, $3  }
0xbf: {  	[dreg:$0x1] =	wrdreg $0xFFFFFFFF  }
0xc0: {  	_ =	task.clear_ibuf [dreg:s6], $0x2FFFF;
	_ =	strace $0x9FFFFFFF  }
0xc1: {  	(tm) =	ssettm $0x7FFFFFFF  }
tec
execute0_lowered:
.L_overlay_start_1:
0x0: {  	(tag) =	ssettag $0x1  }
0x1: {  	s1 =	srdreg.scid  }
0x2: {  	s0 =	stileid.u32;
	s4 =	rddreg [dreg:$0x0]  }
0x3: {  	s2 =	simm.s32 $0x0;
	s10 =	simm.s32 $0x2800;
	s11 =	simm.s32 $0x7780  }
0x4: {  	s3 =	sand.u32 $0x1, s1;
	s31 =	sshll.u32 s0, $0x1;
	s1 =	rddreg [dreg:$0x1]  }
0x5: {  	s12 =	simm.s32 $0x0;
	[smem:$0x7FF] =	sst s2;
	s5 =	sor.u32 s3, s31  }
0x6: {  	s7 =	ssub.s32 $0x2, s3;
	_ =	strace $0x80000050;
	s6 =	smul.u32 $0x500, s5  }
0x7: {  	s3 =	sadd.s32 $0x16400, s4;
	s5 =	smul.u32 $0x4F0, s5;
	s8 =	sshrl.u32 s7, $0x1  }
0x8: {  	s7 =	ssub.s32 s7, s8;
	s8 =	simm.s32 $0x5000;
	s6 =	sadd.s32 s6, s4  }
0x9: {  	s9 =	sadd.s32 s5, s4;
	s7 =	smax.u32 s7, $0x1;
	s4 =	sadd.s32 $0xC400, s6  }
0xa: {  	v0 =	vimm.f32 $0.0e+00;
	s5 =	sadd.s32 $0x2400, s6;
	s6 =	sadd.s32 $0x16A00, s9;
	s9 =	simm.s32 $0x1  }
.LBB2_1:
0xb: {  	s13 =	simm.s32 $0x40;
	s14 =	simm.s32 $0x0  }
.LBB2_2:
0xc: {  	p0 =	sne.s32 s13, $0x9DC0;
	[tilespmem:s14+$0x7780] =	vst v0;
	s14 =	smov.u32 s13;
	s13 =	sadd.s32 $0x40, s13  }
.Ltmp0:
0xd: {  	(pc) =	sbr.rel @p0 .LBB2_2-.Ltmp0, $2  }
0xe: {  	_ =	sdelay $0x2  }
0xf: {  	s14 =	sshra.s32 s14, $0x2  }
0x10: {  	[tilespmem:s14+$0x7780] =	vst v0;
	s13 =	simm.s32 $0x0  }
0x11: {  	[tilespmem:s8], [sflag:$0x1] =	stream.linear.gather [hbm4b:s3+s13], $0x2780, $0x38;
	[tilespmem:$0x9F00] =	vst v63  }
0x12: {  	_ =	swait.ge [sflag:s9], $0x2780  }
0x13: {  	[sflag:s9] =	ssyncset.done $0x0  }
0x14: {  	[sflag:s9] =	ssyncadd.s32 $0xFFFFD880  }
0x15: {  	[tilespmem:s13], [sflag:$0x1] =	stream.linear.gather [hbm4b:s4+s13], $0x2800, $0x38;
	[tilespmem:$0x9F00] =	vst v63  }
0x16: {  	_ =	swait.ge [sflag:s9], $0x2800  }
0x17: {  	[sflag:s9] =	ssyncset.done $0x0  }
0x18: {  	[sflag:s9] =	ssyncadd.s32 $0xFFFFD800  }
0x19: {  	[tilespmem:s10], [sflag:$0x1] =	stream.linear.gather [hbm4b:s5+s13], $0x2800, $0x38;
	[tilespmem:$0x9F00] =	vst v63  }
0x1a: {  	_ =	swait.ge [sflag:s9], $0x2800  }
0x1b: {  	[sflag:s9] =	ssyncset.done $0x0  }
0x1c: {  	[sflag:s9] =	ssyncadd.s32 $0xFFFFD800  }
.LBB2_4:
0x1d: {  	s14 =	sshra.s32 s13, $0x2  }
0x1e: {  	v1 =	vld [tilespmem:s14+$0x0];
	_ =	sdelay $0x4  }
0x1f: {  	v2 =	vld [tilespmem:s14+$0x2800];
	_ =	sdelay $0x2  }
0x20: {  	v1 =	vld.idx.msk [tilespmem:v1+s8+$0x0], $0xffff;
	_ =	sdelay $0x4  }
0x21: {  	[tilespmem:v2+s11+$0x0] =	vst.idx.add.f32.msk $0xffff, v1  }
0x22: {  	v1 =	vld [tilespmem:s14+$0x10];
	_ =	sdelay $0x4  }
0x23: {  	v2 =	vld [tilespmem:s14+$0x2810];
	_ =	sdelay $0x2  }
0x24: {  	v1 =	vld.idx.msk [tilespmem:v1+s8+$0x0], $0xffff;
	_ =	sdelay $0x4  }
0x25: {  	[tilespmem:v2+s11+$0x0] =	vst.idx.add.f32.msk $0xffff, v1  }
0x26: {  	v1 =	vld [tilespmem:s14+$0x20];
	_ =	sdelay $0x4  }
0x27: {  	v2 =	vld [tilespmem:s14+$0x2820];
	_ =	sdelay $0x2  }
0x28: {  	v1 =	vld.idx.msk [tilespmem:v1+s8+$0x0], $0xffff;
	_ =	sdelay $0x4  }
0x29: {  	[tilespmem:v2+s11+$0x0] =	vst.idx.add.f32.msk $0xffff, v1  }
0x2a: {  	v1 =	vld [tilespmem:s14+$0x30];
	_ =	sdelay $0x4  }
0x2b: {  	v2 =	vld [tilespmem:s14+$0x2830];
	_ =	sdelay $0x2  }
0x2c: {  	v1 =	vld.idx.msk [tilespmem:v1+s8+$0x0], $0xffff;
	_ =	sdelay $0x4  }
0x2d: {  	[tilespmem:v2+s11+$0x0] =	vst.idx.add.f32.msk $0xffff, v1  }
0x2e: {  	v1 =	vld [tilespmem:s14+$0x40];
	_ =	sdelay $0x4  }
0x2f: {  	v2 =	vld [tilespmem:s14+$0x2840];
	_ =	sdelay $0x2  }
0x30: {  	v1 =	vld.idx.msk [tilespmem:v1+s8+$0x0], $0xffff;
	_ =	sdelay $0x4  }
0x31: {  	[tilespmem:v2+s11+$0x0] =	vst.idx.add.f32.msk $0xffff, v1  }
0x32: {  	v1 =	vld [tilespmem:s14+$0x50];
	_ =	sdelay $0x4  }
0x33: {  	v2 =	vld [tilespmem:s14+$0x2850];
	_ =	sdelay $0x2  }
0x34: {  	v1 =	vld.idx.msk [tilespmem:v1+s8+$0x0], $0xffff;
	_ =	sdelay $0x4  }
0x35: {  	[tilespmem:v2+s11+$0x0] =	vst.idx.add.f32.msk $0xffff, v1  }
0x36: {  	v1 =	vld [tilespmem:s14+$0x60];
	_ =	sdelay $0x4  }
0x37: {  	v2 =	vld [tilespmem:s14+$0x2860];
	_ =	sdelay $0x2  }
0x38: {  	v1 =	vld.idx.msk [tilespmem:v1+s8+$0x0], $0xffff;
	_ =	sdelay $0x4  }
0x39: {  	[tilespmem:v2+s11+$0x0] =	vst.idx.add.f32.msk $0xffff, v1  }
0x3a: {  	v1 =	vld [tilespmem:s14+$0x70];
	_ =	sdelay $0x4  }
0x3b: {  	v2 =	vld [tilespmem:s14+$0x2870];
	_ =	sdelay $0x2  }
0x3c: {  	p0 =	sne.s32 s13, $0x9E00;
	v1 =	vld.idx.msk [tilespmem:v1+s8+$0x0], $0xffff  }
.Ltmp1:
0x3d: {  	_ = 	snop;
	(pc) =	sbr.rel @p0 .LBB2_4-.Ltmp1, $2  }
0x3e: {  	_ =	sdelay $0x2  }
0x3f: {  	s13 =	sadd.s32 $0x200, s13;
	[tilespmem:v2+s11+$0x0] =	vst.idx.add.f32.msk $0xffff, v1  }
0x40: {  	s12 =	sadd.s32 $0x1, s12  }
0x41: {  	p0 =	sne.s32 s12, s7  }
.Ltmp2:
0x42: {  	_ = 	snop;
	(pc) =	sbr.rel @p0 .LBB2_1-.Ltmp2, $4  }
0x43: {  	[hbm4b:s6+s2] =	stream.linear.scatter [tilespmem:s11], [sflag:$0x1], $0x2780, $0x38;
	[tilespmem:$0x9F00] =	vst v63  }
0x44: {  	_ =	swait.ge [sflag:s9], $0x2780  }
0x45: {  	[sflag:s9] =	ssyncset.done $0x0  }
0x46: {  	[sflag:s9] =	ssyncadd.s32 $0xFFFFD880  }
0x47: {  	_ =	sfence.sel $0x180000  }
0x48: {  	[bflag:$0x0] =	sbarrier.arrive $0xFFFF  }
0x49: {  	p0 =	sne.s32 s0, $0x0;
	_ =	strace $0x90000050  }
0x4a: {  	s0 =	sadd.s32 @!p0 $0x100000, s1;
	[bflag:$0x2] =	sbarrier.arrive $0xFFFF  }
0x4b: {  	[sflag:s0] =	ssyncadd.tile.s32 @!p0 $0x1;
	_ =	shalt  }
.Lfunc_end2:
_tile_overlayer_lowered:
.L_overlay_start_2:
0x4c: {  	(tag) =	ssettag $0x2  }
0x4d: {  	s0 =	rddreg [dreg:$0x0];
	s2 =	stileid.u32  }
0x4e: {  	s1 =	rddreg [dreg:$0x1];
	p0 =	sne.s32 s2, $0x0  }
0x4f: {  	s3 =	rddreg [dreg:$0x2];
	[bflag:$0x3] =	sbarrier.arrive $0xFFFF;
	s2 =	simm.s32 @!p0 $0x1C01  }
0x50: {  	[timem:s3], [sflag:s2] =	dma.local @!p0 [hbm:s0], s1  }
0x51: {  	s0 =	simm.s32 @!p0 $0x1  }
0x52: {  	_ =	swait.ge @!p0 [sflag:s0], s1  }
0x53: {  	s1 =	ssub.s32 @!p0 $0x0, s1;
	[sflag:s0] =	ssyncset.done @!p0 $0x0  }
0x54: {  	[sflag:s0] =	ssyncadd.s32 @!p0 s1  }
0x55: {  	[bflag:$0x3] =	sbarrier.arrive $0xFFFF  }
0x56: {  	_ =	shalt  }

</sc_bundles>
